<compile_context>
chip_gen: v7x
topology: tpu7x:2x2x1
jax: 0.10.2.dev20260603
libtpu: 0.0.44.dev20260713+nightly
codegen_flags: <defaults>
</compile_context>

<pallas_src>
import functools

import jax
import jax.numpy as jnp
from jax import lax
from jax.experimental import pallas as pl
from jax.experimental.pallas import tpu as pltpu
from jax.experimental.pallas import tpu_sc as plsc

EMBED = 1024
HEADS = 16
HDIM = EMBED // HEADS
TOPK = 64



def _proj_heads_kernel(x_ref, w_ref, b_ref, o_ref):
    o_ref[0] = (
        jnp.dot(x_ref[...], w_ref[0], preferred_element_type=jnp.float32)
        + b_ref[0]
    )


def _proj_heads(x, w, b, block_m=512):
    m, D = x.shape
    H, DH = HEADS, HDIM
    w3 = w.reshape(D, H, DH).transpose(1, 0, 2)
    b3 = b.reshape(H, 1, DH)
    return pl.pallas_call(
        _proj_heads_kernel,
        grid=(m // block_m, H),
        in_specs=[
            pl.BlockSpec((block_m, D), lambda i, h: (i, 0)),
            pl.BlockSpec((1, D, DH), lambda i, h: (h, 0, 0)),
            pl.BlockSpec((1, 1, DH), lambda i, h: (h, 0, 0)),
        ],
        out_specs=pl.BlockSpec((1, block_m, DH), lambda i, h: (h, i, 0)),
        out_shape=jax.ShapeDtypeStruct((H, m, DH), jnp.float32),
    )(x, w3, b3)




_NCELL = 128


def _scores_kernel(q_ref, k_ref, o_ref, g_ref, *, scale):
    s = (
        lax.dot_general(
            q_ref[0],
            k_ref[0],
            (((1,), (1,)), ((), ())),
            preferred_element_type=jnp.float32,
        )
        * scale
    )
    o_ref[0] = s
    bq, lkv = s.shape
    gm = lax.slice(s, (0, 0), (bq, _NCELL))
    for k in range(1, lkv // _NCELL):
        gm = jnp.maximum(
            gm, lax.slice(s, (0, k * _NCELL), (bq, (k + 1) * _NCELL))
        )
    g_ref[0] = gm


def _scores(q3, k3, B, LQ, LKV, block_q=512):
    H, DH = HEADS, HDIM
    grid = (B, H, LQ // block_q)
    return pl.pallas_call(
        functools.partial(_scores_kernel, scale=1.0 / (DH**0.5)),
        grid=grid,
        in_specs=[
            pl.BlockSpec(
                (1, block_q, DH),
                lambda b, h, i: (h, b * (LQ // block_q) + i, 0),
            ),
            pl.BlockSpec((1, LKV, DH), lambda b, h, i: (h, b, 0)),
        ],
        out_specs=[
            pl.BlockSpec(
                (1, block_q, LKV), lambda b, h, i: (b * HEADS + h, i, 0)
            ),
            pl.BlockSpec(
                (1, block_q, _NCELL), lambda b, h, i: (b * HEADS + h, i, 0)
            ),
        ],
        out_shape=[
            jax.ShapeDtypeStruct((B * H, LQ, LKV), jnp.float32),
            jax.ShapeDtypeStruct((B * H, LQ, _NCELL), jnp.float32),
        ],
    )(q3, k3)




def _vsort_d(x):
    s, _ = plsc.sort_key_val(x, x, descending=True)
    return s


def _rev(x):
    return lax.rev(x, dimensions=(0,))


def _sort64_desc(b0, b1, b2, b3):
    b0, b1, b2, b3 = _vsort_d(b0), _vsort_d(b1), _vsort_d(b2), _vsort_d(b3)

    def merge16(a, c):
        rc = _rev(c)
        return _vsort_d(jnp.maximum(a, rc)), _vsort_d(jnp.minimum(a, rc))

    x0, x1 = merge16(b0, b1)
    y0, y1 = merge16(b2, b3)
    ry0, ry1 = _rev(y1), _rev(y0)
    hi0, hi1 = jnp.maximum(x0, ry0), jnp.maximum(x1, ry1)
    lo0, lo1 = jnp.minimum(x0, ry0), jnp.minimum(x1, ry1)

    def clean32(p0, p1):
        return (
            _vsort_d(jnp.maximum(p0, p1)),
            _vsort_d(jnp.minimum(p0, p1)),
        )

    r0, r1 = clean32(hi0, hi1)
    r2, r3 = clean32(lo0, lo1)
    return r0, r1, r2, r3


def _merge_top64(r0, r1, r2, r3, s0, s1, s2, s3):
    m0 = jnp.maximum(r0, _rev(s3))
    m1 = jnp.maximum(r1, _rev(s2))
    m2 = jnp.maximum(r2, _rev(s1))
    m3 = jnp.maximum(r3, _rev(s0))
    p0, p1 = jnp.maximum(m0, m2), jnp.maximum(m1, m3)
    q0, q1 = jnp.minimum(m0, m2), jnp.minimum(m1, m3)

    def clean32(a, b):
        return (
            _vsort_d(jnp.maximum(a, b)),
            _vsort_d(jnp.minimum(a, b)),
        )

    r0, r1 = clean32(p0, p1)
    r2, r3 = clean32(q0, q1)
    return r0, r1, r2, r3


_SC_CHUNK = 16
def _topk_sc(scores, gmax):
    R, LKV = scores.shape
    n_gmax = gmax.shape[1]
    mesh = plsc.VectorSubcoreMesh(core_axis_name="c", subcore_axis_name="s")
    info = plsc.get_sparse_core_info()
    n_workers = info.num_cores * info.num_subcores
    rows_per_worker = R // n_workers
    n_chunks = rows_per_worker // _SC_CHUNK

    @functools.partial(
        pl.kernel,
        mesh=mesh,
        out_type=jax.ShapeDtypeStruct((R, TOPK), jnp.float32),
        scratch_types=[
            pltpu.VMEM((2, _SC_CHUNK, LKV), jnp.float32),
            pltpu.VMEM((_SC_CHUNK, TOPK), jnp.float32),
            pltpu.VMEM((_SC_CHUNK, n_gmax), jnp.float32),
            pltpu.VMEM((_SC_CHUNK, LKV + TOPK), jnp.float32),
            pltpu.SemaphoreType.DMA((2,)),
        ],
        compiler_params=pltpu.CompilerParams(needs_layout_passes=False),
    )
    def topk_kernel(
        scores_hbm, gmax_hbm, out_hbm, rows2_v, out_v, gmax_v, cand_v, sems
    ):
        wid = lax.axis_index("s") * info.num_cores + lax.axis_index("c")
        base = wid * rows_per_worker

        pltpu.async_copy(
            scores_hbm.at[pl.ds(base, _SC_CHUNK)], rows2_v.at[0], sems.at[0]
        )

        def chunk_body(c, _):
            buf = lax.rem(c, 2)
            row0 = base + c * _SC_CHUNK

            @pl.when(c + 1 < n_chunks)
            def _():
                pltpu.async_copy(
                    scores_hbm.at[pl.ds(row0 + _SC_CHUNK, _SC_CHUNK)],
                    rows2_v.at[1 - buf],
                    sems.at[1 - buf],
                )

            pltpu.sync_copy(gmax_hbm.at[pl.ds(row0, _SC_CHUNK)], gmax_v)
            pltpu.make_async_copy(
                scores_hbm.at[pl.ds(row0, _SC_CHUNK)],
                rows2_v.at[buf],
                sems.at[buf],
            ).wait()

            @plsc.parallel_loop(0, _SC_CHUNK, 1, unroll=3)
            def row_body(r):
                def ld64(ref, base_el):
                    return (
                        ref[r, pl.ds(base_el, 16)],
                        ref[r, pl.ds(base_el + 16, 16)],
                        ref[r, pl.ds(base_el + 32, 16)],
                        ref[r, pl.ds(base_el + 48, 16)],
                    )

                g0, g1, g2, g3 = ld64(gmax_v, 0)
                r0, r1, r2, r3 = _sort64_desc(g0, g1, g2, g3)

                def t_body(bi, carry):
                    r0, r1, r2, r3 = carry
                    b0, b1, b2, b3 = ld64(gmax_v, bi * 64)
                    s0, s1, s2, s3 = _sort64_desc(b0, b1, b2, b3)
                    return _merge_top64(r0, r1, r2, r3, s0, s1, s2, s3)

                r0, r1, r2, r3 = lax.fori_loop(
                    1, n_gmax // 64, t_body, (r0, r1, r2, r3)
                )
                t0 = jnp.min(r3)

                def c_body(j, cnt):
                    xs, msks, pcs = [], [], []
                    for u in range(8):
                        x = rows2_v[buf, r, pl.ds(j * 128 + u * 16, 16)]
                        msk = x >= t0
                        xs.append(x)
                        msks.append(msk)
                        pcs.append(
                            plsc.all_reduce_population_count(msk)[0]
                        )
                    offs = [cnt]
                    for u in range(8):
                        offs.append(offs[-1] + pcs[u])
                    for u in range(8):
                        plsc.store_compressed(
                            cand_v.at[r, pl.ds(offs[u], 16)],
                            xs[u],
                            mask=msks[u],
                        )
                    return offs[-1]

                cnt = lax.fori_loop(0, LKV // 128, c_body, 0)

                neg = jnp.full((16,), -jnp.inf, dtype=jnp.float32)
                cand_v[r, pl.ds(cnt, 16)] = neg
                cand_v[r, pl.ds(cnt + 16, 16)] = neg
                cand_v[r, pl.ds(cnt + 32, 16)] = neg
                cand_v[r, pl.ds(cnt + 48, 16)] = neg

                b0, b1, b2, b3 = ld64(cand_v, 0)
                r0, r1, r2, r3 = _sort64_desc(b0, b1, b2, b3)
                t = jnp.min(r3)
                nb = (cnt + 63) // 64

                def batch_body(bi, carry):
                    r0, r1, r2, r3, t = carry
                    b0, b1, b2, b3 = ld64(cand_v, bi * 64)
                    bmax = jnp.max(
                        jnp.maximum(jnp.maximum(b0, b1), jnp.maximum(b2, b3))
                    )

                    def do_merge(args):
                        r0, r1, r2, r3, b0, b1, b2, b3 = args
                        s0, s1, s2, s3 = _sort64_desc(b0, b1, b2, b3)
                        n0, n1, n2, n3 = _merge_top64(
                            r0, r1, r2, r3, s0, s1, s2, s3
                        )
                        return n0, n1, n2, n3, jnp.min(n3)

                    def no_merge(args):
                        r0, r1, r2, r3, b0, b1, b2, b3 = args
                        return r0, r1, r2, r3, t

                    return lax.cond(
                        bmax > t,
                        do_merge,
                        no_merge,
                        (r0, r1, r2, r3, b0, b1, b2, b3),
                    )

                r0, r1, r2, r3, t = lax.fori_loop(
                    1, nb, batch_body, (r0, r1, r2, r3, t)
                )
                out_v[r, pl.ds(0, 16)] = r0
                out_v[r, pl.ds(16, 16)] = r1
                out_v[r, pl.ds(32, 16)] = r2
                out_v[r, pl.ds(48, 16)] = r3

            pltpu.sync_copy(out_v, out_hbm.at[pl.ds(row0, _SC_CHUNK)])
            return ()

        lax.fori_loop(0, n_chunks, chunk_body, ())

    return topk_kernel(scores, gmax)




def _attend_kernel(q_ref, k_ref, tk_ref, v_ref, att_ref, sm_ref, *, scale):
    tv = tk_ref[0]
    m = tv[:, 0:1]
    e = jnp.exp(tv - m)
    denom = jnp.sum(e, axis=1, keepdims=True)
    thr = tv[:, TOPK - 1 :]
    sm_ref[0] = e / denom
    s = (
        lax.dot_general(
            q_ref[0],
            k_ref[0],
            (((1,), (1,)), ((), ())),
            preferred_element_type=jnp.float32,
        )
        * scale
    )
    p = jnp.where(s >= thr, jnp.exp(s - m), 0.0) / denom
    att_ref[0] = jnp.dot(p, v_ref[0], preferred_element_type=jnp.float32)


def _attend(q3, k3, topk, v3, B, LQ, LKV, block_q=512):
    H, DH = HEADS, HDIM
    BH = B * H
    grid = (BH, LQ // block_q)
    nblk = LQ // block_q
    return pl.pallas_call(
        functools.partial(_attend_kernel, scale=1.0 / (DH**0.5)),
        grid=grid,
        in_specs=[
            pl.BlockSpec(
                (1, block_q, DH),
                lambda bh, i: (bh % HEADS, (bh // HEADS) * nblk + i, 0),
            ),
            pl.BlockSpec(
                (1, LKV, DH), lambda bh, i: (bh % HEADS, bh // HEADS, 0)
            ),
            pl.BlockSpec((1, block_q, TOPK), lambda bh, i: (bh, i, 0)),
            pl.BlockSpec(
                (1, LKV, DH), lambda bh, i: (bh % HEADS, bh // HEADS, 0)
            ),
        ],
        out_specs=[
            pl.BlockSpec((1, block_q, DH), lambda bh, i: (bh, i, 0)),
            pl.BlockSpec((1, block_q, TOPK), lambda bh, i: (bh, i, 0)),
        ],
        out_shape=[
            jax.ShapeDtypeStruct((BH, LQ, DH), jnp.float32),
            jax.ShapeDtypeStruct((BH, LQ, TOPK), jnp.float32),
        ],
    )(q3, k3, topk, v3)




def _out_proj_kernel(a_ref, w_ref, b_ref, o_ref):
    h = pl.program_id(2)

    @pl.when(h == 0)
    def _():
        o_ref[...] = jnp.broadcast_to(b_ref[...], o_ref.shape)

    o_ref[...] += jnp.dot(
        a_ref[0, 0], w_ref[0], preferred_element_type=jnp.float32
    )


def _out_proj(att, Wo, bo, B, LQ, block_m=512):
    H, DH, D = HEADS, HDIM, EMBED
    att4 = att.reshape(B, H, LQ, DH)
    wo3 = Wo.reshape(H, DH, D)
    grid = (B, LQ // block_m, H)
    return pl.pallas_call(
        _out_proj_kernel,
        grid=grid,
        in_specs=[
            pl.BlockSpec((1, 1, block_m, DH), lambda b, i, h: (b, h, i, 0)),
            pl.BlockSpec((1, DH, D), lambda b, i, h: (h, 0, 0)),
            pl.BlockSpec((D,), lambda b, i, h: (0,)),
        ],
        out_specs=pl.BlockSpec(
            (1, block_m, D), lambda b, i, h: (b, i, 0)
        ),
        out_shape=jax.ShapeDtypeStruct((B, LQ, D), jnp.float32),
    )(att4, wo3, bo)




def kernel(local_feat, global_feat, Wq, bq, Wk, bk, Wv, bv, Wo, bo):
    B, LQ, D = local_feat.shape
    LKV = global_feat.shape[1]
    H = HEADS

    q3 = _proj_heads(local_feat.reshape(B * LQ, D), Wq, bq)
    k3 = _proj_heads(global_feat.reshape(B * LKV, D), Wk, bk)
    v3 = _proj_heads(global_feat.reshape(B * LKV, D), Wv, bv)

    scores, gmax = _scores(q3, k3, B, LQ, LKV)

    topk = _topk_sc(
        scores.reshape(B * H * LQ, LKV), gmax.reshape(B * H * LQ, _NCELL)
    ).reshape(B * H, LQ, TOPK)

    att, sm = _attend(q3, k3, topk, v3, B, LQ, LKV)

    output = _out_proj(att, Wo, bo, B, LQ)
    return (output, sm.reshape(B, H, LQ, TOPK))

# --- scband reference (transcript-rebuilt; emitter-appended) ---
"""Pipeline reference for scband-multi-head-attention-top-k-50362786513339 (READ-ONLY COPY).

The authoritative reference and input builder live on the scoring server;
editing this copy changes nothing except your own understanding.
"""

import jax, jax.numpy as jnp
import numpy as np

EMBED_DIM = 1024
NUM_HEADS = 16
HEAD_DIM = EMBED_DIM // NUM_HEADS
K = 64


def setup_inputs(seed: int = 0) -> dict:
    key = jax.random.key(seed)
    ks = jax.random.split(key, 12)
    B, LQ, LKV, D = 2, 2048, 2048, EMBED_DIM
    s = 1.0 / np.sqrt(D)
    return {
        "local_feat": jax.random.normal(ks[0], (B, LQ, D), dtype=jnp.float32),
        "global_feat": jax.random.normal(ks[1], (B, LKV, D), dtype=jnp.float32),
        "Wq": jax.random.normal(ks[2], (D, D), dtype=jnp.float32) * s,
        "bq": jnp.zeros((D,), dtype=jnp.float32),
        "Wk": jax.random.normal(ks[3], (D, D), dtype=jnp.float32) * s,
        "bk": jnp.zeros((D,), dtype=jnp.float32),
        "Wv": jax.random.normal(ks[4], (D, D), dtype=jnp.float32) * s,
        "bv": jnp.zeros((D,), dtype=jnp.float32),
        "Wo": jax.random.normal(ks[5], (D, D), dtype=jnp.float32) * s,
        "bo": jnp.zeros((D,), dtype=jnp.float32),
    }


def reference(local_feat, global_feat, Wq, bq, Wk, bk, Wv, bv, Wo, bo):
    B, LQ, D = local_feat.shape
    LKV = global_feat.shape[1]
    H, DH = NUM_HEADS, HEAD_DIM

    q = local_feat @ Wq + bq
    kk = global_feat @ Wk + bk
    v = global_feat @ Wv + bv

    q = q.reshape(B, LQ, H, DH).transpose(0, 2, 1, 3)
    kk = kk.reshape(B, LKV, H, DH).transpose(0, 2, 1, 3)
    v = v.reshape(B, LKV, H, DH).transpose(0, 2, 1, 3)

    attn_scores = jnp.einsum("bhqd,bhkd->bhqk", q, kk) / (DH ** 0.5)

    topk_values, topk_indices = jax.lax.top_k(attn_scores, K)  # (B,H,LQ,K)

    # gather value rows per (batch, head): v[b,h][idx] -> (LQ, K, DH)
    gather = lambda vv, idx: vv[idx]
    topk_global_feat = jax.vmap(jax.vmap(gather))(v, topk_indices)  # (B,H,LQ,K,DH)

    topk_values = jax.nn.softmax(topk_values, axis=-1)
    attended = jnp.sum(topk_values[..., None] * topk_global_feat, axis=-2)  # (B,H,LQ,DH)
    attended = attended.transpose(0, 2, 1, 3).reshape(B, LQ, H * DH)
    output = attended @ Wo + bo
    return (output, topk_values)

if __name__ == "__main__":
    import jax
    _d = setup_inputs()
    print(jax.jit(kernel)(*tuple(_d.values())))

</pallas_src>

<mosaic_0001>
#map = affine_map<(d0, d1) -> (0, 0)>
module attributes {stable_mosaic.version = 14 : i64} {
  func.func @topk_kernel(%arg0: i32, %arg1: i32, %arg2: memref<65536x2048xf32, #tpu.memory_space<hbm>>, %arg3: memref<65536x128xf32, #tpu.memory_space<hbm>>, %arg4: memref<65536x64xf32, #tpu.memory_space<hbm>>, %arg5: memref<2x16x2048xf32, #tpu.memory_space<vmem>>, %arg6: memref<16x64xf32, #tpu.memory_space<vmem>>, %arg7: memref<16x128xf32, #tpu.memory_space<vmem>>, %arg8: memref<16x2112xf32, #tpu.memory_space<vmem>>, %arg9: memref<2x!tpu.dma_semaphore, #tpu.memory_space<semaphore_mem>>) attributes {dimension_semantics = [#tpu.dimension_semantics<core_parallel>, #tpu.dimension_semantics<subcore_parallel>], iteration_bounds = array<i64: 2, 16>, scalar_prefetch = 0 : i64, scratch_operands = 5 : i64, tpu.core_type = #tpu.core_type<sc_vector_subcore>, window_params = [{transform_indices = #map}, {transform_indices = #map}, {transform_indices = #map}]} {
    %mul3A = arith.constant 2 : i32
    %mul3A_0 = arith.muli %arg1, %mul3A : i32
    %add3A = arith.addi %mul3A_0, %arg0 : i32
    %mul3A_1 = arith.constant 2048 : i32
    %mul3A_2 = arith.muli %add3A, %mul3A_1 : i32
    %dma_start3A = arith.constant 0 : i32
    %dma_start3A_3 = arith.constant 0 : i32
    %dma_start3A_4 = arith.constant 0 : i32
    %dma_start3A_5 = arith.constant 0 : i32
    %dma_start3A_6 = tpu.memref_slice %arg5[%dma_start3A, %dma_start3A_4, %dma_start3A_5] : memref<2x16x2048xf32, #tpu.memory_space<vmem>> -> memref<1x16x2048xf32, #tpu.memory_space<vmem>>
    %dma_start3A_7 = tpu.memref_squeeze %dma_start3A_6 : memref<1x16x2048xf32, #tpu.memory_space<vmem>> -> memref<16x2048xf32, #tpu.memory_space<vmem>>
    %dma_start3A_8 = arith.constant 0 : i32
    %dma_start3A_9 = tpu.memref_slice %arg2[%mul3A_2, %dma_start3A_8] : memref<65536x2048xf32, #tpu.memory_space<hbm>> -> memref<16x2048xf32, #tpu.memory_space<hbm>>
    %dma_start3A_10 = tpu.memref_slice %arg9[%dma_start3A_3] : memref<2x!tpu.dma_semaphore, #tpu.memory_space<semaphore_mem>> -> memref<1x!tpu.dma_semaphore, #tpu.memory_space<semaphore_mem>>
    %dma_start3A_11 = tpu.memref_squeeze %dma_start3A_10 : memref<1x!tpu.dma_semaphore, #tpu.memory_space<semaphore_mem>> -> memref<!tpu.dma_semaphore, #tpu.memory_space<semaphore_mem>>
    %dma_start3A_12 = arith.constant 0 : i32
    %dma_start3A_13 = arith.constant 0 : i32
    %dma_start3A_14 = tpu.memref_slice %arg5[%dma_start3A, %dma_start3A_12, %dma_start3A_13] : memref<2x16x2048xf32, #tpu.memory_space<vmem>> -> memref<1x16x2048xf32, #tpu.memory_space<vmem>>
    %dma_start3A_15 = tpu.memref_squeeze %dma_start3A_14 : memref<1x16x2048xf32, #tpu.memory_space<vmem>> -> memref<16x2048xf32, #tpu.memory_space<vmem>>
    %dma_start3A_16 = arith.constant 0 : i32
    %dma_start3A_17 = tpu.memref_slice %arg2[%mul3A_2, %dma_start3A_16] : memref<65536x2048xf32, #tpu.memory_space<hbm>> -> memref<16x2048xf32, #tpu.memory_space<hbm>>
    tpu.enqueue_dma source(%dma_start3A_17 : memref<16x2048xf32, #tpu.memory_space<hbm>>) target(%dma_start3A_15 : memref<16x2048xf32, #tpu.memory_space<vmem>>) target_semaphore(%dma_start3A_11 : memref<!tpu.dma_semaphore, #tpu.memory_space<semaphore_mem>>)
    %scan3A = arith.constant 0 : i32
    %scan3A_18 = arith.constant 128 : i32
    %scan3A_19 = arith.addi %scan3A, %scan3A_18 : i32
    %scan3A_20 = arith.constant 1 : i32
    scf.for %scan3A_22 = %scan3A to %scan3A_19 step %scan3A_20  : i32 {
      %rem3A = arith.constant 2 : i32
      %rem3A_23 = arith.remsi %scan3A_22, %rem3A : i32
      %mul3A_24 = arith.constant 16 : i32
      %mul3A_25 = arith.muli %scan3A_22, %mul3A_24 : i32
      %add3A_26 = arith.addi %mul3A_2, %mul3A_25 : i32
      %add3A_27 = arith.constant 1 : i32
      %add3A_28 = arith.addi %scan3A_22, %add3A_27 : i32
      %lt3A = arith.constant 128 : i32
      %lt3A_29 = arith.cmpi slt, %add3A_28, %lt3A : i32
      %convert_element_type3A = arith.extui %lt3A_29 : i1 to i32
      %cond3A = arith.constant 0 : i32
      %cond3A_30 = arith.cmpi ne, %convert_element_type3A, %cond3A : i32
      scf.if %cond3A_30 {
        %add3A_46 = arith.constant 16 : i32
        %add3A_47 = arith.addi %add3A_26, %add3A_46 : i32
        %sub3A = arith.constant 1 : i32
        %sub3A_48 = arith.subi %sub3A, %rem3A_23 : i32
        %sub3A_49 = arith.constant 1 : i32
        %sub3A_50 = arith.subi %sub3A_49, %rem3A_23 : i32
        %dma_start3A_51 = arith.constant 0 : i32
        %dma_start3A_52 = arith.constant 0 : i32
        %dma_start3A_53 = tpu.memref_slice %arg5[%sub3A_48, %dma_start3A_51, %dma_start3A_52] : memref<2x16x2048xf32, #tpu.memory_space<vmem>> -> memref<1x16x2048xf32, #tpu.memory_space<vmem>>
        %dma_start3A_54 = tpu.memref_squeeze %dma_start3A_53 : memref<1x16x2048xf32, #tpu.memory_space<vmem>> -> memref<16x2048xf32, #tpu.memory_space<vmem>>
        %dma_start3A_55 = arith.constant 0 : i32
        %dma_start3A_56 = tpu.memref_slice %arg2[%add3A_47, %dma_start3A_55] : memref<65536x2048xf32, #tpu.memory_space<hbm>> -> memref<16x2048xf32, #tpu.memory_space<hbm>>
        %dma_start3A_57 = tpu.memref_slice %arg9[%sub3A_50] : memref<2x!tpu.dma_semaphore, #tpu.memory_space<semaphore_mem>> -> memref<1x!tpu.dma_semaphore, #tpu.memory_space<semaphore_mem>>
        %dma_start3A_58 = tpu.memref_squeeze %dma_start3A_57 : memref<1x!tpu.dma_semaphore, #tpu.memory_space<semaphore_mem>> -> memref<!tpu.dma_semaphore, #tpu.memory_space<semaphore_mem>>
        %dma_start3A_59 = arith.constant 0 : i32
        %dma_start3A_60 = arith.constant 0 : i32
        %dma_start3A_61 = tpu.memref_slice %arg5[%sub3A_48, %dma_start3A_59, %dma_start3A_60] : memref<2x16x2048xf32, #tpu.memory_space<vmem>> -> memref<1x16x2048xf32, #tpu.memory_space<vmem>>
        %dma_start3A_62 = tpu.memref_squeeze %dma_start3A_61 : memref<1x16x2048xf32, #tpu.memory_space<vmem>> -> memref<16x2048xf32, #tpu.memory_space<vmem>>
        %dma_start3A_63 = arith.constant 0 : i32
        %dma_start3A_64 = tpu.memref_slice %arg2[%add3A_47, %dma_start3A_63] : memref<65536x2048xf32, #tpu.memory_space<hbm>> -> memref<16x2048xf32, #tpu.memory_space<hbm>>
        tpu.enqueue_dma source(%dma_start3A_64 : memref<16x2048xf32, #tpu.memory_space<hbm>>) target(%dma_start3A_62 : memref<16x2048xf32, #tpu.memory_space<vmem>>) target_semaphore(%dma_start3A_58 : memref<!tpu.dma_semaphore, #tpu.memory_space<semaphore_mem>>)
      } else {
      }
      "tpu.region"() ({
        %run_scoped3A = tpu.sem_alloc : memref<!tpu.dma_semaphore, #tpu.memory_space<semaphore_mem>>
        %dma_start3A_46 = arith.constant 0 : i32
        %dma_start3A_47 = tpu.memref_slice %arg3[%add3A_26, %dma_start3A_46] : memref<65536x128xf32, #tpu.memory_space<hbm>> -> memref<16x128xf32, #tpu.memory_space<hbm>>
        %dma_start3A_48 = arith.constant 0 : i32
        %dma_start3A_49 = tpu.memref_slice %arg3[%add3A_26, %dma_start3A_48] : memref<65536x128xf32, #tpu.memory_space<hbm>> -> memref<16x128xf32, #tpu.memory_space<hbm>>
        tpu.enqueue_dma source(%dma_start3A_49 : memref<16x128xf32, #tpu.memory_space<hbm>>) target(%arg7 : memref<16x128xf32, #tpu.memory_space<vmem>>) target_semaphore(%run_scoped3A : memref<!tpu.dma_semaphore, #tpu.memory_space<semaphore_mem>>)
        %dma_wait3A_50 = arith.constant 0 : i32
        %dma_wait3A_51 = tpu.memref_slice %arg3[%add3A_26, %dma_wait3A_50] : memref<65536x128xf32, #tpu.memory_space<hbm>> -> memref<16x128xf32, #tpu.memory_space<hbm>>
        %dma_wait3A_52 = arith.constant 0 : i32
        %dma_wait3A_53 = tpu.memref_slice %arg3[%add3A_26, %dma_wait3A_52] : memref<65536x128xf32, #tpu.memory_space<hbm>> -> memref<16x128xf32, #tpu.memory_space<hbm>>
        tpu.wait_dma2 semaphore(%run_scoped3A : memref<!tpu.dma_semaphore, #tpu.memory_space<semaphore_mem>>) src(%dma_wait3A_53 : memref<16x128xf32, #tpu.memory_space<hbm>>) dst(%arg7 : memref<16x128xf32, #tpu.memory_space<vmem>>)
        tpu.yield
      }) : () -> ()
      %dma_wait3A = arith.constant 0 : i32
      %dma_wait3A_31 = arith.constant 0 : i32
      %dma_wait3A_32 = tpu.memref_slice %arg5[%rem3A_23, %dma_wait3A, %dma_wait3A_31] : memref<2x16x2048xf32, #tpu.memory_space<vmem>> -> memref<1x16x2048xf32, #tpu.memory_space<vmem>>
      %dma_wait3A_33 = tpu.memref_squeeze %dma_wait3A_32 : memref<1x16x2048xf32, #tpu.memory_space<vmem>> -> memref<16x2048xf32, #tpu.memory_space<vmem>>
      %dma_wait3A_34 = arith.constant 0 : i32
      %dma_wait3A_35 = tpu.memref_slice %arg2[%add3A_26, %dma_wait3A_34] : memref<65536x2048xf32, #tpu.memory_space<hbm>> -> memref<16x2048xf32, #tpu.memory_space<hbm>>
      %dma_wait3A_36 = tpu.memref_slice %arg9[%rem3A_23] : memref<2x!tpu.dma_semaphore, #tpu.memory_space<semaphore_mem>> -> memref<1x!tpu.dma_semaphore, #tpu.memory_space<semaphore_mem>>
      %dma_wait3A_37 = tpu.memref_squeeze %dma_wait3A_36 : memref<1x!tpu.dma_semaphore, #tpu.memory_space<semaphore_mem>> -> memref<!tpu.dma_semaphore, #tpu.memory_space<semaphore_mem>>
      %dma_wait3A_38 = arith.constant 0 : i32
      %dma_wait3A_39 = arith.constant 0 : i32
      %dma_wait3A_40 = tpu.memref_slice %arg5[%rem3A_23, %dma_wait3A_38, %dma_wait3A_39] : memref<2x16x2048xf32, #tpu.memory_space<vmem>> -> memref<1x16x2048xf32, #tpu.memory_space<vmem>>
      %dma_wait3A_41 = tpu.memref_squeeze %dma_wait3A_40 : memref<1x16x2048xf32, #tpu.memory_space<vmem>> -> memref<16x2048xf32, #tpu.memory_space<vmem>>
      %dma_wait3A_42 = arith.constant 0 : i32
      %dma_wait3A_43 = tpu.memref_slice %arg2[%add3A_26, %dma_wait3A_42] : memref<65536x2048xf32, #tpu.memory_space<hbm>> -> memref<16x2048xf32, #tpu.memory_space<hbm>>
      tpu.wait_dma2 semaphore(%dma_wait3A_37 : memref<!tpu.dma_semaphore, #tpu.memory_space<semaphore_mem>>) src(%dma_wait3A_43 : memref<16x2048xf32, #tpu.memory_space<hbm>>) dst(%dma_wait3A_41 : memref<16x2048xf32, #tpu.memory_space<vmem>>)
      %parallel_loop3A = arith.constant 0 : i32
      %parallel_loop3A_44 = arith.constant 16 : i32
      %parallel_loop3A_45 = arith.constant 1 : i32
      scf.for %parallel_loop3A_46 = %parallel_loop3A to %parallel_loop3A_44 step %parallel_loop3A_45  : i32 {
        %parallel_loop3A_47 = arith.index_cast %parallel_loop3A_46 : i32 to index
        %parallel_loop3A_48 = arith.constant 0 : index
        %parallel_loop3A_49 = tpu.vector_load %arg7[%parallel_loop3A_47, %parallel_loop3A_48] {strides = array<i32>} : memref<16x128xf32, #tpu.memory_space<vmem>>, vector<16xf32>,
        %parallel_loop3A_50 = arith.index_cast %parallel_loop3A_46 : i32 to index
        %parallel_loop3A_51 = arith.constant 16 : index
        %parallel_loop3A_52 = tpu.vector_load %arg7[%parallel_loop3A_50, %parallel_loop3A_51] {strides = array<i32>} : memref<16x128xf32, #tpu.memory_space<vmem>>, vector<16xf32>,
        %parallel_loop3A_53 = arith.index_cast %parallel_loop3A_46 : i32 to index
        %parallel_loop3A_54 = arith.constant 32 : index
        %parallel_loop3A_55 = tpu.vector_load %arg7[%parallel_loop3A_53, %parallel_loop3A_54] {strides = array<i32>} : memref<16x128xf32, #tpu.memory_space<vmem>>, vector<16xf32>,
        %parallel_loop3A_56 = arith.index_cast %parallel_loop3A_46 : i32 to index
        %parallel_loop3A_57 = arith.constant 48 : index
        %parallel_loop3A_58 = tpu.vector_load %arg7[%parallel_loop3A_56, %parallel_loop3A_57] {strides = array<i32>} : memref<16x128xf32, #tpu.memory_space<vmem>>, vector<16xf32>,
        %parallel_loop3A_59 = arith.constant dense<true> : vector<16xi1>
        %parallel_loop3A_60, %parallel_loop3A_61, %parallel_loop3A_62 = tpu.sort %parallel_loop3A_49, %parallel_loop3A_49 masked %parallel_loop3A_59 {descending = true} : (vector<16xf32>, vector<16xf32>, vector<16xi1>) -> (vector<16xi1>, vector<16xf32>, vector<16xf32>)
        %parallel_loop3A_63 = arith.constant dense<true> : vector<16xi1>
        %parallel_loop3A_64, %parallel_loop3A_65, %parallel_loop3A_66 = tpu.sort %parallel_loop3A_52, %parallel_loop3A_52 masked %parallel_loop3A_63 {descending = true} : (vector<16xf32>, vector<16xf32>, vector<16xi1>) -> (vector<16xi1>, vector<16xf32>, vector<16xf32>)
        %parallel_loop3A_67 = arith.constant dense<true> : vector<16xi1>
        %parallel_loop3A_68, %parallel_loop3A_69, %parallel_loop3A_70 = tpu.sort %parallel_loop3A_55, %parallel_loop3A_55 masked %parallel_loop3A_67 {descending = true} : (vector<16xf32>, vector<16xf32>, vector<16xi1>) -> (vector<16xi1>, vector<16xf32>, vector<16xf32>)
        %parallel_loop3A_71 = arith.constant dense<true> : vector<16xi1>
        %parallel_loop3A_72, %parallel_loop3A_73, %parallel_loop3A_74 = tpu.sort %parallel_loop3A_58, %parallel_loop3A_58 masked %parallel_loop3A_71 {descending = true} : (vector<16xf32>, vector<16xf32>, vector<16xi1>) -> (vector<16xi1>, vector<16xf32>, vector<16xf32>)
        %parallel_loop3A_75 = arith.constant 15 : i32
        %parallel_loop3A_76 = vector.broadcast %parallel_loop3A_75 : i32 to vector<16xi32>
        %parallel_loop3A_77 = tpu.iota {dimensions = array<i32: 0>} : vector<16xi32>
        %parallel_loop3A_78 = arith.subi %parallel_loop3A_76, %parallel_loop3A_77 : vector<16xi32>
        %parallel_loop3A_79 = tpu.dynamic_gather %parallel_loop3A_65[%parallel_loop3A_78] in [0] : vector<16xf32>, vector<16xi32> -> vector<16xf32>
        %parallel_loop3A_80 = arith.maximumf %parallel_loop3A_61, %parallel_loop3A_79 : vector<16xf32>
        %parallel_loop3A_81 = arith.constant dense<true> : vector<16xi1>
        %parallel_loop3A_82, %parallel_loop3A_83, %parallel_loop3A_84 = tpu.sort %parallel_loop3A_80, %parallel_loop3A_80 masked %parallel_loop3A_81 {descending = true} : (vector<16xf32>, vector<16xf32>, vector<16xi1>) -> (vector<16xi1>, vector<16xf32>, vector<16xf32>)
        %parallel_loop3A_85 = arith.minimumf %parallel_loop3A_61, %parallel_loop3A_79 : vector<16xf32>
        %parallel_loop3A_86 = arith.constant dense<true> : vector<16xi1>
        %parallel_loop3A_87, %parallel_loop3A_88, %parallel_loop3A_89 = tpu.sort %parallel_loop3A_85, %parallel_loop3A_85 masked %parallel_loop3A_86 {descending = true} : (vector<16xf32>, vector<16xf32>, vector<16xi1>) -> (vector<16xi1>, vector<16xf32>, vector<16xf32>)
        %parallel_loop3A_90 = arith.constant 15 : i32
        %parallel_loop3A_91 = vector.broadcast %parallel_loop3A_90 : i32 to vector<16xi32>
        %parallel_loop3A_92 = tpu.iota {dimensions = array<i32: 0>} : vector<16xi32>
        %parallel_loop3A_93 = arith.subi %parallel_loop3A_91, %parallel_loop3A_92 : vector<16xi32>
        %parallel_loop3A_94 = tpu.dynamic_gather %parallel_loop3A_73[%parallel_loop3A_93] in [0] : vector<16xf32>, vector<16xi32> -> vector<16xf32>
        %parallel_loop3A_95 = arith.maximumf %parallel_loop3A_69, %parallel_loop3A_94 : vector<16xf32>
        %parallel_loop3A_96 = arith.constant dense<true> : vector<16xi1>
        %parallel_loop3A_97, %parallel_loop3A_98, %parallel_loop3A_99 = tpu.sort %parallel_loop3A_95, %parallel_loop3A_95 masked %parallel_loop3A_96 {descending = true} : (vector<16xf32>, vector<16xf32>, vector<16xi1>) -> (vector<16xi1>, vector<16xf32>, vector<16xf32>)
        %parallel_loop3A_100 = arith.minimumf %parallel_loop3A_69, %parallel_loop3A_94 : vector<16xf32>
        %parallel_loop3A_101 = arith.constant dense<true> : vector<16xi1>
        %parallel_loop3A_102, %parallel_loop3A_103, %parallel_loop3A_104 = tpu.sort %parallel_loop3A_100, %parallel_loop3A_100 masked %parallel_loop3A_101 {descending = true} : (vector<16xf32>, vector<16xf32>, vector<16xi1>) -> (vector<16xi1>, vector<16xf32>, vector<16xf32>)
        %parallel_loop3A_105 = arith.constant 15 : i32
        %parallel_loop3A_106 = vector.broadcast %parallel_loop3A_105 : i32 to vector<16xi32>
        %parallel_loop3A_107 = tpu.iota {dimensions = array<i32: 0>} : vector<16xi32>
        %parallel_loop3A_108 = arith.subi %parallel_loop3A_106, %parallel_loop3A_107 : vector<16xi32>
        %parallel_loop3A_109 = tpu.dynamic_gather %parallel_loop3A_103[%parallel_loop3A_108] in [0] : vector<16xf32>, vector<16xi32> -> vector<16xf32>
        %parallel_loop3A_110 = arith.constant 15 : i32
        %parallel_loop3A_111 = vector.broadcast %parallel_loop3A_110 : i32 to vector<16xi32>
        %parallel_loop3A_112 = tpu.iota {dimensions = array<i32: 0>} : vector<16xi32>
        %parallel_loop3A_113 = arith.subi %parallel_loop3A_111, %parallel_loop3A_112 : vector<16xi32>
        %parallel_loop3A_114 = tpu.dynamic_gather %parallel_loop3A_98[%parallel_loop3A_113] in [0] : vector<16xf32>, vector<16xi32> -> vector<16xf32>
        %parallel_loop3A_115 = arith.maximumf %parallel_loop3A_83, %parallel_loop3A_109 : vector<16xf32>
        %parallel_loop3A_116 = arith.maximumf %parallel_loop3A_88, %parallel_loop3A_114 : vector<16xf32>
        %parallel_loop3A_117 = arith.minimumf %parallel_loop3A_83, %parallel_loop3A_109 : vector<16xf32>
        %parallel_loop3A_118 = arith.minimumf %parallel_loop3A_88, %parallel_loop3A_114 : vector<16xf32>
        %parallel_loop3A_119 = arith.maximumf %parallel_loop3A_115, %parallel_loop3A_116 : vector<16xf32>
        %parallel_loop3A_120 = arith.constant dense<true> : vector<16xi1>
        %parallel_loop3A_121, %parallel_loop3A_122, %parallel_loop3A_123 = tpu.sort %parallel_loop3A_119, %parallel_loop3A_119 masked %parallel_loop3A_120 {descending = true} : (vector<16xf32>, vector<16xf32>, vector<16xi1>) -> (vector<16xi1>, vector<16xf32>, vector<16xf32>)
        %parallel_loop3A_124 = arith.minimumf %parallel_loop3A_115, %parallel_loop3A_116 : vector<16xf32>
        %parallel_loop3A_125 = arith.constant dense<true> : vector<16xi1>
        %parallel_loop3A_126, %parallel_loop3A_127, %parallel_loop3A_128 = tpu.sort %parallel_loop3A_124, %parallel_loop3A_124 masked %parallel_loop3A_125 {descending = true} : (vector<16xf32>, vector<16xf32>, vector<16xi1>) -> (vector<16xi1>, vector<16xf32>, vector<16xf32>)
        %parallel_loop3A_129 = arith.maximumf %parallel_loop3A_117, %parallel_loop3A_118 : vector<16xf32>
        %parallel_loop3A_130 = arith.constant dense<true> : vector<16xi1>
        %parallel_loop3A_131, %parallel_loop3A_132, %parallel_loop3A_133 = tpu.sort %parallel_loop3A_129, %parallel_loop3A_129 masked %parallel_loop3A_130 {descending = true} : (vector<16xf32>, vector<16xf32>, vector<16xi1>) -> (vector<16xi1>, vector<16xf32>, vector<16xf32>)
        %parallel_loop3A_134 = arith.minimumf %parallel_loop3A_117, %parallel_loop3A_118 : vector<16xf32>
        %parallel_loop3A_135 = arith.constant dense<true> : vector<16xi1>
        %parallel_loop3A_136, %parallel_loop3A_137, %parallel_loop3A_138 = tpu.sort %parallel_loop3A_134, %parallel_loop3A_134 masked %parallel_loop3A_135 {descending = true} : (vector<16xf32>, vector<16xf32>, vector<16xi1>) -> (vector<16xi1>, vector<16xf32>, vector<16xf32>)
        %parallel_loop3A_139 = arith.constant 1 : i32
        %parallel_loop3A_140 = arith.constant 64 : i32
        %parallel_loop3A_141 = arith.muli %parallel_loop3A_139, %parallel_loop3A_140 : i32
        %parallel_loop3A_142 = arith.index_cast %parallel_loop3A_46 : i32 to index
        %parallel_loop3A_143 = arith.index_cast %parallel_loop3A_141 : i32 to index
        %parallel_loop3A_144 = tpu.vector_load %arg7[%parallel_loop3A_142, %parallel_loop3A_143] {strides = array<i32>} : memref<16x128xf32, #tpu.memory_space<vmem>>, vector<16xf32>,
        %parallel_loop3A_145 = arith.constant 16 : i32
        %parallel_loop3A_146 = arith.addi %parallel_loop3A_141, %parallel_loop3A_145 : i32
        %parallel_loop3A_147 = arith.index_cast %parallel_loop3A_46 : i32 to index
        %parallel_loop3A_148 = arith.index_cast %parallel_loop3A_146 : i32 to index
        %parallel_loop3A_149 = tpu.vector_load %arg7[%parallel_loop3A_147, %parallel_loop3A_148] {strides = array<i32>} : memref<16x128xf32, #tpu.memory_space<vmem>>, vector<16xf32>,
        %parallel_loop3A_150 = arith.constant 32 : i32
        %parallel_loop3A_151 = arith.addi %parallel_loop3A_141, %parallel_loop3A_150 : i32
        %parallel_loop3A_152 = arith.index_cast %parallel_loop3A_46 : i32 to index
        %parallel_loop3A_153 = arith.index_cast %parallel_loop3A_151 : i32 to index
        %parallel_loop3A_154 = tpu.vector_load %arg7[%parallel_loop3A_152, %parallel_loop3A_153] {strides = array<i32>} : memref<16x128xf32, #tpu.memory_space<vmem>>, vector<16xf32>,
        %parallel_loop3A_155 = arith.constant 48 : i32
        %parallel_loop3A_156 = arith.addi %parallel_loop3A_141, %parallel_loop3A_155 : i32
        %parallel_loop3A_157 = arith.index_cast %parallel_loop3A_46 : i32 to index
        %parallel_loop3A_158 = arith.index_cast %parallel_loop3A_156 : i32 to index
        %parallel_loop3A_159 = tpu.vector_load %arg7[%parallel_loop3A_157, %parallel_loop3A_158] {strides = array<i32>} : memref<16x128xf32, #tpu.memory_space<vmem>>, vector<16xf32>,
        %parallel_loop3A_160 = arith.constant dense<true> : vector<16xi1>
        %parallel_loop3A_161, %parallel_loop3A_162, %parallel_loop3A_163 = tpu.sort %parallel_loop3A_144, %parallel_loop3A_144 masked %parallel_loop3A_160 {descending = true} : (vector<16xf32>, vector<16xf32>, vector<16xi1>) -> (vector<16xi1>, vector<16xf32>, vector<16xf32>)
        %parallel_loop3A_164 = arith.constant dense<true> : vector<16xi1>
        %parallel_loop3A_165, %parallel_loop3A_166, %parallel_loop3A_167 = tpu.sort %parallel_loop3A_149, %parallel_loop3A_149 masked %parallel_loop3A_164 {descending = true} : (vector<16xf32>, vector<16xf32>, vector<16xi1>) -> (vector<16xi1>, vector<16xf32>, vector<16xf32>)
        %parallel_loop3A_168 = arith.constant dense<true> : vector<16xi1>
        %parallel_loop3A_169, %parallel_loop3A_170, %parallel_loop3A_171 = tpu.sort %parallel_loop3A_154, %parallel_loop3A_154 masked %parallel_loop3A_168 {descending = true} : (vector<16xf32>, vector<16xf32>, vector<16xi1>) -> (vector<16xi1>, vector<16xf32>, vector<16xf32>)
        %parallel_loop3A_172 = arith.constant dense<true> : vector<16xi1>
        %parallel_loop3A_173, %parallel_loop3A_174, %parallel_loop3A_175 = tpu.sort %parallel_loop3A_159, %parallel_loop3A_159 masked %parallel_loop3A_172 {descending = true} : (vector<16xf32>, vector<16xf32>, vector<16xi1>) -> (vector<16xi1>, vector<16xf32>, vector<16xf32>)
        %parallel_loop3A_176 = arith.constant 15 : i32
        %parallel_loop3A_177 = vector.broadcast %parallel_loop3A_176 : i32 to vector<16xi32>
        %parallel_loop3A_178 = tpu.iota {dimensions = array<i32: 0>} : vector<16xi32>
        %parallel_loop3A_179 = arith.subi %parallel_loop3A_177, %parallel_loop3A_178 : vector<16xi32>
        %parallel_loop3A_180 = tpu.dynamic_gather %parallel_loop3A_166[%parallel_loop3A_179] in [0] : vector<16xf32>, vector<16xi32> -> vector<16xf32>
        %parallel_loop3A_181 = arith.maximumf %parallel_loop3A_162, %parallel_loop3A_180 : vector<16xf32>
        %parallel_loop3A_182 = arith.constant dense<true> : vector<16xi1>
        %parallel_loop3A_183, %parallel_loop3A_184, %parallel_loop3A_185 = tpu.sort %parallel_loop3A_181, %parallel_loop3A_181 masked %parallel_loop3A_182 {descending = true} : (vector<16xf32>, vector<16xf32>, vector<16xi1>) -> (vector<16xi1>, vector<16xf32>, vector<16xf32>)
        %parallel_loop3A_186 = arith.minimumf %parallel_loop3A_162, %parallel_loop3A_180 : vector<16xf32>
        %parallel_loop3A_187 = arith.constant dense<true> : vector<16xi1>
        %parallel_loop3A_188, %parallel_loop3A_189, %parallel_loop3A_190 = tpu.sort %parallel_loop3A_186, %parallel_loop3A_186 masked %parallel_loop3A_187 {descending = true} : (vector<16xf32>, vector<16xf32>, vector<16xi1>) -> (vector<16xi1>, vector<16xf32>, vector<16xf32>)
        %parallel_loop3A_191 = arith.constant 15 : i32
        %parallel_loop3A_192 = vector.broadcast %parallel_loop3A_191 : i32 to vector<16xi32>
        %parallel_loop3A_193 = tpu.iota {dimensions = array<i32: 0>} : vector<16xi32>
        %parallel_loop3A_194 = arith.subi %parallel_loop3A_192, %parallel_loop3A_193 : vector<16xi32>
        %parallel_loop3A_195 = tpu.dynamic_gather %parallel_loop3A_174[%parallel_loop3A_194] in [0] : vector<16xf32>, vector<16xi32> -> vector<16xf32>
        %parallel_loop3A_196 = arith.maximumf %parallel_loop3A_170, %parallel_loop3A_195 : vector<16xf32>
        %parallel_loop3A_197 = arith.constant dense<true> : vector<16xi1>
        %parallel_loop3A_198, %parallel_loop3A_199, %parallel_loop3A_200 = tpu.sort %parallel_loop3A_196, %parallel_loop3A_196 masked %parallel_loop3A_197 {descending = true} : (vector<16xf32>, vector<16xf32>, vector<16xi1>) -> (vector<16xi1>, vector<16xf32>, vector<16xf32>)
        %parallel_loop3A_201 = arith.minimumf %parallel_loop3A_170, %parallel_loop3A_195 : vector<16xf32>
        %parallel_loop3A_202 = arith.constant dense<true> : vector<16xi1>
        %parallel_loop3A_203, %parallel_loop3A_204, %parallel_loop3A_205 = tpu.sort %parallel_loop3A_201, %parallel_loop3A_201 masked %parallel_loop3A_202 {descending = true} : (vector<16xf32>, vector<16xf32>, vector<16xi1>) -> (vector<16xi1>, vector<16xf32>, vector<16xf32>)
        %parallel_loop3A_206 = arith.constant 15 : i32
        %parallel_loop3A_207 = vector.broadcast %parallel_loop3A_206 : i32 to vector<16xi32>
        %parallel_loop3A_208 = tpu.iota {dimensions = array<i32: 0>} : vector<16xi32>
        %parallel_loop3A_209 = arith.subi %parallel_loop3A_207, %parallel_loop3A_208 : vector<16xi32>
        %parallel_loop3A_210 = tpu.dynamic_gather %parallel_loop3A_204[%parallel_loop3A_209] in [0] : vector<16xf32>, vector<16xi32> -> vector<16xf32>
        %parallel_loop3A_211 = arith.constant 15 : i32
        %parallel_loop3A_212 = vector.broadcast %parallel_loop3A_211 : i32 to vector<16xi32>
        %parallel_loop3A_213 = tpu.iota {dimensions = array<i32: 0>} : vector<16xi32>
        %parallel_loop3A_214 = arith.subi %parallel_loop3A_212, %parallel_loop3A_213 : vector<16xi32>
        %parallel_loop3A_215 = tpu.dynamic_gather %parallel_loop3A_199[%parallel_loop3A_214] in [0] : vector<16xf32>, vector<16xi32> -> vector<16xf32>
        %parallel_loop3A_216 = arith.maximumf %parallel_loop3A_184, %parallel_loop3A_210 : vector<16xf32>
        %parallel_loop3A_217 = arith.maximumf %parallel_loop3A_189, %parallel_loop3A_215 : vector<16xf32>
        %parallel_loop3A_218 = arith.minimumf %parallel_loop3A_184, %parallel_loop3A_210 : vector<16xf32>
        %parallel_loop3A_219 = arith.minimumf %parallel_loop3A_189, %parallel_loop3A_215 : vector<16xf32>
        %parallel_loop3A_220 = arith.maximumf %parallel_loop3A_216, %parallel_loop3A_217 : vector<16xf32>
        %parallel_loop3A_221 = arith.constant dense<true> : vector<16xi1>
        %parallel_loop3A_222, %parallel_loop3A_223, %parallel_loop3A_224 = tpu.sort %parallel_loop3A_220, %parallel_loop3A_220 masked %parallel_loop3A_221 {descending = true} : (vector<16xf32>, vector<16xf32>, vector<16xi1>) -> (vector<16xi1>, vector<16xf32>, vector<16xf32>)
        %parallel_loop3A_225 = arith.minimumf %parallel_loop3A_216, %parallel_loop3A_217 : vector<16xf32>
        %parallel_loop3A_226 = arith.constant dense<true> : vector<16xi1>
        %parallel_loop3A_227, %parallel_loop3A_228, %parallel_loop3A_229 = tpu.sort %parallel_loop3A_225, %parallel_loop3A_225 masked %parallel_loop3A_226 {descending = true} : (vector<16xf32>, vector<16xf32>, vector<16xi1>) -> (vector<16xi1>, vector<16xf32>, vector<16xf32>)
        %parallel_loop3A_230 = arith.maximumf %parallel_loop3A_218, %parallel_loop3A_219 : vector<16xf32>
        %parallel_loop3A_231 = arith.constant dense<true> : vector<16xi1>
        %parallel_loop3A_232, %parallel_loop3A_233, %parallel_loop3A_234 = tpu.sort %parallel_loop3A_230, %parallel_loop3A_230 masked %parallel_loop3A_231 {descending = true} : (vector<16xf32>, vector<16xf32>, vector<16xi1>) -> (vector<16xi1>, vector<16xf32>, vector<16xf32>)
        %parallel_loop3A_235 = arith.minimumf %parallel_loop3A_218, %parallel_loop3A_219 : vector<16xf32>
        %parallel_loop3A_236 = arith.constant dense<true> : vector<16xi1>
        %parallel_loop3A_237, %parallel_loop3A_238, %parallel_loop3A_239 = tpu.sort %parallel_loop3A_235, %parallel_loop3A_235 masked %parallel_loop3A_236 {descending = true} : (vector<16xf32>, vector<16xf32>, vector<16xi1>) -> (vector<16xi1>, vector<16xf32>, vector<16xf32>)
        %parallel_loop3A_240 = arith.constant 15 : i32
        %parallel_loop3A_241 = vector.broadcast %parallel_loop3A_240 : i32 to vector<16xi32>
        %parallel_loop3A_242 = tpu.iota {dimensions = array<i32: 0>} : vector<16xi32>
        %parallel_loop3A_243 = arith.subi %parallel_loop3A_241, %parallel_loop3A_242 : vector<16xi32>
        %parallel_loop3A_244 = tpu.dynamic_gather %parallel_loop3A_238[%parallel_loop3A_243] in [0] : vector<16xf32>, vector<16xi32> -> vector<16xf32>
        %parallel_loop3A_245 = arith.maximumf %parallel_loop3A_122, %parallel_loop3A_244 : vector<16xf32>
        %parallel_loop3A_246 = arith.constant 15 : i32
        %parallel_loop3A_247 = vector.broadcast %parallel_loop3A_246 : i32 to vector<16xi32>
        %parallel_loop3A_248 = tpu.iota {dimensions = array<i32: 0>} : vector<16xi32>
        %parallel_loop3A_249 = arith.subi %parallel_loop3A_247, %parallel_loop3A_248 : vector<16xi32>
        %parallel_loop3A_250 = tpu.dynamic_gather %parallel_loop3A_233[%parallel_loop3A_249] in [0] : vector<16xf32>, vector<16xi32> -> vector<16xf32>
        %parallel_loop3A_251 = arith.maximumf %parallel_loop3A_127, %parallel_loop3A_250 : vector<16xf32>
        %parallel_loop3A_252 = arith.constant 15 : i32
        %parallel_loop3A_253 = vector.broadcast %parallel_loop3A_252 : i32 to vector<16xi32>
        %parallel_loop3A_254 = tpu.iota {dimensions = array<i32: 0>} : vector<16xi32>
        %parallel_loop3A_255 = arith.subi %parallel_loop3A_253, %parallel_loop3A_254 : vector<16xi32>
        %parallel_loop3A_256 = tpu.dynamic_gather %parallel_loop3A_228[%parallel_loop3A_255] in [0] : vector<16xf32>, vector<16xi32> -> vector<16xf32>
        %parallel_loop3A_257 = arith.maximumf %parallel_loop3A_132, %parallel_loop3A_256 : vector<16xf32>
        %parallel_loop3A_258 = arith.constant 15 : i32
        %parallel_loop3A_259 = vector.broadcast %parallel_loop3A_258 : i32 to vector<16xi32>
        %parallel_loop3A_260 = tpu.iota {dimensions = array<i32: 0>} : vector<16xi32>
        %parallel_loop3A_261 = arith.subi %parallel_loop3A_259, %parallel_loop3A_260 : vector<16xi32>
        %parallel_loop3A_262 = tpu.dynamic_gather %parallel_loop3A_223[%parallel_loop3A_261] in [0] : vector<16xf32>, vector<16xi32> -> vector<16xf32>
        %parallel_loop3A_263 = arith.maximumf %parallel_loop3A_137, %parallel_loop3A_262 : vector<16xf32>
        %parallel_loop3A_264 = arith.maximumf %parallel_loop3A_245, %parallel_loop3A_257 : vector<16xf32>
        %parallel_loop3A_265 = arith.maximumf %parallel_loop3A_251, %parallel_loop3A_263 : vector<16xf32>
        %parallel_loop3A_266 = arith.minimumf %parallel_loop3A_245, %parallel_loop3A_257 : vector<16xf32>
        %parallel_loop3A_267 = arith.minimumf %parallel_loop3A_251, %parallel_loop3A_263 : vector<16xf32>
        %parallel_loop3A_268 = arith.maximumf %parallel_loop3A_264, %parallel_loop3A_265 : vector<16xf32>
        %parallel_loop3A_269 = arith.constant dense<true> : vector<16xi1>
        %parallel_loop3A_270, %parallel_loop3A_271, %parallel_loop3A_272 = tpu.sort %parallel_loop3A_268, %parallel_loop3A_268 masked %parallel_loop3A_269 {descending = true} : (vector<16xf32>, vector<16xf32>, vector<16xi1>) -> (vector<16xi1>, vector<16xf32>, vector<16xf32>)
        %parallel_loop3A_273 = arith.minimumf %parallel_loop3A_264, %parallel_loop3A_265 : vector<16xf32>
        %parallel_loop3A_274 = arith.constant dense<true> : vector<16xi1>
        %parallel_loop3A_275, %parallel_loop3A_276, %parallel_loop3A_277 = tpu.sort %parallel_loop3A_273, %parallel_loop3A_273 masked %parallel_loop3A_274 {descending = true} : (vector<16xf32>, vector<16xf32>, vector<16xi1>) -> (vector<16xi1>, vector<16xf32>, vector<16xf32>)
        %parallel_loop3A_278 = arith.maximumf %parallel_loop3A_266, %parallel_loop3A_267 : vector<16xf32>
        %parallel_loop3A_279 = arith.constant dense<true> : vector<16xi1>
        %parallel_loop3A_280, %parallel_loop3A_281, %parallel_loop3A_282 = tpu.sort %parallel_loop3A_278, %parallel_loop3A_278 masked %parallel_loop3A_279 {descending = true} : (vector<16xf32>, vector<16xf32>, vector<16xi1>) -> (vector<16xi1>, vector<16xf32>, vector<16xf32>)
        %parallel_loop3A_283 = arith.minimumf %parallel_loop3A_266, %parallel_loop3A_267 : vector<16xf32>
        %parallel_loop3A_284 = arith.constant dense<true> : vector<16xi1>
        %parallel_loop3A_285, %parallel_loop3A_286, %parallel_loop3A_287 = tpu.sort %parallel_loop3A_283, %parallel_loop3A_283 masked %parallel_loop3A_284 {descending = true} : (vector<16xf32>, vector<16xf32>, vector<16xi1>) -> (vector<16xi1>, vector<16xf32>, vector<16xf32>)
        %parallel_loop3A_288 = arith.constant 1 : i32
        %parallel_loop3A_289 = arith.constant true
        %parallel_loop3A_290 = vector.broadcast %parallel_loop3A_289 : i1 to vector<16xi1>
        %parallel_loop3A_291 = tpu.scan <min>, %parallel_loop3A_286 masked %parallel_loop3A_290 : vector<16xf32>, vector<16xi1> -> vector<16xf32>
        %parallel_loop3A_292 = vector.extract %parallel_loop3A_291[15] : f32 from vector<16xf32>
        %parallel_loop3A_293 = arith.constant 0 : i32
        %parallel_loop3A_294 = arith.constant 0 : i32
        %parallel_loop3A_295 = arith.constant 16 : i32
        %parallel_loop3A_296 = arith.addi %parallel_loop3A_294, %parallel_loop3A_295 : i32
        %parallel_loop3A_297 = arith.constant 1 : i32
        %parallel_loop3A_298 = scf.for %scan3A_465 = %parallel_loop3A_294 to %parallel_loop3A_296 step %parallel_loop3A_297 iter_args(%scan3A_466 = %parallel_loop3A_293) -> (i32)  : i32 {
          %parallel_loop3A_467 = arith.constant 128 : i32
          %parallel_loop3A_468 = arith.muli %scan3A_465, %parallel_loop3A_467 : i32
          %parallel_loop3A_469 = arith.constant 0 : i32
          %parallel_loop3A_470 = arith.addi %parallel_loop3A_468, %parallel_loop3A_469 : i32
          %parallel_loop3A_471 = arith.index_cast %rem3A_23 : i32 to index
          %parallel_loop3A_472 = arith.index_cast %parallel_loop3A_46 : i32 to index
          %parallel_loop3A_473 = arith.index_cast %parallel_loop3A_470 : i32 to index
          %parallel_loop3A_474 = tpu.vector_load %arg5[%parallel_loop3A_471, %parallel_loop3A_472, %parallel_loop3A_473] {strides = array<i32>} : memref<2x16x2048xf32, #tpu.memory_space<vmem>>, vector<16xf32>,
          %parallel_loop3A_475 = vector.broadcast %parallel_loop3A_292 : f32 to vector<16xf32>
          %parallel_loop3A_476 = arith.cmpf oge, %parallel_loop3A_474, %parallel_loop3A_475 : vector<16xf32>
          %parallel_loop3A_477 = tpu.all_reduce %parallel_loop3A_476 {dim = 0 : i64, kind = #tpu.reduction_kind<sum>} : vector<16xi1> -> vector<16xi32>
          %parallel_loop3A_478 = vector.extract_strided_slice %parallel_loop3A_477 {offsets = [0], sizes = [1], strides = [1]} : vector<16xi32> to vector<1xi32>
          %parallel_loop3A_479 = vector.extract %parallel_loop3A_478[0] : i32 from vector<1xi32>
          %parallel_loop3A_480 = arith.constant 128 : i32
          %parallel_loop3A_481 = arith.muli %scan3A_465, %parallel_loop3A_480 : i32
          %parallel_loop3A_482 = arith.constant 16 : i32
          %parallel_loop3A_483 = arith.addi %parallel_loop3A_481, %parallel_loop3A_482 : i32
          %parallel_loop3A_484 = arith.index_cast %rem3A_23 : i32 to index
          %parallel_loop3A_485 = arith.index_cast %parallel_loop3A_46 : i32 to index
          %parallel_loop3A_486 = arith.index_cast %parallel_loop3A_483 : i32 to index
          %parallel_loop3A_487 = tpu.vector_load %arg5[%parallel_loop3A_484, %parallel_loop3A_485, %parallel_loop3A_486] {strides = array<i32>} : memref<2x16x2048xf32, #tpu.memory_space<vmem>>, vector<16xf32>,
          %parallel_loop3A_488 = vector.broadcast %parallel_loop3A_292 : f32 to vector<16xf32>
          %parallel_loop3A_489 = arith.cmpf oge, %parallel_loop3A_487, %parallel_loop3A_488 : vector<16xf32>
          %parallel_loop3A_490 = tpu.all_reduce %parallel_loop3A_489 {dim = 0 : i64, kind = #tpu.reduction_kind<sum>} : vector<16xi1> -> vector<16xi32>
          %parallel_loop3A_491 = vector.extract_strided_slice %parallel_loop3A_490 {offsets = [0], sizes = [1], strides = [1]} : vector<16xi32> to vector<1xi32>
          %parallel_loop3A_492 = vector.extract %parallel_loop3A_491[0] : i32 from vector<1xi32>
          %parallel_loop3A_493 = arith.constant 128 : i32
          %parallel_loop3A_494 = arith.muli %scan3A_465, %parallel_loop3A_493 : i32
          %parallel_loop3A_495 = arith.constant 32 : i32
          %parallel_loop3A_496 = arith.addi %parallel_loop3A_494, %parallel_loop3A_495 : i32
          %parallel_loop3A_497 = arith.index_cast %rem3A_23 : i32 to index
          %parallel_loop3A_498 = arith.index_cast %parallel_loop3A_46 : i32 to index
          %parallel_loop3A_499 = arith.index_cast %parallel_loop3A_496 : i32 to index
          %parallel_loop3A_500 = tpu.vector_load %arg5[%parallel_loop3A_497, %parallel_loop3A_498, %parallel_loop3A_499] {strides = array<i32>} : memref<2x16x2048xf32, #tpu.memory_space<vmem>>, vector<16xf32>,
          %parallel_loop3A_501 = vector.broadcast %parallel_loop3A_292 : f32 to vector<16xf32>
          %parallel_loop3A_502 = arith.cmpf oge, %parallel_loop3A_500, %parallel_loop3A_501 : vector<16xf32>
          %parallel_loop3A_503 = tpu.all_reduce %parallel_loop3A_502 {dim = 0 : i64, kind = #tpu.reduction_kind<sum>} : vector<16xi1> -> vector<16xi32>
          %parallel_loop3A_504 = vector.extract_strided_slice %parallel_loop3A_503 {offsets = [0], sizes = [1], strides = [1]} : vector<16xi32> to vector<1xi32>
          %parallel_loop3A_505 = vector.extract %parallel_loop3A_504[0] : i32 from vector<1xi32>
          %parallel_loop3A_506 = arith.constant 128 : i32
          %parallel_loop3A_507 = arith.muli %scan3A_465, %parallel_loop3A_506 : i32
          %parallel_loop3A_508 = arith.constant 48 : i32
          %parallel_loop3A_509 = arith.addi %parallel_loop3A_507, %parallel_loop3A_508 : i32
          %parallel_loop3A_510 = arith.index_cast %rem3A_23 : i32 to index
          %parallel_loop3A_511 = arith.index_cast %parallel_loop3A_46 : i32 to index
          %parallel_loop3A_512 = arith.index_cast %parallel_loop3A_509 : i32 to index
          %parallel_loop3A_513 = tpu.vector_load %arg5[%parallel_loop3A_510, %parallel_loop3A_511, %parallel_loop3A_512] {strides = array<i32>} : memref<2x16x2048xf32, #tpu.memory_space<vmem>>, vector<16xf32>,
          %parallel_loop3A_514 = vector.broadcast %parallel_loop3A_292 : f32 to vector<16xf32>
          %parallel_loop3A_515 = arith.cmpf oge, %parallel_loop3A_513, %parallel_loop3A_514 : vector<16xf32>
          %parallel_loop3A_516 = tpu.all_reduce %parallel_loop3A_515 {dim = 0 : i64, kind = #tpu.reduction_kind<sum>} : vector<16xi1> -> vector<16xi32>
          %parallel_loop3A_517 = vector.extract_strided_slice %parallel_loop3A_516 {offsets = [0], sizes = [1], strides = [1]} : vector<16xi32> to vector<1xi32>
          %parallel_loop3A_518 = vector.extract %parallel_loop3A_517[0] : i32 from vector<1xi32>
          %parallel_loop3A_519 = arith.constant 128 : i32
          %parallel_loop3A_520 = arith.muli %scan3A_465, %parallel_loop3A_519 : i32
          %parallel_loop3A_521 = arith.constant 64 : i32
          %parallel_loop3A_522 = arith.addi %parallel_loop3A_520, %parallel_loop3A_521 : i32
          %parallel_loop3A_523 = arith.index_cast %rem3A_23 : i32 to index
          %parallel_loop3A_524 = arith.index_cast %parallel_loop3A_46 : i32 to index
          %parallel_loop3A_525 = arith.index_cast %parallel_loop3A_522 : i32 to index
          %parallel_loop3A_526 = tpu.vector_load %arg5[%parallel_loop3A_523, %parallel_loop3A_524, %parallel_loop3A_525] {strides = array<i32>} : memref<2x16x2048xf32, #tpu.memory_space<vmem>>, vector<16xf32>,
          %parallel_loop3A_527 = vector.broadcast %parallel_loop3A_292 : f32 to vector<16xf32>
          %parallel_loop3A_528 = arith.cmpf oge, %parallel_loop3A_526, %parallel_loop3A_527 : vector<16xf32>
          %parallel_loop3A_529 = tpu.all_reduce %parallel_loop3A_528 {dim = 0 : i64, kind = #tpu.reduction_kind<sum>} : vector<16xi1> -> vector<16xi32>
          %parallel_loop3A_530 = vector.extract_strided_slice %parallel_loop3A_529 {offsets = [0], sizes = [1], strides = [1]} : vector<16xi32> to vector<1xi32>
          %parallel_loop3A_531 = vector.extract %parallel_loop3A_530[0] : i32 from vector<1xi32>
          %parallel_loop3A_532 = arith.constant 128 : i32
          %parallel_loop3A_533 = arith.muli %scan3A_465, %parallel_loop3A_532 : i32
          %parallel_loop3A_534 = arith.constant 80 : i32
          %parallel_loop3A_535 = arith.addi %parallel_loop3A_533, %parallel_loop3A_534 : i32
          %parallel_loop3A_536 = arith.index_cast %rem3A_23 : i32 to index
          %parallel_loop3A_537 = arith.index_cast %parallel_loop3A_46 : i32 to index
          %parallel_loop3A_538 = arith.index_cast %parallel_loop3A_535 : i32 to index
          %parallel_loop3A_539 = tpu.vector_load %arg5[%parallel_loop3A_536, %parallel_loop3A_537, %parallel_loop3A_538] {strides = array<i32>} : memref<2x16x2048xf32, #tpu.memory_space<vmem>>, vector<16xf32>,
          %parallel_loop3A_540 = vector.broadcast %parallel_loop3A_292 : f32 to vector<16xf32>
          %parallel_loop3A_541 = arith.cmpf oge, %parallel_loop3A_539, %parallel_loop3A_540 : vector<16xf32>
          %parallel_loop3A_542 = tpu.all_reduce %parallel_loop3A_541 {dim = 0 : i64, kind = #tpu.reduction_kind<sum>} : vector<16xi1> -> vector<16xi32>
          %parallel_loop3A_543 = vector.extract_strided_slice %parallel_loop3A_542 {offsets = [0], sizes = [1], strides = [1]} : vector<16xi32> to vector<1xi32>
          %parallel_loop3A_544 = vector.extract %parallel_loop3A_543[0] : i32 from vector<1xi32>
          %parallel_loop3A_545 = arith.constant 128 : i32
          %parallel_loop3A_546 = arith.muli %scan3A_465, %parallel_loop3A_545 : i32
          %parallel_loop3A_547 = arith.constant 96 : i32
          %parallel_loop3A_548 = arith.addi %parallel_loop3A_546, %parallel_loop3A_547 : i32
          %parallel_loop3A_549 = arith.index_cast %rem3A_23 : i32 to index
          %parallel_loop3A_550 = arith.index_cast %parallel_loop3A_46 : i32 to index
          %parallel_loop3A_551 = arith.index_cast %parallel_loop3A_548 : i32 to index
          %parallel_loop3A_552 = tpu.vector_load %arg5[%parallel_loop3A_549, %parallel_loop3A_550, %parallel_loop3A_551] {strides = array<i32>} : memref<2x16x2048xf32, #tpu.memory_space<vmem>>, vector<16xf32>,
          %parallel_loop3A_553 = vector.broadcast %parallel_loop3A_292 : f32 to vector<16xf32>
          %parallel_loop3A_554 = arith.cmpf oge, %parallel_loop3A_552, %parallel_loop3A_553 : vector<16xf32>
          %parallel_loop3A_555 = tpu.all_reduce %parallel_loop3A_554 {dim = 0 : i64, kind = #tpu.reduction_kind<sum>} : vector<16xi1> -> vector<16xi32>
          %parallel_loop3A_556 = vector.extract_strided_slice %parallel_loop3A_555 {offsets = [0], sizes = [1], strides = [1]} : vector<16xi32> to vector<1xi32>
          %parallel_loop3A_557 = vector.extract %parallel_loop3A_556[0] : i32 from vector<1xi32>
          %parallel_loop3A_558 = arith.constant 128 : i32
          %parallel_loop3A_559 = arith.muli %scan3A_465, %parallel_loop3A_558 : i32
          %parallel_loop3A_560 = arith.constant 112 : i32
          %parallel_loop3A_561 = arith.addi %parallel_loop3A_559, %parallel_loop3A_560 : i32
          %parallel_loop3A_562 = arith.index_cast %rem3A_23 : i32 to index
          %parallel_loop3A_563 = arith.index_cast %parallel_loop3A_46 : i32 to index
          %parallel_loop3A_564 = arith.index_cast %parallel_loop3A_561 : i32 to index
          %parallel_loop3A_565 = tpu.vector_load %arg5[%parallel_loop3A_562, %parallel_loop3A_563, %parallel_loop3A_564] {strides = array<i32>} : memref<2x16x2048xf32, #tpu.memory_space<vmem>>, vector<16xf32>,
          %parallel_loop3A_566 = vector.broadcast %parallel_loop3A_292 : f32 to vector<16xf32>
          %parallel_loop3A_567 = arith.cmpf oge, %parallel_loop3A_565, %parallel_loop3A_566 : vector<16xf32>
          %parallel_loop3A_568 = tpu.all_reduce %parallel_loop3A_567 {dim = 0 : i64, kind = #tpu.reduction_kind<sum>} : vector<16xi1> -> vector<16xi32>
          %parallel_loop3A_569 = vector.extract_strided_slice %parallel_loop3A_568 {offsets = [0], sizes = [1], strides = [1]} : vector<16xi32> to vector<1xi32>
          %parallel_loop3A_570 = vector.extract %parallel_loop3A_569[0] : i32 from vector<1xi32>
          %parallel_loop3A_571 = arith.addi %scan3A_466, %parallel_loop3A_479 : i32
          %parallel_loop3A_572 = arith.addi %parallel_loop3A_571, %parallel_loop3A_492 : i32
          %parallel_loop3A_573 = arith.addi %parallel_loop3A_572, %parallel_loop3A_505 : i32
          %parallel_loop3A_574 = arith.addi %parallel_loop3A_573, %parallel_loop3A_518 : i32
          %parallel_loop3A_575 = arith.addi %parallel_loop3A_574, %parallel_loop3A_531 : i32
          %parallel_loop3A_576 = arith.addi %parallel_loop3A_575, %parallel_loop3A_544 : i32
          %parallel_loop3A_577 = arith.addi %parallel_loop3A_576, %parallel_loop3A_557 : i32
          %parallel_loop3A_578 = arith.addi %parallel_loop3A_577, %parallel_loop3A_570 : i32
          %parallel_loop3A_579 = arith.index_cast %parallel_loop3A_46 : i32 to index
          %parallel_loop3A_580 = arith.index_cast %scan3A_466 : i32 to index
          %parallel_loop3A_581 = tpu.vector_load %arg8[%parallel_loop3A_579, %parallel_loop3A_580] masked %parallel_loop3A_476 {strides = array<i32>} : memref<16x2112xf32, #tpu.memory_space<vmem>>, vector<16xf32>, vector<16xi1>
          tpu.vector_store %arg8[%parallel_loop3A_579, %parallel_loop3A_580], %parallel_loop3A_474 masked %parallel_loop3A_476 {strides = array<i32>} : memref<16x2112xf32, #tpu.memory_space<vmem>>, vector<16xf32>, vector<16xi1>
          %parallel_loop3A_582 = arith.index_cast %parallel_loop3A_46 : i32 to index
          %parallel_loop3A_583 = arith.index_cast %parallel_loop3A_571 : i32 to index
          %parallel_loop3A_584 = tpu.vector_load %arg8[%parallel_loop3A_582, %parallel_loop3A_583] masked %parallel_loop3A_489 {strides = array<i32>} : memref<16x2112xf32, #tpu.memory_space<vmem>>, vector<16xf32>, vector<16xi1>
          tpu.vector_store %arg8[%parallel_loop3A_582, %parallel_loop3A_583], %parallel_loop3A_487 masked %parallel_loop3A_489 {strides = array<i32>} : memref<16x2112xf32, #tpu.memory_space<vmem>>, vector<16xf32>, vector<16xi1>
          %parallel_loop3A_585 = arith.index_cast %parallel_loop3A_46 : i32 to index
          %parallel_loop3A_586 = arith.index_cast %parallel_loop3A_572 : i32 to index
          %parallel_loop3A_587 = tpu.vector_load %arg8[%parallel_loop3A_585, %parallel_loop3A_586] masked %parallel_loop3A_502 {strides = array<i32>} : memref<16x2112xf32, #tpu.memory_space<vmem>>, vector<16xf32>, vector<16xi1>
          tpu.vector_store %arg8[%parallel_loop3A_585, %parallel_loop3A_586], %parallel_loop3A_500 masked %parallel_loop3A_502 {strides = array<i32>} : memref<16x2112xf32, #tpu.memory_space<vmem>>, vector<16xf32>, vector<16xi1>
          %parallel_loop3A_588 = arith.index_cast %parallel_loop3A_46 : i32 to index
          %parallel_loop3A_589 = arith.index_cast %parallel_loop3A_573 : i32 to index
          %parallel_loop3A_590 = tpu.vector_load %arg8[%parallel_loop3A_588, %parallel_loop3A_589] masked %parallel_loop3A_515 {strides = array<i32>} : memref<16x2112xf32, #tpu.memory_space<vmem>>, vector<16xf32>, vector<16xi1>
          tpu.vector_store %arg8[%parallel_loop3A_588, %parallel_loop3A_589], %parallel_loop3A_513 masked %parallel_loop3A_515 {strides = array<i32>} : memref<16x2112xf32, #tpu.memory_space<vmem>>, vector<16xf32>, vector<16xi1>
          %parallel_loop3A_591 = arith.index_cast %parallel_loop3A_46 : i32 to index
          %parallel_loop3A_592 = arith.index_cast %parallel_loop3A_574 : i32 to index
          %parallel_loop3A_593 = tpu.vector_load %arg8[%parallel_loop3A_591, %parallel_loop3A_592] masked %parallel_loop3A_528 {strides = array<i32>} : memref<16x2112xf32, #tpu.memory_space<vmem>>, vector<16xf32>, vector<16xi1>
          tpu.vector_store %arg8[%parallel_loop3A_591, %parallel_loop3A_592], %parallel_loop3A_526 masked %parallel_loop3A_528 {strides = array<i32>} : memref<16x2112xf32, #tpu.memory_space<vmem>>, vector<16xf32>, vector<16xi1>
          %parallel_loop3A_594 = arith.index_cast %parallel_loop3A_46 : i32 to index
          %parallel_loop3A_595 = arith.index_cast %parallel_loop3A_575 : i32 to index
          %parallel_loop3A_596 = tpu.vector_load %arg8[%parallel_loop3A_594, %parallel_loop3A_595] masked %parallel_loop3A_541 {strides = array<i32>} : memref<16x2112xf32, #tpu.memory_space<vmem>>, vector<16xf32>, vector<16xi1>
          tpu.vector_store %arg8[%parallel_loop3A_594, %parallel_loop3A_595], %parallel_loop3A_539 masked %parallel_loop3A_541 {strides = array<i32>} : memref<16x2112xf32, #tpu.memory_space<vmem>>, vector<16xf32>, vector<16xi1>
          %parallel_loop3A_597 = arith.index_cast %parallel_loop3A_46 : i32 to index
          %parallel_loop3A_598 = arith.index_cast %parallel_loop3A_576 : i32 to index
          %parallel_loop3A_599 = tpu.vector_load %arg8[%parallel_loop3A_597, %parallel_loop3A_598] masked %parallel_loop3A_554 {strides = array<i32>} : memref<16x2112xf32, #tpu.memory_space<vmem>>, vector<16xf32>, vector<16xi1>
          tpu.vector_store %arg8[%parallel_loop3A_597, %parallel_loop3A_598], %parallel_loop3A_552 masked %parallel_loop3A_554 {strides = array<i32>} : memref<16x2112xf32, #tpu.memory_space<vmem>>, vector<16xf32>, vector<16xi1>
          %parallel_loop3A_600 = arith.index_cast %parallel_loop3A_46 : i32 to index
          %parallel_loop3A_601 = arith.index_cast %parallel_loop3A_577 : i32 to index
          %parallel_loop3A_602 = tpu.vector_load %arg8[%parallel_loop3A_600, %parallel_loop3A_601] masked %parallel_loop3A_567 {strides = array<i32>} : memref<16x2112xf32, #tpu.memory_space<vmem>>, vector<16xf32>, vector<16xi1>
          tpu.vector_store %arg8[%parallel_loop3A_600, %parallel_loop3A_601], %parallel_loop3A_565 masked %parallel_loop3A_567 {strides = array<i32>} : memref<16x2112xf32, #tpu.memory_space<vmem>>, vector<16xf32>, vector<16xi1>
          scf.yield %parallel_loop3A_578 : i32
        }
        %parallel_loop3A_299 = arith.constant 16 : i32
        %parallel_loop3A_300 = arith.constant 0xFF800000 : f32
        %parallel_loop3A_301 = vector.broadcast %parallel_loop3A_300 : f32 to vector<16xf32>
        %parallel_loop3A_302 = arith.index_cast %parallel_loop3A_46 : i32 to index
        %parallel_loop3A_303 = arith.index_cast %parallel_loop3A_298 : i32 to index
        %parallel_loop3A_304 = tpu.vector_load %arg8[%parallel_loop3A_302, %parallel_loop3A_303] {strides = array<i32>} : memref<16x2112xf32, #tpu.memory_space<vmem>>, vector<16xf32>,
        tpu.vector_store %arg8[%parallel_loop3A_302, %parallel_loop3A_303], %parallel_loop3A_301 {strides = array<i32>} : memref<16x2112xf32, #tpu.memory_space<vmem>>, vector<16xf32>,
        %parallel_loop3A_305 = arith.constant 16 : i32
        %parallel_loop3A_306 = arith.addi %parallel_loop3A_298, %parallel_loop3A_305 : i32
        %parallel_loop3A_307 = arith.index_cast %parallel_loop3A_46 : i32 to index
        %parallel_loop3A_308 = arith.index_cast %parallel_loop3A_306 : i32 to index
        %parallel_loop3A_309 = tpu.vector_load %arg8[%parallel_loop3A_307, %parallel_loop3A_308] {strides = array<i32>} : memref<16x2112xf32, #tpu.memory_space<vmem>>, vector<16xf32>,
        tpu.vector_store %arg8[%parallel_loop3A_307, %parallel_loop3A_308], %parallel_loop3A_301 {strides = array<i32>} : memref<16x2112xf32, #tpu.memory_space<vmem>>, vector<16xf32>,
        %parallel_loop3A_310 = arith.constant 32 : i32
        %parallel_loop3A_311 = arith.addi %parallel_loop3A_298, %parallel_loop3A_310 : i32
        %parallel_loop3A_312 = arith.index_cast %parallel_loop3A_46 : i32 to index
        %parallel_loop3A_313 = arith.index_cast %parallel_loop3A_311 : i32 to index
        %parallel_loop3A_314 = tpu.vector_load %arg8[%parallel_loop3A_312, %parallel_loop3A_313] {strides = array<i32>} : memref<16x2112xf32, #tpu.memory_space<vmem>>, vector<16xf32>,
        tpu.vector_store %arg8[%parallel_loop3A_312, %parallel_loop3A_313], %parallel_loop3A_301 {strides = array<i32>} : memref<16x2112xf32, #tpu.memory_space<vmem>>, vector<16xf32>,
        %parallel_loop3A_315 = arith.constant 48 : i32
        %parallel_loop3A_316 = arith.addi %parallel_loop3A_298, %parallel_loop3A_315 : i32
        %parallel_loop3A_317 = arith.index_cast %parallel_loop3A_46 : i32 to index
        %parallel_loop3A_318 = arith.index_cast %parallel_loop3A_316 : i32 to index
        %parallel_loop3A_319 = tpu.vector_load %arg8[%parallel_loop3A_317, %parallel_loop3A_318] {strides = array<i32>} : memref<16x2112xf32, #tpu.memory_space<vmem>>, vector<16xf32>,
        tpu.vector_store %arg8[%parallel_loop3A_317, %parallel_loop3A_318], %parallel_loop3A_301 {strides = array<i32>} : memref<16x2112xf32, #tpu.memory_space<vmem>>, vector<16xf32>,
        %parallel_loop3A_320 = arith.index_cast %parallel_loop3A_46 : i32 to index
        %parallel_loop3A_321 = arith.constant 0 : index
        %parallel_loop3A_322 = tpu.vector_load %arg8[%parallel_loop3A_320, %parallel_loop3A_321] {strides = array<i32>} : memref<16x2112xf32, #tpu.memory_space<vmem>>, vector<16xf32>,
        %parallel_loop3A_323 = arith.index_cast %parallel_loop3A_46 : i32 to index
        %parallel_loop3A_324 = arith.constant 16 : index
        %parallel_loop3A_325 = tpu.vector_load %arg8[%parallel_loop3A_323, %parallel_loop3A_324] {strides = array<i32>} : memref<16x2112xf32, #tpu.memory_space<vmem>>, vector<16xf32>,
        %parallel_loop3A_326 = arith.index_cast %parallel_loop3A_46 : i32 to index
        %parallel_loop3A_327 = arith.constant 32 : index
        %parallel_loop3A_328 = tpu.vector_load %arg8[%parallel_loop3A_326, %parallel_loop3A_327] {strides = array<i32>} : memref<16x2112xf32, #tpu.memory_space<vmem>>, vector<16xf32>,
        %parallel_loop3A_329 = arith.index_cast %parallel_loop3A_46 : i32 to index
        %parallel_loop3A_330 = arith.constant 48 : index
        %parallel_loop3A_331 = tpu.vector_load %arg8[%parallel_loop3A_329, %parallel_loop3A_330] {strides = array<i32>} : memref<16x2112xf32, #tpu.memory_space<vmem>>, vector<16xf32>,
        %parallel_loop3A_332 = arith.constant dense<true> : vector<16xi1>
        %parallel_loop3A_333, %parallel_loop3A_334, %parallel_loop3A_335 = tpu.sort %parallel_loop3A_322, %parallel_loop3A_322 masked %parallel_loop3A_332 {descending = true} : (vector<16xf32>, vector<16xf32>, vector<16xi1>) -> (vector<16xi1>, vector<16xf32>, vector<16xf32>)
        %parallel_loop3A_336 = arith.constant dense<true> : vector<16xi1>
        %parallel_loop3A_337, %parallel_loop3A_338, %parallel_loop3A_339 = tpu.sort %parallel_loop3A_325, %parallel_loop3A_325 masked %parallel_loop3A_336 {descending = true} : (vector<16xf32>, vector<16xf32>, vector<16xi1>) -> (vector<16xi1>, vector<16xf32>, vector<16xf32>)
        %parallel_loop3A_340 = arith.constant dense<true> : vector<16xi1>
        %parallel_loop3A_341, %parallel_loop3A_342, %parallel_loop3A_343 = tpu.sort %parallel_loop3A_328, %parallel_loop3A_328 masked %parallel_loop3A_340 {descending = true} : (vector<16xf32>, vector<16xf32>, vector<16xi1>) -> (vector<16xi1>, vector<16xf32>, vector<16xf32>)
        %parallel_loop3A_344 = arith.constant dense<true> : vector<16xi1>
        %parallel_loop3A_345, %parallel_loop3A_346, %parallel_loop3A_347 = tpu.sort %parallel_loop3A_331, %parallel_loop3A_331 masked %parallel_loop3A_344 {descending = true} : (vector<16xf32>, vector<16xf32>, vector<16xi1>) -> (vector<16xi1>, vector<16xf32>, vector<16xf32>)
        %parallel_loop3A_348 = arith.constant 15 : i32
        %parallel_loop3A_349 = vector.broadcast %parallel_loop3A_348 : i32 to vector<16xi32>
        %parallel_loop3A_350 = tpu.iota {dimensions = array<i32: 0>} : vector<16xi32>
        %parallel_loop3A_351 = arith.subi %parallel_loop3A_349, %parallel_loop3A_350 : vector<16xi32>
        %parallel_loop3A_352 = tpu.dynamic_gather %parallel_loop3A_338[%parallel_loop3A_351] in [0] : vector<16xf32>, vector<16xi32> -> vector<16xf32>
        %parallel_loop3A_353 = arith.maximumf %parallel_loop3A_334, %parallel_loop3A_352 : vector<16xf32>
        %parallel_loop3A_354 = arith.constant dense<true> : vector<16xi1>
        %parallel_loop3A_355, %parallel_loop3A_356, %parallel_loop3A_357 = tpu.sort %parallel_loop3A_353, %parallel_loop3A_353 masked %parallel_loop3A_354 {descending = true} : (vector<16xf32>, vector<16xf32>, vector<16xi1>) -> (vector<16xi1>, vector<16xf32>, vector<16xf32>)
        %parallel_loop3A_358 = arith.minimumf %parallel_loop3A_334, %parallel_loop3A_352 : vector<16xf32>
        %parallel_loop3A_359 = arith.constant dense<true> : vector<16xi1>
        %parallel_loop3A_360, %parallel_loop3A_361, %parallel_loop3A_362 = tpu.sort %parallel_loop3A_358, %parallel_loop3A_358 masked %parallel_loop3A_359 {descending = true} : (vector<16xf32>, vector<16xf32>, vector<16xi1>) -> (vector<16xi1>, vector<16xf32>, vector<16xf32>)
        %parallel_loop3A_363 = arith.constant 15 : i32
        %parallel_loop3A_364 = vector.broadcast %parallel_loop3A_363 : i32 to vector<16xi32>
        %parallel_loop3A_365 = tpu.iota {dimensions = array<i32: 0>} : vector<16xi32>
        %parallel_loop3A_366 = arith.subi %parallel_loop3A_364, %parallel_loop3A_365 : vector<16xi32>
        %parallel_loop3A_367 = tpu.dynamic_gather %parallel_loop3A_346[%parallel_loop3A_366] in [0] : vector<16xf32>, vector<16xi32> -> vector<16xf32>
        %parallel_loop3A_368 = arith.maximumf %parallel_loop3A_342, %parallel_loop3A_367 : vector<16xf32>
        %parallel_loop3A_369 = arith.constant dense<true> : vector<16xi1>
        %parallel_loop3A_370, %parallel_loop3A_371, %parallel_loop3A_372 = tpu.sort %parallel_loop3A_368, %parallel_loop3A_368 masked %parallel_loop3A_369 {descending = true} : (vector<16xf32>, vector<16xf32>, vector<16xi1>) -> (vector<16xi1>, vector<16xf32>, vector<16xf32>)
        %parallel_loop3A_373 = arith.minimumf %parallel_loop3A_342, %parallel_loop3A_367 : vector<16xf32>
        %parallel_loop3A_374 = arith.constant dense<true> : vector<16xi1>
        %parallel_loop3A_375, %parallel_loop3A_376, %parallel_loop3A_377 = tpu.sort %parallel_loop3A_373, %parallel_loop3A_373 masked %parallel_loop3A_374 {descending = true} : (vector<16xf32>, vector<16xf32>, vector<16xi1>) -> (vector<16xi1>, vector<16xf32>, vector<16xf32>)
        %parallel_loop3A_378 = arith.constant 15 : i32
        %parallel_loop3A_379 = vector.broadcast %parallel_loop3A_378 : i32 to vector<16xi32>
        %parallel_loop3A_380 = tpu.iota {dimensions = array<i32: 0>} : vector<16xi32>
        %parallel_loop3A_381 = arith.subi %parallel_loop3A_379, %parallel_loop3A_380 : vector<16xi32>
        %parallel_loop3A_382 = tpu.dynamic_gather %parallel_loop3A_376[%parallel_loop3A_381] in [0] : vector<16xf32>, vector<16xi32> -> vector<16xf32>
        %parallel_loop3A_383 = arith.constant 15 : i32
        %parallel_loop3A_384 = vector.broadcast %parallel_loop3A_383 : i32 to vector<16xi32>
        %parallel_loop3A_385 = tpu.iota {dimensions = array<i32: 0>} : vector<16xi32>
        %parallel_loop3A_386 = arith.subi %parallel_loop3A_384, %parallel_loop3A_385 : vector<16xi32>
        %parallel_loop3A_387 = tpu.dynamic_gather %parallel_loop3A_371[%parallel_loop3A_386] in [0] : vector<16xf32>, vector<16xi32> -> vector<16xf32>
        %parallel_loop3A_388 = arith.maximumf %parallel_loop3A_356, %parallel_loop3A_382 : vector<16xf32>
        %parallel_loop3A_389 = arith.maximumf %parallel_loop3A_361, %parallel_loop3A_387 : vector<16xf32>
        %parallel_loop3A_390 = arith.minimumf %parallel_loop3A_356, %parallel_loop3A_382 : vector<16xf32>
        %parallel_loop3A_391 = arith.minimumf %parallel_loop3A_361, %parallel_loop3A_387 : vector<16xf32>
        %parallel_loop3A_392 = arith.maximumf %parallel_loop3A_388, %parallel_loop3A_389 : vector<16xf32>
        %parallel_loop3A_393 = arith.constant dense<true> : vector<16xi1>
        %parallel_loop3A_394, %parallel_loop3A_395, %parallel_loop3A_396 = tpu.sort %parallel_loop3A_392, %parallel_loop3A_392 masked %parallel_loop3A_393 {descending = true} : (vector<16xf32>, vector<16xf32>, vector<16xi1>) -> (vector<16xi1>, vector<16xf32>, vector<16xf32>)
        %parallel_loop3A_397 = arith.minimumf %parallel_loop3A_388, %parallel_loop3A_389 : vector<16xf32>
        %parallel_loop3A_398 = arith.constant dense<true> : vector<16xi1>
        %parallel_loop3A_399, %parallel_loop3A_400, %parallel_loop3A_401 = tpu.sort %parallel_loop3A_397, %parallel_loop3A_397 masked %parallel_loop3A_398 {descending = true} : (vector<16xf32>, vector<16xf32>, vector<16xi1>) -> (vector<16xi1>, vector<16xf32>, vector<16xf32>)
        %parallel_loop3A_402 = arith.maximumf %parallel_loop3A_390, %parallel_loop3A_391 : vector<16xf32>
        %parallel_loop3A_403 = arith.constant dense<true> : vector<16xi1>
        %parallel_loop3A_404, %parallel_loop3A_405, %parallel_loop3A_406 = tpu.sort %parallel_loop3A_402, %parallel_loop3A_402 masked %parallel_loop3A_403 {descending = true} : (vector<16xf32>, vector<16xf32>, vector<16xi1>) -> (vector<16xi1>, vector<16xf32>, vector<16xf32>)
        %parallel_loop3A_407 = arith.minimumf %parallel_loop3A_390, %parallel_loop3A_391 : vector<16xf32>
        %parallel_loop3A_408 = arith.constant dense<true> : vector<16xi1>
        %parallel_loop3A_409, %parallel_loop3A_410, %parallel_loop3A_411 = tpu.sort %parallel_loop3A_407, %parallel_loop3A_407 masked %parallel_loop3A_408 {descending = true} : (vector<16xf32>, vector<16xf32>, vector<16xi1>) -> (vector<16xi1>, vector<16xf32>, vector<16xf32>)
        %parallel_loop3A_412 = arith.constant true
        %parallel_loop3A_413 = vector.broadcast %parallel_loop3A_412 : i1 to vector<16xi1>
        %parallel_loop3A_414 = tpu.scan <min>, %parallel_loop3A_410 masked %parallel_loop3A_413 : vector<16xf32>, vector<16xi1> -> vector<16xf32>
        %parallel_loop3A_415 = vector.extract %parallel_loop3A_414[15] : f32 from vector<16xf32>
        %parallel_loop3A_416 = arith.constant 63 : i32
        %parallel_loop3A_417 = arith.addi %parallel_loop3A_298, %parallel_loop3A_416 : i32
        %parallel_loop3A_418 = arith.constant 64 : i32
        %parallel_loop3A_419 = arith.divsi %parallel_loop3A_417, %parallel_loop3A_418 : i32
        %parallel_loop3A_420 = arith.constant 0 : i32
        %parallel_loop3A_421 = arith.cmpi sgt, %parallel_loop3A_417, %parallel_loop3A_420 : i32
        %parallel_loop3A_422 = arith.extui %parallel_loop3A_421 : i1 to i32
        %parallel_loop3A_423 = arith.constant 0 : i32
        %parallel_loop3A_424 = arith.cmpi slt, %parallel_loop3A_417, %parallel_loop3A_423 : i32
        %parallel_loop3A_425 = arith.extui %parallel_loop3A_424 : i1 to i32
        %parallel_loop3A_426 = arith.subi %parallel_loop3A_422, %parallel_loop3A_425 : i32
        %parallel_loop3A_427 = arith.constant 0 : i32
        %parallel_loop3A_428 = arith.cmpi sgt, %parallel_loop3A_418, %parallel_loop3A_427 : i32
        %parallel_loop3A_429 = arith.extui %parallel_loop3A_428 : i1 to i32
        %parallel_loop3A_430 = arith.constant 0 : i32
        %parallel_loop3A_431 = arith.cmpi slt, %parallel_loop3A_418, %parallel_loop3A_430 : i32
        %parallel_loop3A_432 = arith.extui %parallel_loop3A_431 : i1 to i32
        %parallel_loop3A_433 = arith.subi %parallel_loop3A_429, %parallel_loop3A_432 : i32
        %parallel_loop3A_434 = arith.cmpi ne, %parallel_loop3A_426, %parallel_loop3A_433 : i32
        %parallel_loop3A_435 = arith.remsi %parallel_loop3A_417, %parallel_loop3A_418 : i32
        %parallel_loop3A_436 = arith.constant 0 : i32
        %parallel_loop3A_437 = arith.cmpi ne, %parallel_loop3A_435, %parallel_loop3A_436 : i32
        %parallel_loop3A_438 = arith.andi %parallel_loop3A_434, %parallel_loop3A_437 : i1
        %parallel_loop3A_439 = arith.constant 1 : i32
        %parallel_loop3A_440 = arith.subi %parallel_loop3A_419, %parallel_loop3A_439 : i32
        %parallel_loop3A_441 = arith.select %parallel_loop3A_438, %parallel_loop3A_440, %parallel_loop3A_419 : i32
        %parallel_loop3A_442 = arith.constant 1 : i32
        %parallel_loop3A_443 = arith.subi %parallel_loop3A_441, %parallel_loop3A_442 : i32
        %parallel_loop3A_444 = arith.addi %parallel_loop3A_442, %parallel_loop3A_443 : i32
        %parallel_loop3A_445 = arith.constant 1 : i32
        %parallel_loop3A_446 = arith.divsi %parallel_loop3A_443, %parallel_loop3A_445 : i32
        %parallel_loop3A_447 = arith.muli %parallel_loop3A_446, %parallel_loop3A_445 : i32
        %parallel_loop3A_448 = arith.addi %parallel_loop3A_442, %parallel_loop3A_447 : i32
        %parallel_loop3A_449 = arith.constant 1 : i32
        %parallel_loop3A_450:5 = scf.for %while3A = %parallel_loop3A_442 to %parallel_loop3A_448 step %parallel_loop3A_449 iter_args(%while3A_465 = %parallel_loop3A_395, %while3A_466 = %parallel_loop3A_400, %while3A_467 = %parallel_loop3A_405, %while3A_468 = %parallel_loop3A_410, %while3A_469 = %parallel_loop3A_415) -> (vector<16xf32>, vector<16xf32>, vector<16xf32>, vector<16xf32>, f32)  : i32 {
          %parallel_loop3A_470 = arith.constant 64 : i32
          %parallel_loop3A_471 = arith.muli %while3A, %parallel_loop3A_470 : i32
          %parallel_loop3A_472 = arith.index_cast %parallel_loop3A_46 : i32 to index
          %parallel_loop3A_473 = arith.index_cast %parallel_loop3A_471 : i32 to index
          %parallel_loop3A_474 = tpu.vector_load %arg8[%parallel_loop3A_472, %parallel_loop3A_473] {strides = array<i32>} : memref<16x2112xf32, #tpu.memory_space<vmem>>, vector<16xf32>,
          %parallel_loop3A_475 = arith.constant 16 : i32
          %parallel_loop3A_476 = arith.addi %parallel_loop3A_471, %parallel_loop3A_475 : i32
          %parallel_loop3A_477 = arith.index_cast %parallel_loop3A_46 : i32 to index
          %parallel_loop3A_478 = arith.index_cast %parallel_loop3A_476 : i32 to index
          %parallel_loop3A_479 = tpu.vector_load %arg8[%parallel_loop3A_477, %parallel_loop3A_478] {strides = array<i32>} : memref<16x2112xf32, #tpu.memory_space<vmem>>, vector<16xf32>,
          %parallel_loop3A_480 = arith.constant 32 : i32
          %parallel_loop3A_481 = arith.addi %parallel_loop3A_471, %parallel_loop3A_480 : i32
          %parallel_loop3A_482 = arith.index_cast %parallel_loop3A_46 : i32 to index
          %parallel_loop3A_483 = arith.index_cast %parallel_loop3A_481 : i32 to index
          %parallel_loop3A_484 = tpu.vector_load %arg8[%parallel_loop3A_482, %parallel_loop3A_483] {strides = array<i32>} : memref<16x2112xf32, #tpu.memory_space<vmem>>, vector<16xf32>,
          %parallel_loop3A_485 = arith.constant 48 : i32
          %parallel_loop3A_486 = arith.addi %parallel_loop3A_471, %parallel_loop3A_485 : i32
          %parallel_loop3A_487 = arith.index_cast %parallel_loop3A_46 : i32 to index
          %parallel_loop3A_488 = arith.index_cast %parallel_loop3A_486 : i32 to index
          %parallel_loop3A_489 = tpu.vector_load %arg8[%parallel_loop3A_487, %parallel_loop3A_488] {strides = array<i32>} : memref<16x2112xf32, #tpu.memory_space<vmem>>, vector<16xf32>,
          %parallel_loop3A_490 = arith.maximumf %parallel_loop3A_474, %parallel_loop3A_479 : vector<16xf32>
          %parallel_loop3A_491 = arith.maximumf %parallel_loop3A_484, %parallel_loop3A_489 : vector<16xf32>
          %parallel_loop3A_492 = arith.maximumf %parallel_loop3A_490, %parallel_loop3A_491 : vector<16xf32>
          %parallel_loop3A_493 = arith.constant true
          %parallel_loop3A_494 = vector.broadcast %parallel_loop3A_493 : i1 to vector<16xi1>
          %parallel_loop3A_495 = tpu.scan <max>, %parallel_loop3A_492 masked %parallel_loop3A_494 : vector<16xf32>, vector<16xi1> -> vector<16xf32>
          %parallel_loop3A_496 = vector.extract %parallel_loop3A_495[15] : f32 from vector<16xf32>
          %parallel_loop3A_497 = arith.cmpf ogt, %parallel_loop3A_496, %while3A_469 : f32
          %parallel_loop3A_498 = arith.extui %parallel_loop3A_497 : i1 to i32
          %parallel_loop3A_499 = arith.constant 0 : i32
          %parallel_loop3A_500 = arith.cmpi ne, %parallel_loop3A_498, %parallel_loop3A_499 : i32
          %parallel_loop3A_501:5 = scf.if %parallel_loop3A_500 -> (vector<16xf32>, vector<16xf32>, vector<16xf32>, vector<16xf32>, f32) {
            %parallel_loop3A_502 = arith.constant dense<true> : vector<16xi1>
            %parallel_loop3A_503, %parallel_loop3A_504, %parallel_loop3A_505 = tpu.sort %parallel_loop3A_474, %parallel_loop3A_474 masked %parallel_loop3A_502 {descending = true} : (vector<16xf32>, vector<16xf32>, vector<16xi1>) -> (vector<16xi1>, vector<16xf32>, vector<16xf32>)
            %parallel_loop3A_506 = arith.constant dense<true> : vector<16xi1>
            %parallel_loop3A_507, %parallel_loop3A_508, %parallel_loop3A_509 = tpu.sort %parallel_loop3A_479, %parallel_loop3A_479 masked %parallel_loop3A_506 {descending = true} : (vector<16xf32>, vector<16xf32>, vector<16xi1>) -> (vector<16xi1>, vector<16xf32>, vector<16xf32>)
            %parallel_loop3A_510 = arith.constant dense<true> : vector<16xi1>
            %parallel_loop3A_511, %parallel_loop3A_512, %parallel_loop3A_513 = tpu.sort %parallel_loop3A_484, %parallel_loop3A_484 masked %parallel_loop3A_510 {descending = true} : (vector<16xf32>, vector<16xf32>, vector<16xi1>) -> (vector<16xi1>, vector<16xf32>, vector<16xf32>)
            %parallel_loop3A_514 = arith.constant dense<true> : vector<16xi1>
            %parallel_loop3A_515, %parallel_loop3A_516, %parallel_loop3A_517 = tpu.sort %parallel_loop3A_489, %parallel_loop3A_489 masked %parallel_loop3A_514 {descending = true} : (vector<16xf32>, vector<16xf32>, vector<16xi1>) -> (vector<16xi1>, vector<16xf32>, vector<16xf32>)
            %parallel_loop3A_518 = arith.constant 15 : i32
            %parallel_loop3A_519 = vector.broadcast %parallel_loop3A_518 : i32 to vector<16xi32>
            %parallel_loop3A_520 = tpu.iota {dimensions = array<i32: 0>} : vector<16xi32>
            %parallel_loop3A_521 = arith.subi %parallel_loop3A_519, %parallel_loop3A_520 : vector<16xi32>
            %parallel_loop3A_522 = tpu.dynamic_gather %parallel_loop3A_508[%parallel_loop3A_521] in [0] : vector<16xf32>, vector<16xi32> -> vector<16xf32>
            %parallel_loop3A_523 = arith.maximumf %parallel_loop3A_504, %parallel_loop3A_522 : vector<16xf32>
            %parallel_loop3A_524 = arith.constant dense<true> : vector<16xi1>
            %parallel_loop3A_525, %parallel_loop3A_526, %parallel_loop3A_527 = tpu.sort %parallel_loop3A_523, %parallel_loop3A_523 masked %parallel_loop3A_524 {descending = true} : (vector<16xf32>, vector<16xf32>, vector<16xi1>) -> (vector<16xi1>, vector<16xf32>, vector<16xf32>)
            %parallel_loop3A_528 = arith.minimumf %parallel_loop3A_504, %parallel_loop3A_522 : vector<16xf32>
            %parallel_loop3A_529 = arith.constant dense<true> : vector<16xi1>
            %parallel_loop3A_530, %parallel_loop3A_531, %parallel_loop3A_532 = tpu.sort %parallel_loop3A_528, %parallel_loop3A_528 masked %parallel_loop3A_529 {descending = true} : (vector<16xf32>, vector<16xf32>, vector<16xi1>) -> (vector<16xi1>, vector<16xf32>, vector<16xf32>)
            %parallel_loop3A_533 = arith.constant 15 : i32
            %parallel_loop3A_534 = vector.broadcast %parallel_loop3A_533 : i32 to vector<16xi32>
            %parallel_loop3A_535 = tpu.iota {dimensions = array<i32: 0>} : vector<16xi32>
            %parallel_loop3A_536 = arith.subi %parallel_loop3A_534, %parallel_loop3A_535 : vector<16xi32>
            %parallel_loop3A_537 = tpu.dynamic_gather %parallel_loop3A_516[%parallel_loop3A_536] in [0] : vector<16xf32>, vector<16xi32> -> vector<16xf32>
            %parallel_loop3A_538 = arith.maximumf %parallel_loop3A_512, %parallel_loop3A_537 : vector<16xf32>
            %parallel_loop3A_539 = arith.constant dense<true> : vector<16xi1>
            %parallel_loop3A_540, %parallel_loop3A_541, %parallel_loop3A_542 = tpu.sort %parallel_loop3A_538, %parallel_loop3A_538 masked %parallel_loop3A_539 {descending = true} : (vector<16xf32>, vector<16xf32>, vector<16xi1>) -> (vector<16xi1>, vector<16xf32>, vector<16xf32>)
            %parallel_loop3A_543 = arith.minimumf %parallel_loop3A_512, %parallel_loop3A_537 : vector<16xf32>
            %parallel_loop3A_544 = arith.constant dense<true> : vector<16xi1>
            %parallel_loop3A_545, %parallel_loop3A_546, %parallel_loop3A_547 = tpu.sort %parallel_loop3A_543, %parallel_loop3A_543 masked %parallel_loop3A_544 {descending = true} : (vector<16xf32>, vector<16xf32>, vector<16xi1>) -> (vector<16xi1>, vector<16xf32>, vector<16xf32>)
            %parallel_loop3A_548 = arith.constant 15 : i32
            %parallel_loop3A_549 = vector.broadcast %parallel_loop3A_548 : i32 to vector<16xi32>
            %parallel_loop3A_550 = tpu.iota {dimensions = array<i32: 0>} : vector<16xi32>
            %parallel_loop3A_551 = arith.subi %parallel_loop3A_549, %parallel_loop3A_550 : vector<16xi32>
            %parallel_loop3A_552 = tpu.dynamic_gather %parallel_loop3A_546[%parallel_loop3A_551] in [0] : vector<16xf32>, vector<16xi32> -> vector<16xf32>
            %parallel_loop3A_553 = arith.constant 15 : i32
            %parallel_loop3A_554 = vector.broadcast %parallel_loop3A_553 : i32 to vector<16xi32>
            %parallel_loop3A_555 = tpu.iota {dimensions = array<i32: 0>} : vector<16xi32>
            %parallel_loop3A_556 = arith.subi %parallel_loop3A_554, %parallel_loop3A_555 : vector<16xi32>
            %parallel_loop3A_557 = tpu.dynamic_gather %parallel_loop3A_541[%parallel_loop3A_556] in [0] : vector<16xf32>, vector<16xi32> -> vector<16xf32>
            %parallel_loop3A_558 = arith.maximumf %parallel_loop3A_526, %parallel_loop3A_552 : vector<16xf32>
            %parallel_loop3A_559 = arith.maximumf %parallel_loop3A_531, %parallel_loop3A_557 : vector<16xf32>
            %parallel_loop3A_560 = arith.minimumf %parallel_loop3A_526, %parallel_loop3A_552 : vector<16xf32>
            %parallel_loop3A_561 = arith.minimumf %parallel_loop3A_531, %parallel_loop3A_557 : vector<16xf32>
            %parallel_loop3A_562 = arith.maximumf %parallel_loop3A_558, %parallel_loop3A_559 : vector<16xf32>
            %parallel_loop3A_563 = arith.constant dense<true> : vector<16xi1>
            %parallel_loop3A_564, %parallel_loop3A_565, %parallel_loop3A_566 = tpu.sort %parallel_loop3A_562, %parallel_loop3A_562 masked %parallel_loop3A_563 {descending = true} : (vector<16xf32>, vector<16xf32>, vector<16xi1>) -> (vector<16xi1>, vector<16xf32>, vector<16xf32>)
            %parallel_loop3A_567 = arith.minimumf %parallel_loop3A_558, %parallel_loop3A_559 : vector<16xf32>
            %parallel_loop3A_568 = arith.constant dense<true> : vector<16xi1>
            %parallel_loop3A_569, %parallel_loop3A_570, %parallel_loop3A_571 = tpu.sort %parallel_loop3A_567, %parallel_loop3A_567 masked %parallel_loop3A_568 {descending = true} : (vector<16xf32>, vector<16xf32>, vector<16xi1>) -> (vector<16xi1>, vector<16xf32>, vector<16xf32>)
            %parallel_loop3A_572 = arith.maximumf %parallel_loop3A_560, %parallel_loop3A_561 : vector<16xf32>
            %parallel_loop3A_573 = arith.constant dense<true> : vector<16xi1>
            %parallel_loop3A_574, %parallel_loop3A_575, %parallel_loop3A_576 = tpu.sort %parallel_loop3A_572, %parallel_loop3A_572 masked %parallel_loop3A_573 {descending = true} : (vector<16xf32>, vector<16xf32>, vector<16xi1>) -> (vector<16xi1>, vector<16xf32>, vector<16xf32>)
            %parallel_loop3A_577 = arith.minimumf %parallel_loop3A_560, %parallel_loop3A_561 : vector<16xf32>
            %parallel_loop3A_578 = arith.constant dense<true> : vector<16xi1>
            %parallel_loop3A_579, %parallel_loop3A_580, %parallel_loop3A_581 = tpu.sort %parallel_loop3A_577, %parallel_loop3A_577 masked %parallel_loop3A_578 {descending = true} : (vector<16xf32>, vector<16xf32>, vector<16xi1>) -> (vector<16xi1>, vector<16xf32>, vector<16xf32>)
            %parallel_loop3A_582 = arith.constant 15 : i32
            %parallel_loop3A_583 = vector.broadcast %parallel_loop3A_582 : i32 to vector<16xi32>
            %parallel_loop3A_584 = tpu.iota {dimensions = array<i32: 0>} : vector<16xi32>
            %parallel_loop3A_585 = arith.subi %parallel_loop3A_583, %parallel_loop3A_584 : vector<16xi32>
            %parallel_loop3A_586 = tpu.dynamic_gather %parallel_loop3A_580[%parallel_loop3A_585] in [0] : vector<16xf32>, vector<16xi32> -> vector<16xf32>
            %parallel_loop3A_587 = arith.maximumf %while3A_465, %parallel_loop3A_586 : vector<16xf32>
            %parallel_loop3A_588 = arith.constant 15 : i32
            %parallel_loop3A_589 = vector.broadcast %parallel_loop3A_588 : i32 to vector<16xi32>
            %parallel_loop3A_590 = tpu.iota {dimensions = array<i32: 0>} : vector<16xi32>
            %parallel_loop3A_591 = arith.subi %parallel_loop3A_589, %parallel_loop3A_590 : vector<16xi32>
            %parallel_loop3A_592 = tpu.dynamic_gather %parallel_loop3A_575[%parallel_loop3A_591] in [0] : vector<16xf32>, vector<16xi32> -> vector<16xf32>
            %parallel_loop3A_593 = arith.maximumf %while3A_466, %parallel_loop3A_592 : vector<16xf32>
            %parallel_loop3A_594 = arith.constant 15 : i32
            %parallel_loop3A_595 = vector.broadcast %parallel_loop3A_594 : i32 to vector<16xi32>
            %parallel_loop3A_596 = tpu.iota {dimensions = array<i32: 0>} : vector<16xi32>
            %parallel_loop3A_597 = arith.subi %parallel_loop3A_595, %parallel_loop3A_596 : vector<16xi32>
            %parallel_loop3A_598 = tpu.dynamic_gather %parallel_loop3A_570[%parallel_loop3A_597] in [0] : vector<16xf32>, vector<16xi32> -> vector<16xf32>
            %parallel_loop3A_599 = arith.maximumf %while3A_467, %parallel_loop3A_598 : vector<16xf32>
            %parallel_loop3A_600 = arith.constant 15 : i32
            %parallel_loop3A_601 = vector.broadcast %parallel_loop3A_600 : i32 to vector<16xi32>
            %parallel_loop3A_602 = tpu.iota {dimensions = array<i32: 0>} : vector<16xi32>
            %parallel_loop3A_603 = arith.subi %parallel_loop3A_601, %parallel_loop3A_602 : vector<16xi32>
            %parallel_loop3A_604 = tpu.dynamic_gather %parallel_loop3A_565[%parallel_loop3A_603] in [0] : vector<16xf32>, vector<16xi32> -> vector<16xf32>
            %parallel_loop3A_605 = arith.maximumf %while3A_468, %parallel_loop3A_604 : vector<16xf32>
            %parallel_loop3A_606 = arith.maximumf %parallel_loop3A_587, %parallel_loop3A_599 : vector<16xf32>
            %parallel_loop3A_607 = arith.maximumf %parallel_loop3A_593, %parallel_loop3A_605 : vector<16xf32>
            %parallel_loop3A_608 = arith.minimumf %parallel_loop3A_587, %parallel_loop3A_599 : vector<16xf32>
            %parallel_loop3A_609 = arith.minimumf %parallel_loop3A_593, %parallel_loop3A_605 : vector<16xf32>
            %parallel_loop3A_610 = arith.maximumf %parallel_loop3A_606, %parallel_loop3A_607 : vector<16xf32>
            %parallel_loop3A_611 = arith.constant dense<true> : vector<16xi1>
            %parallel_loop3A_612, %parallel_loop3A_613, %parallel_loop3A_614 = tpu.sort %parallel_loop3A_610, %parallel_loop3A_610 masked %parallel_loop3A_611 {descending = true} : (vector<16xf32>, vector<16xf32>, vector<16xi1>) -> (vector<16xi1>, vector<16xf32>, vector<16xf32>)
            %parallel_loop3A_615 = arith.minimumf %parallel_loop3A_606, %parallel_loop3A_607 : vector<16xf32>
            %parallel_loop3A_616 = arith.constant dense<true> : vector<16xi1>
            %parallel_loop3A_617, %parallel_loop3A_618, %parallel_loop3A_619 = tpu.sort %parallel_loop3A_615, %parallel_loop3A_615 masked %parallel_loop3A_616 {descending = true} : (vector<16xf32>, vector<16xf32>, vector<16xi1>) -> (vector<16xi1>, vector<16xf32>, vector<16xf32>)
            %parallel_loop3A_620 = arith.maximumf %parallel_loop3A_608, %parallel_loop3A_609 : vector<16xf32>
            %parallel_loop3A_621 = arith.constant dense<true> : vector<16xi1>
            %parallel_loop3A_622, %parallel_loop3A_623, %parallel_loop3A_624 = tpu.sort %parallel_loop3A_620, %parallel_loop3A_620 masked %parallel_loop3A_621 {descending = true} : (vector<16xf32>, vector<16xf32>, vector<16xi1>) -> (vector<16xi1>, vector<16xf32>, vector<16xf32>)
            %parallel_loop3A_625 = arith.minimumf %parallel_loop3A_608, %parallel_loop3A_609 : vector<16xf32>
            %parallel_loop3A_626 = arith.constant dense<true> : vector<16xi1>
            %parallel_loop3A_627, %parallel_loop3A_628, %parallel_loop3A_629 = tpu.sort %parallel_loop3A_625, %parallel_loop3A_625 masked %parallel_loop3A_626 {descending = true} : (vector<16xf32>, vector<16xf32>, vector<16xi1>) -> (vector<16xi1>, vector<16xf32>, vector<16xf32>)
            %parallel_loop3A_630 = arith.constant true
            %parallel_loop3A_631 = vector.broadcast %parallel_loop3A_630 : i1 to vector<16xi1>
            %parallel_loop3A_632 = tpu.scan <min>, %parallel_loop3A_628 masked %parallel_loop3A_631 : vector<16xf32>, vector<16xi1> -> vector<16xf32>
            %parallel_loop3A_633 = vector.extract %parallel_loop3A_632[15] : f32 from vector<16xf32>
            scf.yield %parallel_loop3A_613, %parallel_loop3A_618, %parallel_loop3A_623, %parallel_loop3A_628, %parallel_loop3A_633 : vector<16xf32>, vector<16xf32>, vector<16xf32>, vector<16xf32>, f32
          } else {
            scf.yield %while3A_465, %while3A_466, %while3A_467, %while3A_468, %while3A_469 : vector<16xf32>, vector<16xf32>, vector<16xf32>, vector<16xf32>, f32
          }
          scf.yield %parallel_loop3A_501#0, %parallel_loop3A_501#1, %parallel_loop3A_501#2, %parallel_loop3A_501#3, %parallel_loop3A_501#4 : vector<16xf32>, vector<16xf32>, vector<16xf32>, vector<16xf32>, f32
        }
        %parallel_loop3A_451 = arith.constant 1 : i32
        %parallel_loop3A_452:5 = scf.for %while3A = %parallel_loop3A_448 to %parallel_loop3A_444 step %parallel_loop3A_451 iter_args(%while3A_465 = %parallel_loop3A_450#0, %while3A_466 = %parallel_loop3A_450#1, %while3A_467 = %parallel_loop3A_450#2, %while3A_468 = %parallel_loop3A_450#3, %while3A_469 = %parallel_loop3A_450#4) -> (vector<16xf32>, vector<16xf32>, vector<16xf32>, vector<16xf32>, f32)  : i32 {
          %parallel_loop3A_470 = arith.constant 64 : i32
          %parallel_loop3A_471 = arith.muli %while3A, %parallel_loop3A_470 : i32
          %parallel_loop3A_472 = arith.index_cast %parallel_loop3A_46 : i32 to index
          %parallel_loop3A_473 = arith.index_cast %parallel_loop3A_471 : i32 to index
          %parallel_loop3A_474 = tpu.vector_load %arg8[%parallel_loop3A_472, %parallel_loop3A_473] {strides = array<i32>} : memref<16x2112xf32, #tpu.memory_space<vmem>>, vector<16xf32>,
          %parallel_loop3A_475 = arith.constant 16 : i32
          %parallel_loop3A_476 = arith.addi %parallel_loop3A_471, %parallel_loop3A_475 : i32
          %parallel_loop3A_477 = arith.index_cast %parallel_loop3A_46 : i32 to index
          %parallel_loop3A_478 = arith.index_cast %parallel_loop3A_476 : i32 to index
          %parallel_loop3A_479 = tpu.vector_load %arg8[%parallel_loop3A_477, %parallel_loop3A_478] {strides = array<i32>} : memref<16x2112xf32, #tpu.memory_space<vmem>>, vector<16xf32>,
          %parallel_loop3A_480 = arith.constant 32 : i32
          %parallel_loop3A_481 = arith.addi %parallel_loop3A_471, %parallel_loop3A_480 : i32
          %parallel_loop3A_482 = arith.index_cast %parallel_loop3A_46 : i32 to index
          %parallel_loop3A_483 = arith.index_cast %parallel_loop3A_481 : i32 to index
          %parallel_loop3A_484 = tpu.vector_load %arg8[%parallel_loop3A_482, %parallel_loop3A_483] {strides = array<i32>} : memref<16x2112xf32, #tpu.memory_space<vmem>>, vector<16xf32>,
          %parallel_loop3A_485 = arith.constant 48 : i32
          %parallel_loop3A_486 = arith.addi %parallel_loop3A_471, %parallel_loop3A_485 : i32
          %parallel_loop3A_487 = arith.index_cast %parallel_loop3A_46 : i32 to index
          %parallel_loop3A_488 = arith.index_cast %parallel_loop3A_486 : i32 to index
          %parallel_loop3A_489 = tpu.vector_load %arg8[%parallel_loop3A_487, %parallel_loop3A_488] {strides = array<i32>} : memref<16x2112xf32, #tpu.memory_space<vmem>>, vector<16xf32>,
          %parallel_loop3A_490 = arith.maximumf %parallel_loop3A_474, %parallel_loop3A_479 : vector<16xf32>
          %parallel_loop3A_491 = arith.maximumf %parallel_loop3A_484, %parallel_loop3A_489 : vector<16xf32>
          %parallel_loop3A_492 = arith.maximumf %parallel_loop3A_490, %parallel_loop3A_491 : vector<16xf32>
          %parallel_loop3A_493 = arith.constant true
          %parallel_loop3A_494 = vector.broadcast %parallel_loop3A_493 : i1 to vector<16xi1>
          %parallel_loop3A_495 = tpu.scan <max>, %parallel_loop3A_492 masked %parallel_loop3A_494 : vector<16xf32>, vector<16xi1> -> vector<16xf32>
          %parallel_loop3A_496 = vector.extract %parallel_loop3A_495[15] : f32 from vector<16xf32>
          %parallel_loop3A_497 = arith.cmpf ogt, %parallel_loop3A_496, %while3A_469 : f32
          %parallel_loop3A_498 = arith.extui %parallel_loop3A_497 : i1 to i32
          %parallel_loop3A_499 = arith.constant 0 : i32
          %parallel_loop3A_500 = arith.cmpi ne, %parallel_loop3A_498, %parallel_loop3A_499 : i32
          %parallel_loop3A_501:5 = scf.if %parallel_loop3A_500 -> (vector<16xf32>, vector<16xf32>, vector<16xf32>, vector<16xf32>, f32) {
            %parallel_loop3A_502 = arith.constant dense<true> : vector<16xi1>
            %parallel_loop3A_503, %parallel_loop3A_504, %parallel_loop3A_505 = tpu.sort %parallel_loop3A_474, %parallel_loop3A_474 masked %parallel_loop3A_502 {descending = true} : (vector<16xf32>, vector<16xf32>, vector<16xi1>) -> (vector<16xi1>, vector<16xf32>, vector<16xf32>)
            %parallel_loop3A_506 = arith.constant dense<true> : vector<16xi1>
            %parallel_loop3A_507, %parallel_loop3A_508, %parallel_loop3A_509 = tpu.sort %parallel_loop3A_479, %parallel_loop3A_479 masked %parallel_loop3A_506 {descending = true} : (vector<16xf32>, vector<16xf32>, vector<16xi1>) -> (vector<16xi1>, vector<16xf32>, vector<16xf32>)
            %parallel_loop3A_510 = arith.constant dense<true> : vector<16xi1>
            %parallel_loop3A_511, %parallel_loop3A_512, %parallel_loop3A_513 = tpu.sort %parallel_loop3A_484, %parallel_loop3A_484 masked %parallel_loop3A_510 {descending = true} : (vector<16xf32>, vector<16xf32>, vector<16xi1>) -> (vector<16xi1>, vector<16xf32>, vector<16xf32>)
            %parallel_loop3A_514 = arith.constant dense<true> : vector<16xi1>
            %parallel_loop3A_515, %parallel_loop3A_516, %parallel_loop3A_517 = tpu.sort %parallel_loop3A_489, %parallel_loop3A_489 masked %parallel_loop3A_514 {descending = true} : (vector<16xf32>, vector<16xf32>, vector<16xi1>) -> (vector<16xi1>, vector<16xf32>, vector<16xf32>)
            %parallel_loop3A_518 = arith.constant 15 : i32
            %parallel_loop3A_519 = vector.broadcast %parallel_loop3A_518 : i32 to vector<16xi32>
            %parallel_loop3A_520 = tpu.iota {dimensions = array<i32: 0>} : vector<16xi32>
            %parallel_loop3A_521 = arith.subi %parallel_loop3A_519, %parallel_loop3A_520 : vector<16xi32>
            %parallel_loop3A_522 = tpu.dynamic_gather %parallel_loop3A_508[%parallel_loop3A_521] in [0] : vector<16xf32>, vector<16xi32> -> vector<16xf32>
            %parallel_loop3A_523 = arith.maximumf %parallel_loop3A_504, %parallel_loop3A_522 : vector<16xf32>
            %parallel_loop3A_524 = arith.constant dense<true> : vector<16xi1>
            %parallel_loop3A_525, %parallel_loop3A_526, %parallel_loop3A_527 = tpu.sort %parallel_loop3A_523, %parallel_loop3A_523 masked %parallel_loop3A_524 {descending = true} : (vector<16xf32>, vector<16xf32>, vector<16xi1>) -> (vector<16xi1>, vector<16xf32>, vector<16xf32>)
            %parallel_loop3A_528 = arith.minimumf %parallel_loop3A_504, %parallel_loop3A_522 : vector<16xf32>
            %parallel_loop3A_529 = arith.constant dense<true> : vector<16xi1>
            %parallel_loop3A_530, %parallel_loop3A_531, %parallel_loop3A_532 = tpu.sort %parallel_loop3A_528, %parallel_loop3A_528 masked %parallel_loop3A_529 {descending = true} : (vector<16xf32>, vector<16xf32>, vector<16xi1>) -> (vector<16xi1>, vector<16xf32>, vector<16xf32>)
            %parallel_loop3A_533 = arith.constant 15 : i32
            %parallel_loop3A_534 = vector.broadcast %parallel_loop3A_533 : i32 to vector<16xi32>
            %parallel_loop3A_535 = tpu.iota {dimensions = array<i32: 0>} : vector<16xi32>
            %parallel_loop3A_536 = arith.subi %parallel_loop3A_534, %parallel_loop3A_535 : vector<16xi32>
            %parallel_loop3A_537 = tpu.dynamic_gather %parallel_loop3A_516[%parallel_loop3A_536] in [0] : vector<16xf32>, vector<16xi32> -> vector<16xf32>
            %parallel_loop3A_538 = arith.maximumf %parallel_loop3A_512, %parallel_loop3A_537 : vector<16xf32>
            %parallel_loop3A_539 = arith.constant dense<true> : vector<16xi1>
            %parallel_loop3A_540, %parallel_loop3A_541, %parallel_loop3A_542 = tpu.sort %parallel_loop3A_538, %parallel_loop3A_538 masked %parallel_loop3A_539 {descending = true} : (vector<16xf32>, vector<16xf32>, vector<16xi1>) -> (vector<16xi1>, vector<16xf32>, vector<16xf32>)
            %parallel_loop3A_543 = arith.minimumf %parallel_loop3A_512, %parallel_loop3A_537 : vector<16xf32>
            %parallel_loop3A_544 = arith.constant dense<true> : vector<16xi1>
            %parallel_loop3A_545, %parallel_loop3A_546, %parallel_loop3A_547 = tpu.sort %parallel_loop3A_543, %parallel_loop3A_543 masked %parallel_loop3A_544 {descending = true} : (vector<16xf32>, vector<16xf32>, vector<16xi1>) -> (vector<16xi1>, vector<16xf32>, vector<16xf32>)
            %parallel_loop3A_548 = arith.constant 15 : i32
            %parallel_loop3A_549 = vector.broadcast %parallel_loop3A_548 : i32 to vector<16xi32>
            %parallel_loop3A_550 = tpu.iota {dimensions = array<i32: 0>} : vector<16xi32>
            %parallel_loop3A_551 = arith.subi %parallel_loop3A_549, %parallel_loop3A_550 : vector<16xi32>
            %parallel_loop3A_552 = tpu.dynamic_gather %parallel_loop3A_546[%parallel_loop3A_551] in [0] : vector<16xf32>, vector<16xi32> -> vector<16xf32>
            %parallel_loop3A_553 = arith.constant 15 : i32
            %parallel_loop3A_554 = vector.broadcast %parallel_loop3A_553 : i32 to vector<16xi32>
            %parallel_loop3A_555 = tpu.iota {dimensions = array<i32: 0>} : vector<16xi32>
            %parallel_loop3A_556 = arith.subi %parallel_loop3A_554, %parallel_loop3A_555 : vector<16xi32>
            %parallel_loop3A_557 = tpu.dynamic_gather %parallel_loop3A_541[%parallel_loop3A_556] in [0] : vector<16xf32>, vector<16xi32> -> vector<16xf32>
            %parallel_loop3A_558 = arith.maximumf %parallel_loop3A_526, %parallel_loop3A_552 : vector<16xf32>
            %parallel_loop3A_559 = arith.maximumf %parallel_loop3A_531, %parallel_loop3A_557 : vector<16xf32>
            %parallel_loop3A_560 = arith.minimumf %parallel_loop3A_526, %parallel_loop3A_552 : vector<16xf32>
            %parallel_loop3A_561 = arith.minimumf %parallel_loop3A_531, %parallel_loop3A_557 : vector<16xf32>
            %parallel_loop3A_562 = arith.maximumf %parallel_loop3A_558, %parallel_loop3A_559 : vector<16xf32>
            %parallel_loop3A_563 = arith.constant dense<true> : vector<16xi1>
            %parallel_loop3A_564, %parallel_loop3A_565, %parallel_loop3A_566 = tpu.sort %parallel_loop3A_562, %parallel_loop3A_562 masked %parallel_loop3A_563 {descending = true} : (vector<16xf32>, vector<16xf32>, vector<16xi1>) -> (vector<16xi1>, vector<16xf32>, vector<16xf32>)
            %parallel_loop3A_567 = arith.minimumf %parallel_loop3A_558, %parallel_loop3A_559 : vector<16xf32>
            %parallel_loop3A_568 = arith.constant dense<true> : vector<16xi1>
            %parallel_loop3A_569, %parallel_loop3A_570, %parallel_loop3A_571 = tpu.sort %parallel_loop3A_567, %parallel_loop3A_567 masked %parallel_loop3A_568 {descending = true} : (vector<16xf32>, vector<16xf32>, vector<16xi1>) -> (vector<16xi1>, vector<16xf32>, vector<16xf32>)
            %parallel_loop3A_572 = arith.maximumf %parallel_loop3A_560, %parallel_loop3A_561 : vector<16xf32>
            %parallel_loop3A_573 = arith.constant dense<true> : vector<16xi1>
            %parallel_loop3A_574, %parallel_loop3A_575, %parallel_loop3A_576 = tpu.sort %parallel_loop3A_572, %parallel_loop3A_572 masked %parallel_loop3A_573 {descending = true} : (vector<16xf32>, vector<16xf32>, vector<16xi1>) -> (vector<16xi1>, vector<16xf32>, vector<16xf32>)
            %parallel_loop3A_577 = arith.minimumf %parallel_loop3A_560, %parallel_loop3A_561 : vector<16xf32>
            %parallel_loop3A_578 = arith.constant dense<true> : vector<16xi1>
            %parallel_loop3A_579, %parallel_loop3A_580, %parallel_loop3A_581 = tpu.sort %parallel_loop3A_577, %parallel_loop3A_577 masked %parallel_loop3A_578 {descending = true} : (vector<16xf32>, vector<16xf32>, vector<16xi1>) -> (vector<16xi1>, vector<16xf32>, vector<16xf32>)
            %parallel_loop3A_582 = arith.constant 15 : i32
            %parallel_loop3A_583 = vector.broadcast %parallel_loop3A_582 : i32 to vector<16xi32>
            %parallel_loop3A_584 = tpu.iota {dimensions = array<i32: 0>} : vector<16xi32>
            %parallel_loop3A_585 = arith.subi %parallel_loop3A_583, %parallel_loop3A_584 : vector<16xi32>
            %parallel_loop3A_586 = tpu.dynamic_gather %parallel_loop3A_580[%parallel_loop3A_585] in [0] : vector<16xf32>, vector<16xi32> -> vector<16xf32>
            %parallel_loop3A_587 = arith.maximumf %while3A_465, %parallel_loop3A_586 : vector<16xf32>
            %parallel_loop3A_588 = arith.constant 15 : i32
            %parallel_loop3A_589 = vector.broadcast %parallel_loop3A_588 : i32 to vector<16xi32>
            %parallel_loop3A_590 = tpu.iota {dimensions = array<i32: 0>} : vector<16xi32>
            %parallel_loop3A_591 = arith.subi %parallel_loop3A_589, %parallel_loop3A_590 : vector<16xi32>
            %parallel_loop3A_592 = tpu.dynamic_gather %parallel_loop3A_575[%parallel_loop3A_591] in [0] : vector<16xf32>, vector<16xi32> -> vector<16xf32>
            %parallel_loop3A_593 = arith.maximumf %while3A_466, %parallel_loop3A_592 : vector<16xf32>
            %parallel_loop3A_594 = arith.constant 15 : i32
            %parallel_loop3A_595 = vector.broadcast %parallel_loop3A_594 : i32 to vector<16xi32>
            %parallel_loop3A_596 = tpu.iota {dimensions = array<i32: 0>} : vector<16xi32>
            %parallel_loop3A_597 = arith.subi %parallel_loop3A_595, %parallel_loop3A_596 : vector<16xi32>
            %parallel_loop3A_598 = tpu.dynamic_gather %parallel_loop3A_570[%parallel_loop3A_597] in [0] : vector<16xf32>, vector<16xi32> -> vector<16xf32>
            %parallel_loop3A_599 = arith.maximumf %while3A_467, %parallel_loop3A_598 : vector<16xf32>
            %parallel_loop3A_600 = arith.constant 15 : i32
            %parallel_loop3A_601 = vector.broadcast %parallel_loop3A_600 : i32 to vector<16xi32>
            %parallel_loop3A_602 = tpu.iota {dimensions = array<i32: 0>} : vector<16xi32>
            %parallel_loop3A_603 = arith.subi %parallel_loop3A_601, %parallel_loop3A_602 : vector<16xi32>
            %parallel_loop3A_604 = tpu.dynamic_gather %parallel_loop3A_565[%parallel_loop3A_603] in [0] : vector<16xf32>, vector<16xi32> -> vector<16xf32>
            %parallel_loop3A_605 = arith.maximumf %while3A_468, %parallel_loop3A_604 : vector<16xf32>
            %parallel_loop3A_606 = arith.maximumf %parallel_loop3A_587, %parallel_loop3A_599 : vector<16xf32>
            %parallel_loop3A_607 = arith.maximumf %parallel_loop3A_593, %parallel_loop3A_605 : vector<16xf32>
            %parallel_loop3A_608 = arith.minimumf %parallel_loop3A_587, %parallel_loop3A_599 : vector<16xf32>
            %parallel_loop3A_609 = arith.minimumf %parallel_loop3A_593, %parallel_loop3A_605 : vector<16xf32>
            %parallel_loop3A_610 = arith.maximumf %parallel_loop3A_606, %parallel_loop3A_607 : vector<16xf32>
            %parallel_loop3A_611 = arith.constant dense<true> : vector<16xi1>
            %parallel_loop3A_612, %parallel_loop3A_613, %parallel_loop3A_614 = tpu.sort %parallel_loop3A_610, %parallel_loop3A_610 masked %parallel_loop3A_611 {descending = true} : (vector<16xf32>, vector<16xf32>, vector<16xi1>) -> (vector<16xi1>, vector<16xf32>, vector<16xf32>)
            %parallel_loop3A_615 = arith.minimumf %parallel_loop3A_606, %parallel_loop3A_607 : vector<16xf32>
            %parallel_loop3A_616 = arith.constant dense<true> : vector<16xi1>
            %parallel_loop3A_617, %parallel_loop3A_618, %parallel_loop3A_619 = tpu.sort %parallel_loop3A_615, %parallel_loop3A_615 masked %parallel_loop3A_616 {descending = true} : (vector<16xf32>, vector<16xf32>, vector<16xi1>) -> (vector<16xi1>, vector<16xf32>, vector<16xf32>)
            %parallel_loop3A_620 = arith.maximumf %parallel_loop3A_608, %parallel_loop3A_609 : vector<16xf32>
            %parallel_loop3A_621 = arith.constant dense<true> : vector<16xi1>
            %parallel_loop3A_622, %parallel_loop3A_623, %parallel_loop3A_624 = tpu.sort %parallel_loop3A_620, %parallel_loop3A_620 masked %parallel_loop3A_621 {descending = true} : (vector<16xf32>, vector<16xf32>, vector<16xi1>) -> (vector<16xi1>, vector<16xf32>, vector<16xf32>)
            %parallel_loop3A_625 = arith.minimumf %parallel_loop3A_608, %parallel_loop3A_609 : vector<16xf32>
            %parallel_loop3A_626 = arith.constant dense<true> : vector<16xi1>
            %parallel_loop3A_627, %parallel_loop3A_628, %parallel_loop3A_629 = tpu.sort %parallel_loop3A_625, %parallel_loop3A_625 masked %parallel_loop3A_626 {descending = true} : (vector<16xf32>, vector<16xf32>, vector<16xi1>) -> (vector<16xi1>, vector<16xf32>, vector<16xf32>)
            %parallel_loop3A_630 = arith.constant true
            %parallel_loop3A_631 = vector.broadcast %parallel_loop3A_630 : i1 to vector<16xi1>
            %parallel_loop3A_632 = tpu.scan <min>, %parallel_loop3A_628 masked %parallel_loop3A_631 : vector<16xf32>, vector<16xi1> -> vector<16xf32>
            %parallel_loop3A_633 = vector.extract %parallel_loop3A_632[15] : f32 from vector<16xf32>
            scf.yield %parallel_loop3A_613, %parallel_loop3A_618, %parallel_loop3A_623, %parallel_loop3A_628, %parallel_loop3A_633 : vector<16xf32>, vector<16xf32>, vector<16xf32>, vector<16xf32>, f32
          } else {
            scf.yield %while3A_465, %while3A_466, %while3A_467, %while3A_468, %while3A_469 : vector<16xf32>, vector<16xf32>, vector<16xf32>, vector<16xf32>, f32
          }
          scf.yield %parallel_loop3A_501#0, %parallel_loop3A_501#1, %parallel_loop3A_501#2, %parallel_loop3A_501#3, %parallel_loop3A_501#4 : vector<16xf32>, vector<16xf32>, vector<16xf32>, vector<16xf32>, f32
        }
        %parallel_loop3A_453 = arith.index_cast %parallel_loop3A_46 : i32 to index
        %parallel_loop3A_454 = arith.constant 0 : index
        %parallel_loop3A_455 = tpu.vector_load %arg6[%parallel_loop3A_453, %parallel_loop3A_454] {strides = array<i32>} : memref<16x64xf32, #tpu.memory_space<vmem>>, vector<16xf32>,
        tpu.vector_store %arg6[%parallel_loop3A_453, %parallel_loop3A_454], %parallel_loop3A_452#0 {strides = array<i32>} : memref<16x64xf32, #tpu.memory_space<vmem>>, vector<16xf32>,
        %parallel_loop3A_456 = arith.index_cast %parallel_loop3A_46 : i32 to index
        %parallel_loop3A_457 = arith.constant 16 : index
        %parallel_loop3A_458 = tpu.vector_load %arg6[%parallel_loop3A_456, %parallel_loop3A_457] {strides = array<i32>} : memref<16x64xf32, #tpu.memory_space<vmem>>, vector<16xf32>,
        tpu.vector_store %arg6[%parallel_loop3A_456, %parallel_loop3A_457], %parallel_loop3A_452#1 {strides = array<i32>} : memref<16x64xf32, #tpu.memory_space<vmem>>, vector<16xf32>,
        %parallel_loop3A_459 = arith.index_cast %parallel_loop3A_46 : i32 to index
        %parallel_loop3A_460 = arith.constant 32 : index
        %parallel_loop3A_461 = tpu.vector_load %arg6[%parallel_loop3A_459, %parallel_loop3A_460] {strides = array<i32>} : memref<16x64xf32, #tpu.memory_space<vmem>>, vector<16xf32>,
        tpu.vector_store %arg6[%parallel_loop3A_459, %parallel_loop3A_460], %parallel_loop3A_452#2 {strides = array<i32>} : memref<16x64xf32, #tpu.memory_space<vmem>>, vector<16xf32>,
        %parallel_loop3A_462 = arith.index_cast %parallel_loop3A_46 : i32 to index
        %parallel_loop3A_463 = arith.constant 48 : index
        %parallel_loop3A_464 = tpu.vector_load %arg6[%parallel_loop3A_462, %parallel_loop3A_463] {strides = array<i32>} : memref<16x64xf32, #tpu.memory_space<vmem>>, vector<16xf32>,
        tpu.vector_store %arg6[%parallel_loop3A_462, %parallel_loop3A_463], %parallel_loop3A_452#3 {strides = array<i32>} : memref<16x64xf32, #tpu.memory_space<vmem>>, vector<16xf32>,
      } {sc.loop_unroll_factor = 3 : i64, sc.parallel_access}
      "tpu.region"() ({
        %run_scoped3A = tpu.sem_alloc : memref<!tpu.dma_semaphore, #tpu.memory_space<semaphore_mem>>
        %dma_start3A_46 = arith.constant 0 : i32
        %dma_start3A_47 = tpu.memref_slice %arg4[%add3A_26, %dma_start3A_46] : memref<65536x64xf32, #tpu.memory_space<hbm>> -> memref<16x64xf32, #tpu.memory_space<hbm>>
        %dma_start3A_48 = arith.constant 0 : i32
        %dma_start3A_49 = tpu.memref_slice %arg4[%add3A_26, %dma_start3A_48] : memref<65536x64xf32, #tpu.memory_space<hbm>> -> memref<16x64xf32, #tpu.memory_space<hbm>>
        tpu.enqueue_dma source(%arg6 : memref<16x64xf32, #tpu.memory_space<vmem>>) target(%dma_start3A_49 : memref<16x64xf32, #tpu.memory_space<hbm>>) target_semaphore(%run_scoped3A : memref<!tpu.dma_semaphore, #tpu.memory_space<semaphore_mem>>)
        %dma_wait3A_50 = arith.constant 0 : i32
        %dma_wait3A_51 = tpu.memref_slice %arg4[%add3A_26, %dma_wait3A_50] : memref<65536x64xf32, #tpu.memory_space<hbm>> -> memref<16x64xf32, #tpu.memory_space<hbm>>
        %dma_wait3A_52 = arith.constant 0 : i32
        %dma_wait3A_53 = tpu.memref_slice %arg4[%add3A_26, %dma_wait3A_52] : memref<65536x64xf32, #tpu.memory_space<hbm>> -> memref<16x64xf32, #tpu.memory_space<hbm>>
        tpu.wait_dma2 semaphore(%run_scoped3A : memref<!tpu.dma_semaphore, #tpu.memory_space<semaphore_mem>>) src(%arg6 : memref<16x64xf32, #tpu.memory_space<vmem>>) dst(%dma_wait3A_53 : memref<16x64xf32, #tpu.memory_space<hbm>>)
        tpu.yield
      }) : () -> ()
    }
    %scan3A_21 = arith.constant 128 : i32
    return
  }
}

module attributes {stable_mosaic.version = 14 : i64} {
  func.func @_proj_heads_kernel(%arg0: i32, %arg1: i32, %arg2: memref<512x1024xf32, #tpu.memory_space<vmem>>, %arg3: memref<1x1024x64xf32, #tpu.memory_space<vmem>>, %arg4: memref<1x1x64xf32, #tpu.memory_space<vmem>>, %arg5: memref<1x512x64xf32, #tpu.memory_space<vmem>>) attributes {dimension_semantics = [#tpu.dimension_semantics<arbitrary>, #tpu.dimension_semantics<arbitrary>], iteration_bounds = array<i64: 8, 16>, scalar_prefetch = 0 : i64, scratch_operands = 0 : i64, tpu.core_type = #tpu.core_type<tc>, window_params = [{transform_indices = @transform_0, window_bounds = array<i64: 512, 1024>}, {transform_indices = @transform_1, window_bounds = array<i64: 1, 1024, 64>}, {transform_indices = @transform_2, window_bounds = array<i64: 1, 1, 64>}, {transform_indices = @transform_3, window_bounds = array<i64: 1, 512, 64>}]} {
    %get3A = arith.constant 0 : index
    %get3A_0 = arith.constant 0 : index
    %get3A_1 = vector.load %arg2[%get3A, %get3A_0] : memref<512x1024xf32, #tpu.memory_space<vmem>>, vector<512x1024xf32>
    %get3A_2 = arith.constant 0 : index
    %get3A_3 = arith.constant 0 : index
    %get3A_4 = arith.constant 0 : index
    %get3A_5 = vector.load %arg3[%get3A_2, %get3A_3, %get3A_4] : memref<1x1024x64xf32, #tpu.memory_space<vmem>>, vector<1x1024x64xf32>
    %get3A_6 = vector.shape_cast %get3A_5 : vector<1x1024x64xf32> to vector<1024x64xf32>
    %dot_general3A = arith.constant dense<0.000000e+00> : vector<512x64xf32>
    %dot_general3A_7 = tpu.matmul %get3A_1, %get3A_6, %dot_general3A {dimension_numbers = #tpu.dot_dimension_numbers<[1], [0], [0], [1], [0, 0, 1, 1], [], []>, transpose_lhs_hint = false} : vector<512x1024xf32>, vector<1024x64xf32>, vector<512x64xf32> -> vector<512x64xf32>
    %get3A_8 = arith.constant 0 : index
    %get3A_9 = arith.constant 0 : index
    %get3A_10 = arith.constant 0 : index
    %get3A_11 = vector.load %arg4[%get3A_8, %get3A_9, %get3A_10] : memref<1x1x64xf32, #tpu.memory_space<vmem>>, vector<1x1x64xf32>
    %get3A_12 = vector.shape_cast %get3A_11 : vector<1x1x64xf32> to vector<1x64xf32>
    %add3A = vector.broadcast %get3A_12 : vector<1x64xf32> to vector<512x64xf32>
    %add3A_13 = arith.addf %dot_general3A_7, %add3A : vector<512x64xf32>
    %swap3A = arith.constant 0 : index
    %swap3A_14 = arith.constant 0 : index
    %swap3A_15 = arith.constant 0 : index
    %swap3A_16 = vector.load %arg5[%swap3A, %swap3A_14, %swap3A_15] : memref<1x512x64xf32, #tpu.memory_space<vmem>>, vector<1x512x64xf32>
    %swap3A_17 = vector.shape_cast %swap3A_16 : vector<1x512x64xf32> to vector<512x64xf32>
    %swap3A_18 = vector.shape_cast %add3A_13 : vector<512x64xf32> to vector<1x512x64xf32>
    tpu.vector_store %arg5[%swap3A, %swap3A_14, %swap3A_15], %swap3A_18 {strides = array<i32>} : memref<1x512x64xf32, #tpu.memory_space<vmem>>, vector<1x512x64xf32>,
    return
  }
  func.func @transform_0(%arg0: i32, %arg1: i32) -> (i32, i32) {
    %c0_i32 = arith.constant 0 : i32
    %c0_i32_0 = arith.constant 0 : i32
    return %arg0, %c0_i32 : i32, i32
  }
  func.func @transform_1(%arg0: i32, %arg1: i32) -> (i32, i32, i32) {
    %c0_i32 = arith.constant 0 : i32
    %c0_i32_0 = arith.constant 0 : i32
    %c0_i32_1 = arith.constant 0 : i32
    return %arg1, %c0_i32, %c0_i32_0 : i32, i32, i32
  }
  func.func @transform_2(%arg0: i32, %arg1: i32) -> (i32, i32, i32) {
    %c0_i32 = arith.constant 0 : i32
    %c0_i32_0 = arith.constant 0 : i32
    %c0_i32_1 = arith.constant 0 : i32
    return %arg1, %c0_i32, %c0_i32_0 : i32, i32, i32
  }
  func.func @transform_3(%arg0: i32, %arg1: i32) -> (i32, i32, i32) {
    %c0_i32 = arith.constant 0 : i32
    %c0_i32_0 = arith.constant 0 : i32
    return %arg1, %arg0, %c0_i32 : i32, i32, i32
  }
}

module attributes {stable_mosaic.version = 14 : i64} {
  func.func @_scores_kernel(%arg0: i32, %arg1: i32, %arg2: i32, %arg3: memref<1x512x64xf32, #tpu.memory_space<vmem>>, %arg4: memref<1x2048x64xf32, #tpu.memory_space<vmem>>, %arg5: memref<1x512x2048xf32, #tpu.memory_space<vmem>>, %arg6: memref<1x512x128xf32, #tpu.memory_space<vmem>>) attributes {dimension_semantics = [#tpu.dimension_semantics<arbitrary>, #tpu.dimension_semantics<arbitrary>, #tpu.dimension_semantics<arbitrary>], iteration_bounds = array<i64: 2, 16, 4>, scalar_prefetch = 0 : i64, scratch_operands = 0 : i64, tpu.core_type = #tpu.core_type<tc>, window_params = [{transform_indices = @transform_0, window_bounds = array<i64: 1, 512, 64>}, {transform_indices = @transform_1, window_bounds = array<i64: 1, 2048, 64>}, {transform_indices = @transform_2, window_bounds = array<i64: 1, 512, 2048>}, {transform_indices = @transform_3, window_bounds = array<i64: 1, 512, 128>}]} {
    %get3A = arith.constant 0 : index
    %get3A_0 = arith.constant 0 : index
    %get3A_1 = arith.constant 0 : index
    %get3A_2 = vector.load %arg3[%get3A, %get3A_0, %get3A_1] : memref<1x512x64xf32, #tpu.memory_space<vmem>>, vector<1x512x64xf32>
    %get3A_3 = vector.shape_cast %get3A_2 : vector<1x512x64xf32> to vector<512x64xf32>
    %get3A_4 = arith.constant 0 : index
    %get3A_5 = arith.constant 0 : index
    %get3A_6 = arith.constant 0 : index
    %get3A_7 = vector.load %arg4[%get3A_4, %get3A_5, %get3A_6] : memref<1x2048x64xf32, #tpu.memory_space<vmem>>, vector<1x2048x64xf32>
    %get3A_8 = vector.shape_cast %get3A_7 : vector<1x2048x64xf32> to vector<2048x64xf32>
    %dot_general3A = arith.constant dense<0.000000e+00> : vector<512x2048xf32>
    %dot_general3A_9 = tpu.matmul %get3A_3, %get3A_8, %dot_general3A {dimension_numbers = #tpu.dot_dimension_numbers<[1], [1], [0], [0], [0, 0, 1, 0], [], []>, transpose_lhs_hint = false} : vector<512x64xf32>, vector<2048x64xf32>, vector<512x2048xf32> -> vector<512x2048xf32>
    %mul3A = arith.constant 1.250000e-01 : f32
    %mul3A_10 = vector.broadcast %mul3A : f32 to vector<512x2048xf32>
    %mul3A_11 = arith.mulf %dot_general3A_9, %mul3A_10 : vector<512x2048xf32>
    %swap3A = arith.constant 0 : index
    %swap3A_12 = arith.constant 0 : index
    %swap3A_13 = arith.constant 0 : index
    %swap3A_14 = vector.load %arg5[%swap3A, %swap3A_12, %swap3A_13] : memref<1x512x2048xf32, #tpu.memory_space<vmem>>, vector<1x512x2048xf32>
    %swap3A_15 = vector.shape_cast %swap3A_14 : vector<1x512x2048xf32> to vector<512x2048xf32>
    %swap3A_16 = vector.shape_cast %mul3A_11 : vector<512x2048xf32> to vector<1x512x2048xf32>
    tpu.vector_store %arg5[%swap3A, %swap3A_12, %swap3A_13], %swap3A_16 {strides = array<i32>} : memref<1x512x2048xf32, #tpu.memory_space<vmem>>, vector<1x512x2048xf32>,
    %slice3A = vector.extract_strided_slice %mul3A_11 {offsets = [0, 0], sizes = [512, 128], strides = [1, 1]} : vector<512x2048xf32> to vector<512x128xf32>
    %slice3A_17 = vector.extract_strided_slice %mul3A_11 {offsets = [0, 128], sizes = [512, 128], strides = [1, 1]} : vector<512x2048xf32> to vector<512x128xf32>
    %max3A = arith.maximumf %slice3A, %slice3A_17 : vector<512x128xf32>
    %slice3A_18 = vector.extract_strided_slice %mul3A_11 {offsets = [0, 256], sizes = [512, 128], strides = [1, 1]} : vector<512x2048xf32> to vector<512x128xf32>
    %max3A_19 = arith.maximumf %max3A, %slice3A_18 : vector<512x128xf32>
    %slice3A_20 = vector.extract_strided_slice %mul3A_11 {offsets = [0, 384], sizes = [512, 128], strides = [1, 1]} : vector<512x2048xf32> to vector<512x128xf32>
    %max3A_21 = arith.maximumf %max3A_19, %slice3A_20 : vector<512x128xf32>
    %slice3A_22 = vector.extract_strided_slice %mul3A_11 {offsets = [0, 512], sizes = [512, 128], strides = [1, 1]} : vector<512x2048xf32> to vector<512x128xf32>
    %max3A_23 = arith.maximumf %max3A_21, %slice3A_22 : vector<512x128xf32>
    %slice3A_24 = vector.extract_strided_slice %mul3A_11 {offsets = [0, 640], sizes = [512, 128], strides = [1, 1]} : vector<512x2048xf32> to vector<512x128xf32>
    %max3A_25 = arith.maximumf %max3A_23, %slice3A_24 : vector<512x128xf32>
    %slice3A_26 = vector.extract_strided_slice %mul3A_11 {offsets = [0, 768], sizes = [512, 128], strides = [1, 1]} : vector<512x2048xf32> to vector<512x128xf32>
    %max3A_27 = arith.maximumf %max3A_25, %slice3A_26 : vector<512x128xf32>
    %slice3A_28 = vector.extract_strided_slice %mul3A_11 {offsets = [0, 896], sizes = [512, 128], strides = [1, 1]} : vector<512x2048xf32> to vector<512x128xf32>
    %max3A_29 = arith.maximumf %max3A_27, %slice3A_28 : vector<512x128xf32>
    %slice3A_30 = vector.extract_strided_slice %mul3A_11 {offsets = [0, 1024], sizes = [512, 128], strides = [1, 1]} : vector<512x2048xf32> to vector<512x128xf32>
    %max3A_31 = arith.maximumf %max3A_29, %slice3A_30 : vector<512x128xf32>
    %slice3A_32 = vector.extract_strided_slice %mul3A_11 {offsets = [0, 1152], sizes = [512, 128], strides = [1, 1]} : vector<512x2048xf32> to vector<512x128xf32>
    %max3A_33 = arith.maximumf %max3A_31, %slice3A_32 : vector<512x128xf32>
    %slice3A_34 = vector.extract_strided_slice %mul3A_11 {offsets = [0, 1280], sizes = [512, 128], strides = [1, 1]} : vector<512x2048xf32> to vector<512x128xf32>
    %max3A_35 = arith.maximumf %max3A_33, %slice3A_34 : vector<512x128xf32>
    %slice3A_36 = vector.extract_strided_slice %mul3A_11 {offsets = [0, 1408], sizes = [512, 128], strides = [1, 1]} : vector<512x2048xf32> to vector<512x128xf32>
    %max3A_37 = arith.maximumf %max3A_35, %slice3A_36 : vector<512x128xf32>
    %slice3A_38 = vector.extract_strided_slice %mul3A_11 {offsets = [0, 1536], sizes = [512, 128], strides = [1, 1]} : vector<512x2048xf32> to vector<512x128xf32>
    %max3A_39 = arith.maximumf %max3A_37, %slice3A_38 : vector<512x128xf32>
    %slice3A_40 = vector.extract_strided_slice %mul3A_11 {offsets = [0, 1664], sizes = [512, 128], strides = [1, 1]} : vector<512x2048xf32> to vector<512x128xf32>
    %max3A_41 = arith.maximumf %max3A_39, %slice3A_40 : vector<512x128xf32>
    %slice3A_42 = vector.extract_strided_slice %mul3A_11 {offsets = [0, 1792], sizes = [512, 128], strides = [1, 1]} : vector<512x2048xf32> to vector<512x128xf32>
    %max3A_43 = arith.maximumf %max3A_41, %slice3A_42 : vector<512x128xf32>
    %slice3A_44 = vector.extract_strided_slice %mul3A_11 {offsets = [0, 1920], sizes = [512, 128], strides = [1, 1]} : vector<512x2048xf32> to vector<512x128xf32>
    %max3A_45 = arith.maximumf %max3A_43, %slice3A_44 : vector<512x128xf32>
    %swap3A_46 = arith.constant 0 : index
    %swap3A_47 = arith.constant 0 : index
    %swap3A_48 = arith.constant 0 : index
    %swap3A_49 = vector.load %arg6[%swap3A_46, %swap3A_47, %swap3A_48] : memref<1x512x128xf32, #tpu.memory_space<vmem>>, vector<1x512x128xf32>
    %swap3A_50 = vector.shape_cast %swap3A_49 : vector<1x512x128xf32> to vector<512x128xf32>
    %swap3A_51 = vector.shape_cast %max3A_45 : vector<512x128xf32> to vector<1x512x128xf32>
    tpu.vector_store %arg6[%swap3A_46, %swap3A_47, %swap3A_48], %swap3A_51 {strides = array<i32>} : memref<1x512x128xf32, #tpu.memory_space<vmem>>, vector<1x512x128xf32>,
    return
  }
  func.func @transform_0(%arg0: i32, %arg1: i32, %arg2: i32) -> (i32, i32, i32) {
    %mul3A = arith.constant 4 : i32
    %mul3A_0 = arith.muli %arg0, %mul3A : i32
    %add3A = arith.addi %mul3A_0, %arg2 : i32
    %c0_i32 = arith.constant 0 : i32
    %c0_i32_1 = arith.constant 0 : i32
    return %arg1, %add3A, %c0_i32 : i32, i32, i32
  }
  func.func @transform_1(%arg0: i32, %arg1: i32, %arg2: i32) -> (i32, i32, i32) {
    %c0_i32 = arith.constant 0 : i32
    %c0_i32_0 = arith.constant 0 : i32
    return %arg1, %arg0, %c0_i32 : i32, i32, i32
  }
  func.func @transform_2(%arg0: i32, %arg1: i32, %arg2: i32) -> (i32, i32, i32) {
    %mul3A = arith.constant 16 : i32
    %mul3A_0 = arith.muli %arg0, %mul3A : i32
    %add3A = arith.addi %mul3A_0, %arg1 : i32
    %c0_i32 = arith.constant 0 : i32
    %c0_i32_1 = arith.constant 0 : i32
    return %add3A, %arg2, %c0_i32 : i32, i32, i32
  }
  func.func @transform_3(%arg0: i32, %arg1: i32, %arg2: i32) -> (i32, i32, i32) {
    %mul3A = arith.constant 16 : i32
    %mul3A_0 = arith.muli %arg0, %mul3A : i32
    %add3A = arith.addi %mul3A_0, %arg1 : i32
    %c0_i32 = arith.constant 0 : i32
    %c0_i32_1 = arith.constant 0 : i32
    return %add3A, %arg2, %c0_i32 : i32, i32, i32
  }
}

module attributes {stable_mosaic.version = 14 : i64} {
  func.func @_attend_kernel(%arg0: i32, %arg1: i32, %arg2: memref<1x512x64xf32, #tpu.memory_space<vmem>>, %arg3: memref<1x2048x64xf32, #tpu.memory_space<vmem>>, %arg4: memref<1x512x64xf32, #tpu.memory_space<vmem>>, %arg5: memref<1x2048x64xf32, #tpu.memory_space<vmem>>, %arg6: memref<1x512x64xf32, #tpu.memory_space<vmem>>, %arg7: memref<1x512x64xf32, #tpu.memory_space<vmem>>) attributes {dimension_semantics = [#tpu.dimension_semantics<arbitrary>, #tpu.dimension_semantics<arbitrary>], iteration_bounds = array<i64: 32, 4>, scalar_prefetch = 0 : i64, scratch_operands = 0 : i64, tpu.core_type = #tpu.core_type<tc>, window_params = [{transform_indices = @transform_0, window_bounds = array<i64: 1, 512, 64>}, {transform_indices = @transform_1, window_bounds = array<i64: 1, 2048, 64>}, {transform_indices = @transform_2, window_bounds = array<i64: 1, 512, 64>}, {transform_indices = @transform_3, window_bounds = array<i64: 1, 2048, 64>}, {transform_indices = @transform_4, window_bounds = array<i64: 1, 512, 64>}, {transform_indices = @transform_5, window_bounds = array<i64: 1, 512, 64>}]} {
    %get3A = arith.constant 0 : index
    %get3A_0 = arith.constant 0 : index
    %get3A_1 = arith.constant 0 : index
    %get3A_2 = vector.load %arg4[%get3A, %get3A_0, %get3A_1] : memref<1x512x64xf32, #tpu.memory_space<vmem>>, vector<1x512x64xf32>
    %get3A_3 = vector.shape_cast %get3A_2 : vector<1x512x64xf32> to vector<512x64xf32>
    %slice3A = vector.extract_strided_slice %get3A_3 {offsets = [0, 0], sizes = [512, 1], strides = [1, 1]} : vector<512x64xf32> to vector<512x1xf32>
    %sub3A = vector.broadcast %slice3A : vector<512x1xf32> to vector<512x64xf32>
    %sub3A_4 = arith.subf %get3A_3, %sub3A : vector<512x64xf32>
    %exp3A = math.exp %sub3A_4 : vector<512x64xf32>
    %reduce_sum3A = arith.constant dense<0.000000e+00> : vector<512xf32>
    %reduce_sum3A_5 = vector.multi_reduction <add>, %exp3A, %reduce_sum3A [1] : vector<512x64xf32> to vector<512xf32>
    %broadcast_in_dim3A = vector.shape_cast %reduce_sum3A_5 : vector<512xf32> to vector<512x1xf32>
    %slice3A_6 = vector.extract_strided_slice %get3A_3 {offsets = [0, 63], sizes = [512, 1], strides = [1, 1]} : vector<512x64xf32> to vector<512x1xf32>
    %div3A = vector.broadcast %broadcast_in_dim3A : vector<512x1xf32> to vector<512x64xf32>
    %div3A_7 = arith.divf %exp3A, %div3A : vector<512x64xf32>
    %swap3A = arith.constant 0 : index
    %swap3A_8 = arith.constant 0 : index
    %swap3A_9 = arith.constant 0 : index
    %swap3A_10 = vector.load %arg7[%swap3A, %swap3A_8, %swap3A_9] : memref<1x512x64xf32, #tpu.memory_space<vmem>>, vector<1x512x64xf32>
    %swap3A_11 = vector.shape_cast %swap3A_10 : vector<1x512x64xf32> to vector<512x64xf32>
    %swap3A_12 = vector.shape_cast %div3A_7 : vector<512x64xf32> to vector<1x512x64xf32>
    tpu.vector_store %arg7[%swap3A, %swap3A_8, %swap3A_9], %swap3A_12 {strides = array<i32>} : memref<1x512x64xf32, #tpu.memory_space<vmem>>, vector<1x512x64xf32>,
    %get3A_13 = arith.constant 0 : index
    %get3A_14 = arith.constant 0 : index
    %get3A_15 = arith.constant 0 : index
    %get3A_16 = vector.load %arg2[%get3A_13, %get3A_14, %get3A_15] : memref<1x512x64xf32, #tpu.memory_space<vmem>>, vector<1x512x64xf32>
    %get3A_17 = vector.shape_cast %get3A_16 : vector<1x512x64xf32> to vector<512x64xf32>
    %get3A_18 = arith.constant 0 : index
    %get3A_19 = arith.constant 0 : index
    %get3A_20 = arith.constant 0 : index
    %get3A_21 = vector.load %arg3[%get3A_18, %get3A_19, %get3A_20] : memref<1x2048x64xf32, #tpu.memory_space<vmem>>, vector<1x2048x64xf32>
    %get3A_22 = vector.shape_cast %get3A_21 : vector<1x2048x64xf32> to vector<2048x64xf32>
    %dot_general3A = arith.constant dense<0.000000e+00> : vector<512x2048xf32>
    %dot_general3A_23 = tpu.matmul %get3A_17, %get3A_22, %dot_general3A {dimension_numbers = #tpu.dot_dimension_numbers<[1], [1], [0], [0], [0, 0, 1, 0], [], []>, transpose_lhs_hint = false} : vector<512x64xf32>, vector<2048x64xf32>, vector<512x2048xf32> -> vector<512x2048xf32>
    %mul3A = arith.constant 1.250000e-01 : f32
    %mul3A_24 = vector.broadcast %mul3A : f32 to vector<512x2048xf32>
    %mul3A_25 = arith.mulf %dot_general3A_23, %mul3A_24 : vector<512x2048xf32>
    %ge3A = vector.broadcast %slice3A_6 : vector<512x1xf32> to vector<512x2048xf32>
    %ge3A_26 = arith.cmpf oge, %mul3A_25, %ge3A : vector<512x2048xf32>
    %sub3A_27 = vector.broadcast %slice3A : vector<512x1xf32> to vector<512x2048xf32>
    %sub3A_28 = arith.subf %mul3A_25, %sub3A_27 : vector<512x2048xf32>
    %exp3A_29 = math.exp %sub3A_28 : vector<512x2048xf32>
    %jit3A = arith.constant 0.000000e+00 : f32
    %broadcast_in_dim3A_30 = vector.broadcast %jit3A : f32 to vector<512x2048xf32>
    %select_n3A = arith.select %ge3A_26, %exp3A_29, %broadcast_in_dim3A_30 : vector<512x2048xi1>, vector<512x2048xf32>
    %div3A_31 = vector.broadcast %broadcast_in_dim3A : vector<512x1xf32> to vector<512x2048xf32>
    %div3A_32 = arith.divf %select_n3A, %div3A_31 : vector<512x2048xf32>
    %get3A_33 = arith.constant 0 : index
    %get3A_34 = arith.constant 0 : index
    %get3A_35 = arith.constant 0 : index
    %get3A_36 = vector.load %arg5[%get3A_33, %get3A_34, %get3A_35] : memref<1x2048x64xf32, #tpu.memory_space<vmem>>, vector<1x2048x64xf32>
    %get3A_37 = vector.shape_cast %get3A_36 : vector<1x2048x64xf32> to vector<2048x64xf32>
    %dot_general3A_38 = arith.constant dense<0.000000e+00> : vector<512x64xf32>
    %dot_general3A_39 = tpu.matmul %div3A_32, %get3A_37, %dot_general3A_38 {dimension_numbers = #tpu.dot_dimension_numbers<[1], [0], [0], [1], [0, 0, 1, 1], [], []>, transpose_lhs_hint = false} : vector<512x2048xf32>, vector<2048x64xf32>, vector<512x64xf32> -> vector<512x64xf32>
    %swap3A_40 = arith.constant 0 : index
    %swap3A_41 = arith.constant 0 : index
    %swap3A_42 = arith.constant 0 : index
    %swap3A_43 = vector.load %arg6[%swap3A_40, %swap3A_41, %swap3A_42] : memref<1x512x64xf32, #tpu.memory_space<vmem>>, vector<1x512x64xf32>
    %swap3A_44 = vector.shape_cast %swap3A_43 : vector<1x512x64xf32> to vector<512x64xf32>
    %swap3A_45 = vector.shape_cast %dot_general3A_39 : vector<512x64xf32> to vector<1x512x64xf32>
    tpu.vector_store %arg6[%swap3A_40, %swap3A_41, %swap3A_42], %swap3A_45 {strides = array<i32>} : memref<1x512x64xf32, #tpu.memory_space<vmem>>, vector<1x512x64xf32>,
    return
  }
  func.func @transform_0(%arg0: i32, %arg1: i32) -> (i32, i32, i32) {
    %jit3A = arith.constant 16 : i32
    %eq3A = arith.constant 0 : i32
    %eq3A_0 = arith.cmpi eq, %jit3A, %eq3A : i32
    %jit3A_1 = arith.constant 1 : i32
    %select_n3A = arith.select %eq3A_0, %jit3A_1, %jit3A : i32
    %rem3A = arith.remsi %arg0, %select_n3A : i32
    %ne3A = arith.constant 0 : i32
    %ne3A_2 = arith.cmpi ne, %rem3A, %ne3A : i32
    %lt3A = arith.constant 0 : i32
    %lt3A_3 = arith.cmpi slt, %rem3A, %lt3A : i32
    %lt3A_4 = arith.constant 0 : i32
    %lt3A_5 = arith.cmpi slt, %select_n3A, %lt3A_4 : i32
    %ne3A_6 = arith.xori %lt3A_3, %lt3A_5 : i1
    %and3A = arith.andi %ne3A_6, %ne3A_2 : i1
    %add3A = arith.addi %rem3A, %select_n3A : i32
    %select_n3A_7 = arith.select %and3A, %add3A, %rem3A : i32
    %jit3A_8 = arith.constant 16 : i32
    %div3A = arith.divsi %arg0, %jit3A_8 : i32
    %sign3A = arith.constant 0 : i32
    %sign3A_9 = arith.cmpi sgt, %arg0, %sign3A : i32
    %sign3A_10 = arith.extui %sign3A_9 : i1 to i32
    %sign3A_11 = arith.constant 0 : i32
    %sign3A_12 = arith.cmpi slt, %arg0, %sign3A_11 : i32
    %sign3A_13 = arith.extui %sign3A_12 : i1 to i32
    %sign3A_14 = arith.subi %sign3A_10, %sign3A_13 : i32
    %sign3A_15 = arith.constant 0 : i32
    %sign3A_16 = arith.cmpi sgt, %jit3A_8, %sign3A_15 : i32
    %sign3A_17 = arith.extui %sign3A_16 : i1 to i32
    %sign3A_18 = arith.constant 0 : i32
    %sign3A_19 = arith.cmpi slt, %jit3A_8, %sign3A_18 : i32
    %sign3A_20 = arith.extui %sign3A_19 : i1 to i32
    %sign3A_21 = arith.subi %sign3A_17, %sign3A_20 : i32
    %ne3A_22 = arith.cmpi ne, %sign3A_14, %sign3A_21 : i32
    %rem3A_23 = arith.remsi %arg0, %jit3A_8 : i32
    %ne3A_24 = arith.constant 0 : i32
    %ne3A_25 = arith.cmpi ne, %rem3A_23, %ne3A_24 : i32
    %and3A_26 = arith.andi %ne3A_22, %ne3A_25 : i1
    %sub3A = arith.constant 1 : i32
    %sub3A_27 = arith.subi %div3A, %sub3A : i32
    %select_n3A_28 = arith.select %and3A_26, %sub3A_27, %div3A : i32
    %mul3A = arith.constant 4 : i32
    %mul3A_29 = arith.muli %select_n3A_28, %mul3A : i32
    %add3A_30 = arith.addi %mul3A_29, %arg1 : i32
    %c0_i32 = arith.constant 0 : i32
    %c0_i32_31 = arith.constant 0 : i32
    return %select_n3A_7, %add3A_30, %c0_i32 : i32, i32, i32
  }
  func.func @transform_1(%arg0: i32, %arg1: i32) -> (i32, i32, i32) {
    %jit3A = arith.constant 16 : i32
    %eq3A = arith.constant 0 : i32
    %eq3A_0 = arith.cmpi eq, %jit3A, %eq3A : i32
    %jit3A_1 = arith.constant 1 : i32
    %select_n3A = arith.select %eq3A_0, %jit3A_1, %jit3A : i32
    %rem3A = arith.remsi %arg0, %select_n3A : i32
    %ne3A = arith.constant 0 : i32
    %ne3A_2 = arith.cmpi ne, %rem3A, %ne3A : i32
    %lt3A = arith.constant 0 : i32
    %lt3A_3 = arith.cmpi slt, %rem3A, %lt3A : i32
    %lt3A_4 = arith.constant 0 : i32
    %lt3A_5 = arith.cmpi slt, %select_n3A, %lt3A_4 : i32
    %ne3A_6 = arith.xori %lt3A_3, %lt3A_5 : i1
    %and3A = arith.andi %ne3A_6, %ne3A_2 : i1
    %add3A = arith.addi %rem3A, %select_n3A : i32
    %select_n3A_7 = arith.select %and3A, %add3A, %rem3A : i32
    %jit3A_8 = arith.constant 16 : i32
    %div3A = arith.divsi %arg0, %jit3A_8 : i32
    %sign3A = arith.constant 0 : i32
    %sign3A_9 = arith.cmpi sgt, %arg0, %sign3A : i32
    %sign3A_10 = arith.extui %sign3A_9 : i1 to i32
    %sign3A_11 = arith.constant 0 : i32
    %sign3A_12 = arith.cmpi slt, %arg0, %sign3A_11 : i32
    %sign3A_13 = arith.extui %sign3A_12 : i1 to i32
    %sign3A_14 = arith.subi %sign3A_10, %sign3A_13 : i32
    %sign3A_15 = arith.constant 0 : i32
    %sign3A_16 = arith.cmpi sgt, %jit3A_8, %sign3A_15 : i32
    %sign3A_17 = arith.extui %sign3A_16 : i1 to i32
    %sign3A_18 = arith.constant 0 : i32
    %sign3A_19 = arith.cmpi slt, %jit3A_8, %sign3A_18 : i32
    %sign3A_20 = arith.extui %sign3A_19 : i1 to i32
    %sign3A_21 = arith.subi %sign3A_17, %sign3A_20 : i32
    %ne3A_22 = arith.cmpi ne, %sign3A_14, %sign3A_21 : i32
    %rem3A_23 = arith.remsi %arg0, %jit3A_8 : i32
    %ne3A_24 = arith.constant 0 : i32
    %ne3A_25 = arith.cmpi ne, %rem3A_23, %ne3A_24 : i32
    %and3A_26 = arith.andi %ne3A_22, %ne3A_25 : i1
    %sub3A = arith.constant 1 : i32
    %sub3A_27 = arith.subi %div3A, %sub3A : i32
    %select_n3A_28 = arith.select %and3A_26, %sub3A_27, %div3A : i32
    %c0_i32 = arith.constant 0 : i32
    %c0_i32_29 = arith.constant 0 : i32
    return %select_n3A_7, %select_n3A_28, %c0_i32 : i32, i32, i32
  }
  func.func @transform_2(%arg0: i32, %arg1: i32) -> (i32, i32, i32) {
    %c0_i32 = arith.constant 0 : i32
    %c0_i32_0 = arith.constant 0 : i32
    return %arg0, %arg1, %c0_i32 : i32, i32, i32
  }
  func.func @transform_3(%arg0: i32, %arg1: i32) -> (i32, i32, i32) {
    %jit3A = arith.constant 16 : i32
    %eq3A = arith.constant 0 : i32
    %eq3A_0 = arith.cmpi eq, %jit3A, %eq3A : i32
    %jit3A_1 = arith.constant 1 : i32
    %select_n3A = arith.select %eq3A_0, %jit3A_1, %jit3A : i32
    %rem3A = arith.remsi %arg0, %select_n3A : i32
    %ne3A = arith.constant 0 : i32
    %ne3A_2 = arith.cmpi ne, %rem3A, %ne3A : i32
    %lt3A = arith.constant 0 : i32
    %lt3A_3 = arith.cmpi slt, %rem3A, %lt3A : i32
    %lt3A_4 = arith.constant 0 : i32
    %lt3A_5 = arith.cmpi slt, %select_n3A, %lt3A_4 : i32
    %ne3A_6 = arith.xori %lt3A_3, %lt3A_5 : i1
    %and3A = arith.andi %ne3A_6, %ne3A_2 : i1
    %add3A = arith.addi %rem3A, %select_n3A : i32
    %select_n3A_7 = arith.select %and3A, %add3A, %rem3A : i32
    %jit3A_8 = arith.constant 16 : i32
    %div3A = arith.divsi %arg0, %jit3A_8 : i32
    %sign3A = arith.constant 0 : i32
    %sign3A_9 = arith.cmpi sgt, %arg0, %sign3A : i32
    %sign3A_10 = arith.extui %sign3A_9 : i1 to i32
    %sign3A_11 = arith.constant 0 : i32
    %sign3A_12 = arith.cmpi slt, %arg0, %sign3A_11 : i32
    %sign3A_13 = arith.extui %sign3A_12 : i1 to i32
    %sign3A_14 = arith.subi %sign3A_10, %sign3A_13 : i32
    %sign3A_15 = arith.constant 0 : i32
    %sign3A_16 = arith.cmpi sgt, %jit3A_8, %sign3A_15 : i32
    %sign3A_17 = arith.extui %sign3A_16 : i1 to i32
    %sign3A_18 = arith.constant 0 : i32
    %sign3A_19 = arith.cmpi slt, %jit3A_8, %sign3A_18 : i32
    %sign3A_20 = arith.extui %sign3A_19 : i1 to i32
    %sign3A_21 = arith.subi %sign3A_17, %sign3A_20 : i32
    %ne3A_22 = arith.cmpi ne, %sign3A_14, %sign3A_21 : i32
    %rem3A_23 = arith.remsi %arg0, %jit3A_8 : i32
    %ne3A_24 = arith.constant 0 : i32
    %ne3A_25 = arith.cmpi ne, %rem3A_23, %ne3A_24 : i32
    %and3A_26 = arith.andi %ne3A_22, %ne3A_25 : i1
    %sub3A = arith.constant 1 : i32
    %sub3A_27 = arith.subi %div3A, %sub3A : i32
    %select_n3A_28 = arith.select %and3A_26, %sub3A_27, %div3A : i32
    %c0_i32 = arith.constant 0 : i32
    %c0_i32_29 = arith.constant 0 : i32
    return %select_n3A_7, %select_n3A_28, %c0_i32 : i32, i32, i32
  }
  func.func @transform_4(%arg0: i32, %arg1: i32) -> (i32, i32, i32) {
    %c0_i32 = arith.constant 0 : i32
    %c0_i32_0 = arith.constant 0 : i32
    return %arg0, %arg1, %c0_i32 : i32, i32, i32
  }
  func.func @transform_5(%arg0: i32, %arg1: i32) -> (i32, i32, i32) {
    %c0_i32 = arith.constant 0 : i32
    %c0_i32_0 = arith.constant 0 : i32
    return %arg0, %arg1, %c0_i32 : i32, i32, i32
  }
}

module attributes {stable_mosaic.version = 14 : i64} {
  func.func @_out_proj_kernel(%arg0: i32, %arg1: i32, %arg2: i32, %arg3: memref<1x1x512x64xf32, #tpu.memory_space<vmem>>, %arg4: memref<1x64x1024xf32, #tpu.memory_space<vmem>>, %arg5: memref<1024xf32, #tpu.memory_space<vmem>>, %arg6: memref<1x512x1024xf32, #tpu.memory_space<vmem>>) attributes {dimension_semantics = [#tpu.dimension_semantics<arbitrary>, #tpu.dimension_semantics<arbitrary>, #tpu.dimension_semantics<arbitrary>], iteration_bounds = array<i64: 2, 4, 16>, scalar_prefetch = 0 : i64, scratch_operands = 0 : i64, tpu.core_type = #tpu.core_type<tc>, window_params = [{transform_indices = @transform_0, window_bounds = array<i64: 1, 1, 512, 64>}, {transform_indices = @transform_1, window_bounds = array<i64: 1, 64, 1024>}, {pipeline_mode = #tpu.pipeline_mode<synchronous>, transform_indices = @transform_2, window_bounds = array<i64: 1024>}, {transform_indices = @transform_3, window_bounds = array<i64: 1, 512, 1024>}]} {
    %eq3A = arith.constant 0 : i32
    %eq3A_0 = arith.cmpi eq, %arg2, %eq3A : i32
    %convert_element_type3A = arith.extui %eq3A_0 : i1 to i32
    %cond3A = arith.constant 0 : i32
    %cond3A_1 = arith.cmpi ne, %convert_element_type3A, %cond3A : i32
    scf.if %cond3A_1 {
      %get3A_20 = arith.constant 0 : index
      %get3A_21 = vector.load %arg5[%get3A_20] : memref<1024xf32, #tpu.memory_space<vmem>>, vector<1024xf32>
      %broadcast_in_dim3A_22 = vector.shape_cast %get3A_21 : vector<1024xf32> to vector<1x1x1024xf32>
      %broadcast_in_dim3A_23 = vector.broadcast %broadcast_in_dim3A_22 : vector<1x1x1024xf32> to vector<1x512x1024xf32>
      %swap3A_24 = arith.constant 0 : index
      %swap3A_25 = arith.constant 0 : index
      %swap3A_26 = arith.constant 0 : index
      %swap3A_27 = vector.load %arg6[%swap3A_24, %swap3A_25, %swap3A_26] : memref<1x512x1024xf32, #tpu.memory_space<vmem>>, vector<1x512x1024xf32>
      tpu.vector_store %arg6[%swap3A_24, %swap3A_25, %swap3A_26], %broadcast_in_dim3A_23 {strides = array<i32>} : memref<1x512x1024xf32, #tpu.memory_space<vmem>>, vector<1x512x1024xf32>,
    } else {
    }
    %get3A = arith.constant 0 : index
    %get3A_2 = arith.constant 0 : index
    %get3A_3 = arith.constant 0 : index
    %get3A_4 = vector.load %arg6[%get3A, %get3A_2, %get3A_3] : memref<1x512x1024xf32, #tpu.memory_space<vmem>>, vector<1x512x1024xf32>
    %get3A_5 = arith.constant 0 : index
    %get3A_6 = arith.constant 0 : index
    %get3A_7 = arith.constant 0 : index
    %get3A_8 = arith.constant 0 : index
    %get3A_9 = vector.load %arg3[%get3A_5, %get3A_6, %get3A_7, %get3A_8] : memref<1x1x512x64xf32, #tpu.memory_space<vmem>>, vector<1x1x512x64xf32>
    %get3A_10 = vector.shape_cast %get3A_9 : vector<1x1x512x64xf32> to vector<512x64xf32>
    %get3A_11 = arith.constant 0 : index
    %get3A_12 = arith.constant 0 : index
    %get3A_13 = arith.constant 0 : index
    %get3A_14 = vector.load %arg4[%get3A_11, %get3A_12, %get3A_13] : memref<1x64x1024xf32, #tpu.memory_space<vmem>>, vector<1x64x1024xf32>
    %get3A_15 = vector.shape_cast %get3A_14 : vector<1x64x1024xf32> to vector<64x1024xf32>
    %dot_general3A = arith.constant dense<0.000000e+00> : vector<512x1024xf32>
    %dot_general3A_16 = tpu.matmul %get3A_10, %get3A_15, %dot_general3A {dimension_numbers = #tpu.dot_dimension_numbers<[1], [0], [0], [1], [0, 0, 1, 1], [], []>, transpose_lhs_hint = false} : vector<512x64xf32>, vector<64x1024xf32>, vector<512x1024xf32> -> vector<512x1024xf32>
    %broadcast_in_dim3A = vector.shape_cast %dot_general3A_16 : vector<512x1024xf32> to vector<1x512x1024xf32>
    %add3A = arith.addf %get3A_4, %broadcast_in_dim3A : vector<1x512x1024xf32>
    %swap3A = arith.constant 0 : index
    %swap3A_17 = arith.constant 0 : index
    %swap3A_18 = arith.constant 0 : index
    %swap3A_19 = vector.load %arg6[%swap3A, %swap3A_17, %swap3A_18] : memref<1x512x1024xf32, #tpu.memory_space<vmem>>, vector<1x512x1024xf32>
    tpu.vector_store %arg6[%swap3A, %swap3A_17, %swap3A_18], %add3A {strides = array<i32>} : memref<1x512x1024xf32, #tpu.memory_space<vmem>>, vector<1x512x1024xf32>,
    return
  }
  func.func @transform_0(%arg0: i32, %arg1: i32, %arg2: i32) -> (i32, i32, i32, i32) {
    %c0_i32 = arith.constant 0 : i32
    %c0_i32_0 = arith.constant 0 : i32
    return %arg0, %arg2, %arg1, %c0_i32 : i32, i32, i32, i32
  }
  func.func @transform_1(%arg0: i32, %arg1: i32, %arg2: i32) -> (i32, i32, i32) {
    %c0_i32 = arith.constant 0 : i32
    %c0_i32_0 = arith.constant 0 : i32
    %c0_i32_1 = arith.constant 0 : i32
    return %arg2, %c0_i32, %c0_i32_0 : i32, i32, i32
  }
  func.func @transform_2(%arg0: i32, %arg1: i32, %arg2: i32) -> i32 {
    %c0_i32 = arith.constant 0 : i32
    %c0_i32_0 = arith.constant 0 : i32
    return %c0_i32 : i32
  }
  func.func @transform_3(%arg0: i32, %arg1: i32, %arg2: i32) -> (i32, i32, i32) {
    %c0_i32 = arith.constant 0 : i32
    %c0_i32_0 = arith.constant 0 : i32
    return %arg0, %arg1, %c0_i32 : i32, i32, i32
  }
}

</mosaic_0001>

<sc_bundles>
// kernel: kernel.9.cloned.1.call-start
scs
__scs_entry_jumppad:
0x0: {  	(pc) =	sbr.rel $0x88, $3  }
0x1: {  	(tag) =	ssettag $0x0;
	lr =	simm.s32 $0x1  }
0x2: {  	[smem:$0x3F97] =	sst lr;
	_ =	strace $0xD0000000  }
0x3: {  	_ = 	snop  }
0x4: {  	_ = 	snop  }
0x5: {  	_ = 	snop  }
0x6: {  	_ = 	snop  }
0x7: {  	_ = 	snop  }
__scs_overlays_trampoline_lowered:
0x8: {  	[smem:$0x3FA6] =	sst s0  }
0x9: {  	[smem:$0x3FA7] =	sst s1  }
0xa: {  	[smem:$0x3FA8] =	sst s2  }
0xb: {  	[smem:$0x3FA9] =	sst s3  }
0xc: {  	[smem:$0x3FAA] =	sst s4  }
0xd: {  	[smem:$0x3FAB] =	sst s5  }
0xe: {  	[smem:$0x3FAC] =	sst s6  }
0xf: {  	[smem:$0x3FAD] =	sst s7  }
0x10: {  	[smem:$0x3FAE] =	sst s8  }
0x11: {  	[smem:$0x3FAF] =	sst s9;
	s0 =	simm.s32 @!p0 $0x0  }
0x12: {  	s1 =	sld [smem:$0x3F95];
	s0 =	simm.s32 @p0 $0x1  }
0x13: {  	[smem:$0x3FB0] =	sst s0;
	s0 =	simm.s32 @!p1 $0x0  }
0x14: {  	s2 =	sld [smem:$0x3F94];
	s0 =	simm.s32 @p1 $0x1  }
0x15: {  	[smem:$0x3FB1] =	sst s0;
	s0 =	simm.s32 @!p2 $0x0  }
0x16: {  	s3 =	sld [smem:$0x3FDB];
	s0 =	simm.s32 @p2 $0x1  }
0x17: {  	s4 =	simm.s32 $0x1BF5;
	[smem:$0x3FB3] =	sst s0  }
0x18: {  	s0 =	sld [smem:$0x3F96];
	_ =	swait.ge [sflag:s4], $0x0  }
0x19: {  	s7 =	sld [smem:$0x3F97]  }
0x1a: {  	s8 =	sadd.s32 $0xFFFFE003, lr  }
0x1b: {  	s9 =	sadd.s32 $0xFFFFFEF7, lr;
	s5 =	simm.s32 $0xFFFFFFFF;
	p2 =	slt.u32 s8, $0xFFFFF086  }
0x1c: {  	p1 =	slt.u32 s9, $0xF7A;
	s5 =	simm.s32 @!p2 $0x0  }
0x1d: {  	s5 =	simm.s32 @p1 $0x1;
	p0 =	seq.s32 s7, s2  }
0x1e: {  	s7 =	smul.u32 @!p0 $0xF7A, s2;
	p2 =	seq.s32 @!p0 s5, $0x0  }
0x1f: {  	s9 =	smul.u32 $0xF7A, s1;
	s8 =	simm.s32 @!p0 $0x1BF5;
	p2 =	por !p2, p0  }
0x20: {  	[sflag:s8] =	ssyncset.s32 @!p0 $0xFFFFF086;
	s6 =	sadd.s32 @!p0 s3, s7;
	s7 =	simm.s32 @!p0 $0x108  }
0x21: {  	s3 =	sadd.s32 s3, s9;
	s6 =	sadd.s32 @!p0 $0x88, s6;
	s7 =	simm.s32 @p2 $0x1082  }
0x22: {  	[simem:s7], [sflag:s8] =	dma.local @!p0 [hbm:s6], $0xF7A  }
0x23: {  	s9 =	sor.u32 $0xD0000000, s2;
	s6 =	simm.s32 $0x108;
	_ =	swait.ge @!p0 [sflag:s8], $0x0  }
0x24: {  	s3 =	sadd.s32 $0x88, s3;
	s6 =	simm.s32 @!p1 $0x1082;
	[sflag:s4] =	ssyncset.s32 $0xFFFFF086  }
0x25: {  	[simem:s6], [sflag:s4] =	dma.local [hbm:s3], $0xF7A  }
0x26: {  	[smem:$0x3F97] =	sst s1;
	(tag) =	ssettag s2;
	_ =	strace s9  }
0x27: {  	s1 =	sld [smem:$0x3FA7]  }
0x28: {  	s2 =	sld [smem:$0x3FA8]  }
0x29: {  	s4 =	sld [smem:$0x3FAA]  }
0x2a: {  	p0 =	seq.s32 s5, $0x0;
	s5 =	sld [smem:$0x3FAB]  }
0x2b: {  	s6 =	sld [smem:$0x3FAC]  }
0x2c: {  	s7 =	sld [smem:$0x3FAD]  }
0x2d: {  	s3 =	simm.s32 $0x108;
	s8 =	sld [smem:$0x3FAE]  }
0x2e: {  	s3 =	simm.s32 @!p0 $0x1082;
	s9 =	sld [smem:$0x3FAF]  }
0x2f: {  	lr =	sadd.s32 s0, s3;
	s0 =	sld [smem:$0x3FA6]  }
0x30: {  	s3 =	sld [smem:$0x3FA9]  }
0x31: {  	[smem:$0x3FB2] =	sst s10  }
0x32: {  	s10 =	sld [smem:$0x3FB0];
	_ =	sdelay $0x3  }
0x33: {  	p0 =	seq.s32 s10, $0x1;
	s10 =	sld [smem:$0x3FB2];
	_ =	sdelay $0x3  }
0x34: {  	[smem:$0x3FB2] =	sst s10  }
0x35: {  	s10 =	sld [smem:$0x3FB1];
	_ =	sdelay $0x3  }
0x36: {  	p1 =	seq.s32 s10, $0x1;
	s10 =	sld [smem:$0x3FB2];
	_ =	sdelay $0x3  }
0x37: {  	[smem:$0x3FB2] =	sst s10  }
0x38: {  	s10 =	sld [smem:$0x3FB3]  }
0x39: {  	_ = 	snop;
	(pc) =	sbr.ind lr, $3  }
0x3a: {  	_ = 	snop  }
0x3b: {  	_ = 	snop  }
0x3c: {  	p2 =	seq.s32 s10, $0x1;
	s10 =	sld [smem:$0x3FB2]  }
0x3d: {  	_ =	shalt  }
0x3e: {  	_ =	shalt  }
0x3f: {  	_ =	shalt  }
0x40: {  	_ =	shalt  }
0x41: {  	_ =	shalt  }
0x42: {  	_ =	shalt  }
0x43: {  	_ =	shalt  }
0x44: {  	_ =	shalt  }
0x45: {  	_ =	shalt  }
0x46: {  	_ =	shalt  }
0x47: {  	_ =	shalt  }
0x48: {  	_ =	shalt  }
0x49: {  	_ =	shalt  }
0x4a: {  	_ =	shalt  }
0x4b: {  	_ =	shalt  }
0x4c: {  	_ =	shalt  }
0x4d: {  	_ =	shalt  }
0x4e: {  	_ =	shalt  }
0x4f: {  	_ =	shalt  }
0x50: {  	_ =	shalt  }
0x51: {  	_ =	shalt  }
0x52: {  	_ =	shalt  }
0x53: {  	_ =	shalt  }
0x54: {  	_ =	shalt  }
0x55: {  	_ =	shalt  }
0x56: {  	_ =	shalt  }
0x57: {  	_ =	shalt  }
0x58: {  	_ =	shalt  }
0x59: {  	_ =	shalt  }
0x5a: {  	_ =	shalt  }
0x5b: {  	_ =	shalt  }
0x5c: {  	_ =	shalt  }
0x5d: {  	_ =	shalt  }
0x5e: {  	_ =	shalt  }
0x5f: {  	_ =	shalt  }
0x60: {  	_ =	shalt  }
0x61: {  	_ =	shalt  }
0x62: {  	_ =	shalt  }
0x63: {  	_ =	shalt  }
0x64: {  	_ =	shalt  }
0x65: {  	_ =	shalt  }
0x66: {  	_ =	shalt  }
0x67: {  	_ =	shalt  }
0x68: {  	_ =	shalt  }
0x69: {  	_ =	shalt  }
0x6a: {  	_ =	shalt  }
0x6b: {  	_ =	shalt  }
0x6c: {  	_ =	shalt  }
0x6d: {  	_ =	shalt  }
0x6e: {  	_ =	shalt  }
0x6f: {  	_ =	shalt  }
0x70: {  	_ =	shalt  }
0x71: {  	_ =	shalt  }
0x72: {  	_ =	shalt  }
0x73: {  	_ =	shalt  }
0x74: {  	_ =	shalt  }
0x75: {  	_ =	shalt  }
0x76: {  	_ =	shalt  }
0x77: {  	_ =	shalt  }
0x78: {  	_ =	shalt  }
0x79: {  	_ =	shalt  }
0x7a: {  	_ =	shalt  }
0x7b: {  	_ =	shalt  }
0x7c: {  	_ =	shalt  }
0x7d: {  	_ =	shalt  }
0x7e: {  	_ =	shalt  }
0x7f: {  	_ =	shalt  }
0x80: {  	_ =	shalt  }
0x81: {  	_ =	shalt  }
0x82: {  	_ =	shalt  }
0x83: {  	_ =	shalt  }
0x84: {  	_ =	shalt  }
0x85: {  	_ =	shalt  }
0x86: {  	_ =	shalt  }
0x87: {  	_ =	shalt  }
.Lfunc_end0:
.L_simem_size_0:
called_computation_lowered:
.L_overlay_start_0:
0x88: {  	s2 =	sld [smem:$0x3FD9]  }
0x89: {  	s3 =	sld [smem:$0x3FFE];
	_ =	sdelay $0x1  }
0x8a: {  	s1 =	srdreg.scid  }
0x8b: {  	s0 =	sand.u32 $0x1, s1  }
0x8c: {  	s16 =	sshll.u32 s0, $0xA;
	s2 =	sadd.s32 s3, s2  }
0x8d: {  	s2 =	sadd.s32 s2, s16  }
0x8e: {  	[smem:$0x3FBE] =	sst s2  }
0x8f: {  	_ = 	snop  }
0x90: {  	(tm) =	ssettm $0x1  }
0x91: {  	s17 =	sld [smem:$0x3FFB];
	_ =	sdelay $0x3  }
0x92: {  	_ =	strace s17  }
0x93: {  	s2 =	sld [smem:$0x3FFC];
	_ =	sdelay $0x3  }
0x94: {  	_ =	strace s2  }
0x95: {  	s2 =	sld [smem:$0x3FFD];
	_ =	sdelay $0x3  }
0x96: {  	_ =	strace s2  }
0x97: {  	_ =	strace $0x8FFFFFFF  }
0x98: {  	s18 =	sld [smem:$0x3FDB];
	_ =	sdelay $0x1  }
0x99: {  	s19 =	simm.s32 $_scs_section_size  }
0x9a: {  	s4 =	simm.s32 $_size__tile_overlayer_lowered;
	s5 =	simm.s32 $_tile_overlayer_lowered  }
0x9b: {  	s22 =	simm.s32 $0x1BFF;
	s21 =	sshll.u32 s5, $0x1;
	s2 =	sadd.s32 s19, s18  }
0x9c: {  	s6 =	simm.s32 $0x0;
	s20 =	sshll.u32 s4, $0x1;
	s4 =	sadd.s32 s21, s2  }
0x9d: {  	[timem:s6], [sflag:s22] =	dma.local [hbm:s4], s20  }
0x9e: {  	_ =	swait.ge [sflag:s22], s20  }
0x9f: {  	s3 =	ssub.s32 $0x0, s20;
	[sflag:s22] =	ssyncset.done $0x0  }
0xa0: {  	[sflag:s22] =	ssyncadd.s32 s3;
	_ =	sdelay $0x1  }
0xa1: {  	s23 =	simm.s32 $0x1B8B  }
0xa2: {  	_ =	swait.ge [sflag:s23], $0x1  }
0xa3: {  	[sflag:s23] =	ssyncset.done $0x0  }
0xa4: {  	s25 =	simm.s32 $0x1B8E;
	s24 =	sld [smem:$0x3FFE];
	[sflag:s23] =	ssyncadd.s32 $0xFFFFFFFF  }
0xa5: {  	s26 =	simm.s32 $execute0_lowered;
	[smem:$0x3FD2] =	sst s25  }
0xa6: {  	s4 =	sshll.u32 s26, $0x1;
	_ =	strace $0x80000046;
	[dreg:$0x1] =	wrdreg $0xFFFFFFFF  }
0xa7: {  	s28 =	simm.s32 $_size_execute0_lowered;
	s2 =	sadd.s32 s2, s4;
	[dreg:$0x0] =	wrdreg $0x0  }
0xa8: {  	s4 =	sshll.u32 s28, $0x1;
	[dreg:$0x2] =	wrdreg s2  }
0xa9: {  	[dreg:$0x3] =	wrdreg s4  }
0xaa: {  	[dreg:$0x4] =	wrdreg $0xC0  }
0xab: {  	_ =	task [dreg:s6], $0x5FFFF  }
0xac: {  	[dreg:$0x1] =	wrdreg $0xFFFFFFFF  }
0xad: {  	[dreg:$0x0] =	wrdreg $0x60  }
0xae: {  	[dreg:$0x2] =	wrdreg s24  }
0xaf: {  	[dreg:$0x3] =	wrdreg $0x9  }
0xb0: {  	_ =	task.clear_ibuf [dreg:s6], $0x4FFFF;
	_ =	strace $0x90000046  }
0xb1: {  	s29 =	simm.s32 $0x9;
	_ =	strace $0x80000048  }
0xb2: {  	_ =	swait.ge [sflag:s29], $0x1  }
0xb3: {  	[sflag:s29] =	ssyncadd.s32 $0xFFFFFFFF  }
0xb4: {  	_ =	strace $0x90000048  }
0xb5: {  	_ =	sfence  }
0xb6: {  	s30 =	sld [smem:$0x0];
	_ =	sdelay $0x2  }
0xb7: {  	s31 =	sshll.u32 s1, $0xD;
	s1 =	sshrl.u32 s1, $0x2  }
0xb8: {  	s3 =	sand.u32 $0x4000, s31;
	s1 =	sadd.s32 s1, s30  }
0xb9: {  	s0 =	sor.u32 s3, s0;
	s1 =	sshll.u32 s1, $0x11  }
0xba: {  	s0 =	sor.u32 s1, s0  }
0xbb: {  	s0 =	sadd.s32 $0x8F2B, s0  }
0xbc: {  	[sflag:s0] =	ssyncadd.remote.s32 $0x1  }
0xbd: {  	_ =	sfence.sel $0xFFFF  }
0xbe: {  	[dreg:$0x0] =	wrdreg $0xFFFFFFFF;
	(pc) =	sbr.abs _section_cstart, $3  }
0xbf: {  	[dreg:$0x1] =	wrdreg $0xFFFFFFFF  }
0xc0: {  	_ =	task.clear_ibuf [dreg:s6], $0x2FFFF;
	_ =	strace $0x9FFFFFFF  }
0xc1: {  	(tm) =	ssettm $0x7FFFFFFF  }
tec
execute0_lowered:
.L_overlay_start_1:
0x0: {  	(tag) =	ssettag $0x1  }
0x1: {  	s0 =	rddreg [dreg:$0x0]  }
0x2: {  	s1 =	srdreg.scid;
	s2 =	stileid.u32;
	s4 =	simm.s32 $0x0  }
0x3: {  	s1 =	sand.u32 $0x1, s1;
	s2 =	sshll.u32 s2, $0xC;
	s28 =	sadd.s32 $0x1201600, s0  }
0x4: {  	[smem:$0x7FF] =	sst s4;
	s30 =	sadd.s32 $0x1301600, s0;
	s3 =	sshll.u32 s1, $0xB  }
0x5: {  	_ =	strace $0x80000047;
	s1 =	ssub.s32 $0x2, s1;
	[dreg:$0x3] =	wrdreg s28  }
0x6: {  	[dreg:$0x4] =	wrdreg s30;
	s2 =	sor.u32 s3, s2;
	s29 =	sshrl.u32 s1, $0x1  }
.Ltmp0:
0x7: {  	[dreg:$0x2] =	wrdreg s2;
	s2 =	sshll.u32 s2, $0x8;
	(pc) =	sbr.rel .LBB2_1-.Ltmp0, $4  }
0x8: {  	v0 =	vlaneseq.u32;
	s1 =	ssub.s32 s1, s29;
	s2 =	sadd.s32 s2, s0;
	s0 =	sadd.s32 $0x202600, s0  }
0x9: {  	v0 =	vmul.u32 $0xFFFFFFFF, v0;
	s31 =	smax.u32 s1, $0x1;
	[dreg:$0x6] =	wrdreg s0  }
0xa: {  	s7 =	simm.s32 $0x3;
	s2 =	sadd.s32 $0x201600, s2;
	[dreg:$0x7] =	wrdreg s31  }
0xb: {  	v1 =	vimm.f32 $-Inf;
	s16 =	simm.s32 $0x0;
	v0 =	vadd.s32 $0xF, v0;
	s1 =	simm.s32 $0x0;
	[dreg:$0x5] =	wrdreg s2  }
.LBB2_34:
0xc: {  	s1 =	rddreg [dreg:$0x8]  }
0xd: {  	s0 =	rddreg [dreg:$0x7];
	s1 =	sadd.s32 $0x1, s1  }
0xe: {  	p0 =	sne.s32 s1, s0  }
.Ltmp1:
0xf: {  	_ = 	snop;
	(pc) =	sbr.rel @!p0 .LBB2_35-.Ltmp1, $1  }
0x10: {  	_ =	sdelay $0x3  }
.LBB2_1:
.Ltmp2:
0x11: {  	(pc) =	sbr.rel .LBB2_2-.Ltmp2, $4  }
0x12: {  	_ = 	snop  }
0x13: {  	[dreg:$0x8] =	wrdreg s1;
	s0 =	simm.s32 $0x0  }
0x14: {  	s31 =	rddreg [dreg:$0x5];
	p0 =	por $0x0, $0x0;
	s14 =	simm.s32 $0x0  }
0x15: {  	[tilespmem:s0], [sflag:$0x1] =	stream.linear.gather [hbm4b:s31+s0], $0x8000, $0x38;
	[tilespmem:$0x19800] =	vst v63  }
.LBB2_28:
0x16: {  	s7 =	simm.s32 $0x3  }
.LBB2_33:
0x17: {  	[tilespmem:$0x10780] =	vst v2  }
0x18: {  	[tilespmem:$0x10790] =	vst v3;
	s0 =	rddreg [dreg:$0x4]  }
0x19: {  	[tilespmem:$0x107A0] =	vst v4;
	s1 =	rddreg [dreg:$0x9];
	s31 =	simm.s32 $0x0;
	p1 =	sne.s32 s14, $0x80  }
.Ltmp3:
0x1a: {  	[tilespmem:$0x107B0] =	vst v5;
	s2 =	simm.s32 $0x10000;
	s0 =	sadd.s32 s0, s1;
	(pc) =	sbr.rel @!p1 .LBB2_34-.Ltmp3, $4  }
0x1b: {  	[hbm4b:s0+s31] =	stream.linear.scatter [tilespmem:s2], [sflag:$0x3], $0x800, $0x38;
	[tilespmem:$0x19800] =	vst v63  }
0x1c: {  	_ =	swait.ge [sflag:s7], $0x800  }
0x1d: {  	[sflag:s7] =	ssyncset.done $0x0  }
0x1e: {  	p0 =	por !p0, !p0;
	[sflag:s7] =	ssyncadd.s32 $0xFFFFF800  }
.LBB2_2:
0x1f: {  	s0 =	sand.u32 $0x1, s14;
	s2 =	rddreg [dreg:$0x2]  }
0x20: {  	s1 =	sshll.u32 s14, $0x4;
	p1 =	seq.s32 s14, $0x7F;
	s5 =	rddreg [dreg:$0x6]  }
0x21: {  	s30 =	rddreg [dreg:$0x3];
	s31 =	simm.s32 $0x10800;
	s14 =	sadd.s32 $0x1, s14  }
0x22: {  	s18 =	simm.s32 $0x1;
	s1 =	sadd.s32 s2, s1;
	s2 =	sxor.u32 @!p1 $0x1, s0  }
0x23: {  	s6 =	simm.s32 @!p1 $0x0;
	s3 =	sshll.u32 @!p1 s1, $0x8;
	s4 =	sshll.u32 @!p1 s2, $0xF  }
0x24: {  	s2 =	sadd.s32 @!p1 $0x1, s2;
	s29 =	sshll.u32 s1, $0x4;
	s3 =	sadd.s32 @!p1 s3, s5  }
0x25: {  	[tilespmem:s4], [sflag:s2] =	stream.linear.gather @!p1 [hbm4b:s3+s6], $0x8000, $0x38;
	[tilespmem:$0x19800] =	vst v63  }
0x26: {  	s19 =	simm.s32 $0x2;
	[dreg:$0x9] =	wrdreg s29;
	s1 =	sadd.s32 s30, s29  }
0x27: {  	[tilespmem:s31], [sflag:$0x3] =	stream.linear.gather [hbm4b:s1+s16], $0x800, $0x38;
	[tilespmem:$0x19800] =	vst v63  }
0x28: {  	s20 =	simm.s32 $0x2;
	s21 =	simm.s32 $0x1;
	_ =	swait.ge [sflag:s7], $0x800  }
.Ltmp4:
0x29: {  	s1 =	simm.s32 $0x1;
	[sflag:s7] =	ssyncset.done $0x0;
	(pc) =	sbr.rel .LBB2_3-.Ltmp4, $4  }
0x2a: {  	s0 =	sadd.s32 $0x1, s0;
	s1 =	simm.s32 @!p0 $0x0;
	[sflag:s7] =	ssyncadd.s32 $0xFFFFF800  }
0x2b: {  	s22 =	simm.s32 $0x0;
	s1 =	sshll.u32 s1, $0x11;
	_ =	swait.ge [sflag:s0], $0x8000  }
0x2c: {  	s23 =	simm.s32 $0x0;
	s1 =	sshrl.u32 s1, $0x2;
	[sflag:s0] =	ssyncset.done $0x0  }
0x2d: {  	[dreg:$0xa] =	wrdreg s1;
	s17 =	sadd.s32 $0x40, s1;
	[sflag:s0] =	ssyncadd.s32 $0xFFFF8000  }
.LBB2_24:
0x2e: {  	p1 =	slt.u32 s23, $0xC  }
.Ltmp5:
0x2f: {  	_ = 	snop;
	(pc) =	sbr.rel @!p1 .LBB2_25-.Ltmp5, $4  }
0x30: {  	[tilespmem:s1+$0x10000] =	vst v4  }
0x31: {  	s0 =	sadd.s32 $0x3, s23;
	[tilespmem:s30+$0x10000] =	vst v6  }
0x32: {  	s22 =	sadd.s32 $0x3, s22;
	s21 =	sadd.s32 $0x3, s21;
	s18 =	sadd.s32 $0x3, s18;
	[tilespmem:s25+$0x10000] =	vst v5  }
0x33: {  	s20 =	sadd.s32 $0x3, s20;
	s19 =	sadd.s32 $0x3, s19;
	s23 =	smov.u32 s0;
	[tilespmem:s24+$0x10000] =	vst v3  }
.LBB2_3:
0x34: {  	s25 =	sshll.u32 s23, $0x7  }
0x35: {  	v2 =	vld [tilespmem:s25+$0x10800]  }
0x36: {  	v3 =	vld [tilespmem:s25+$0x10810]  }
0x37: {  	v4 =	vld [tilespmem:s25+$0x10820]  }
0x38: {  	v5 =	vld [tilespmem:s25+$0x10830];
	_ =	sdelay $0x1  }
0x39: {  	(xrf1) =	vsort.dscd.msk.f32 $0xffff, v2, v2  }
0x3a: {  	(xrf1) =	vsort.dscd.msk.f32 $0xffff, v3, v3  }
0x3b: {  	(xrf1) =	vsort.dscd.msk.f32 $0xffff, v4, v4  }
0x3c: {  	(xrf1) =	vsort.dscd.msk.f32 $0xffff, v5, v5;
	_ =	sdelay $0xa  }
0x3d: {  	v2, _, _ =	vpop (xrf1)  }
0x3e: {  	v3, _, _ =	vpop (xrf1)  }
0x3f: {  	v4, _, _ =	vpop (xrf1);
	v3 =	vperm.xlane v3, v0  }
0x40: {  	v5, _, _ =	vpop (xrf1)  }
0x41: {  	v6 =	vmax.f32 v2, v3;
	v5 =	vperm.xlane v5, v0  }
0x42: {  	v2 =	vmin.f32 v2, v3;
	(xrf1) =	vsort.dscd.msk.f32 $0xffff, v6, v6  }
0x43: {  	(xrf1) =	vsort.dscd.msk.f32 $0xffff, v2, v2;
	v2 =	vmax.f32 v4, v5  }
0x44: {  	(xrf1) =	vsort.dscd.msk.f32 $0xffff, v2, v2;
	v2 =	vmin.f32 v4, v5  }
0x45: {  	(xrf1) =	vsort.dscd.msk.f32 $0xffff, v2, v2;
	_ =	sdelay $0xa  }
0x46: {  	v2, _, _ =	vpop (xrf1)  }
0x47: {  	v3, _, _ =	vpop (xrf1)  }
0x48: {  	v4, _, _ =	vpop (xrf1)  }
0x49: {  	v5, _, _ =	vpop (xrf1)  }
0x4a: {  	v4 =	vperm.xlane v4, v0;
	v5 =	vperm.xlane v5, v0;
	_ =	sdelay $0x1  }
0x4b: {  	v7 =	vmax.f32 v3, v4;
	v6 =	vmax.f32 v2, v5  }
0x4c: {  	v8 =	vld [tilespmem:s25+$0x10840];
	v2 =	vmin.f32 v2, v5;
	v5 =	vmax.f32 v6, v7  }
0x4d: {  	v3 =	vmin.f32 v3, v4;
	v4 =	vmin.f32 v6, v7;
	(xrf1) =	vsort.dscd.msk.f32 $0xffff, v5, v5;
	v5 =	vld [tilespmem:s25+$0x10850]  }
0x4e: {  	v6 =	vld [tilespmem:s25+$0x10860];
	(xrf1) =	vsort.dscd.msk.f32 $0xffff, v4, v4;
	v4 =	vmax.f32 v2, v3  }
0x4f: {  	v2 =	vmin.f32 v2, v3;
	v3 =	vld [tilespmem:s25+$0x10870];
	(xrf1) =	vsort.dscd.msk.f32 $0xffff, v4, v4  }
0x50: {  	(xrf1) =	vsort.dscd.msk.f32 $0xffff, v2, v2  }
0x51: {  	(xrf1) =	vsort.dscd.msk.f32 $0xffff, v8, v8  }
0x52: {  	(xrf1) =	vsort.dscd.msk.f32 $0xffff, v5, v5  }
0x53: {  	(xrf1) =	vsort.dscd.msk.f32 $0xffff, v6, v6  }
0x54: {  	(xrf1) =	vsort.dscd.msk.f32 $0xffff, v3, v3;
	_ =	sdelay $0x6  }
0x55: {  	v2, _, _ =	vpop (xrf1)  }
0x56: {  	v3, _, _ =	vpop (xrf1)  }
0x57: {  	v4, _, _ =	vpop (xrf1)  }
0x58: {  	v5, _, _ =	vpop (xrf1)  }
0x59: {  	v6, _, _ =	vpop (xrf1)  }
0x5a: {  	v7, _, _ =	vpop (xrf1)  }
0x5b: {  	v8, _, _ =	vpop (xrf1);
	v7 =	vperm.xlane v7, v0  }
0x5c: {  	v9, _, _ =	vpop (xrf1)  }
0x5d: {  	v10 =	vmax.f32 v6, v7;
	v9 =	vperm.xlane v9, v0  }
0x5e: {  	v6 =	vmin.f32 v6, v7;
	(xrf1) =	vsort.dscd.msk.f32 $0xffff, v10, v10  }
0x5f: {  	(xrf1) =	vsort.dscd.msk.f32 $0xffff, v6, v6;
	v6 =	vmax.f32 v8, v9  }
0x60: {  	(xrf1) =	vsort.dscd.msk.f32 $0xffff, v6, v6;
	v6 =	vmin.f32 v8, v9  }
0x61: {  	(xrf1) =	vsort.dscd.msk.f32 $0xffff, v6, v6;
	_ =	sdelay $0xa  }
0x62: {  	v6, _, _ =	vpop (xrf1)  }
0x63: {  	v7, _, _ =	vpop (xrf1)  }
0x64: {  	v8, _, _ =	vpop (xrf1)  }
0x65: {  	v9, _, _ =	vpop (xrf1)  }
0x66: {  	v8 =	vperm.xlane v8, v0;
	v9 =	vperm.xlane v9, v0;
	_ =	sdelay $0x1  }
0x67: {  	v11 =	vmax.f32 v7, v8;
	v10 =	vmax.f32 v6, v9  }
0x68: {  	v6 =	vmin.f32 v6, v9;
	v9 =	vmax.f32 v10, v11  }
0x69: {  	v7 =	vmin.f32 v7, v8;
	v8 =	vmin.f32 v10, v11;
	(xrf1) =	vsort.dscd.msk.f32 $0xffff, v9, v9  }
0x6a: {  	(xrf1) =	vsort.dscd.msk.f32 $0xffff, v8, v8;
	v8 =	vmax.f32 v6, v7  }
0x6b: {  	v6 =	vmin.f32 v6, v7;
	(xrf1) =	vsort.dscd.msk.f32 $0xffff, v8, v8  }
0x6c: {  	(xrf1) =	vsort.dscd.msk.f32 $0xffff, v6, v6;
	_ =	sdelay $0xa  }
0x6d: {  	v6, _, _ =	vpop (xrf1)  }
0x6e: {  	v7, _, _ =	vpop (xrf1)  }
0x6f: {  	v8, _, _ =	vpop (xrf1)  }
0x70: {  	v6 =	vperm.xlane v6, v0;
	v7 =	vperm.xlane v7, v0;
	v9, _, _ =	vpop (xrf1)  }
0x71: {  	v8 =	vperm.xlane v8, v0;
	v9 =	vperm.xlane v9, v0  }
0x72: {  	v5 =	vmax.f32 v5, v6  }
0x73: {  	v4 =	vmax.f32 v4, v7;
	v3 =	vmax.f32 v3, v8;
	v2 =	vmax.f32 v2, v9  }
0x74: {  	v3 =	vmin.f32 v3, v5;
	v2 =	vmin.f32 v2, v4  }
0x75: {  	v2 =	vmin.f32 v2, v3  }
0x76: {  	(xrf1) =	vsort.dscd.msk.f32 $0xffff, v2, v2;
	_ =	sdelay $0x8  }
0x77: {  	s1 =	sshrl.u32 s23, $0x3;
	s0 =	sand.u32 $0x7, s22  }
0x78: {  	s2 =	sshll.u32 s1, $0x10;
	s0 =	sshll.u32 s0, $0x9  }
0x79: {  	s0 =	sor.u32 s0, s2  }
0x7a: {  	s0 =	sshrl.u32 s0, $0x2  }
0x7b: {  	s0 =	sadd.s32 s0, s17  }
0x7c: {  	v3 =	vmov s0;
	v2, _, _ =	vpop (xrf1)  }
0x7d: {  	(xrf0) =	vmin.scan.msk.f32 $0xffff, v2;
	_ =	sdelay $0x2  }
0x7e: {  	s9 =	simm.s32 $0x0  }
0x7f: {  	v12 =	vld.idx.msk [tilespmem:v3+s9+$0xFFFFFFC0 ss:$0x1], $0xffff  }
0x80: {  	v10 =	vld.idx.msk [tilespmem:v3+s9+$0xFFFFFFD0 ss:$0x1], $0xffff  }
0x81: {  	v9 =	vld.idx.msk [tilespmem:v3+s9+$0xFFFFFFE0 ss:$0x1], $0xffff;
	v2, _, _ =	vpop (xrf0)  }
0x82: {  	v7 =	vld.idx.msk [tilespmem:v3+s9+$0xFFFFFFF0 ss:$0x1], $0xffff;
	v4 =	vbroadcast v2, $0xF;
	_ =	sdelay $0x1  }
0x83: {  	v5 =	vld.idx.msk [tilespmem:v3+s9+$0x0 ss:$0x1], $0xffff;
	vm7 =	vge.f32 v12, v4  }
0x84: {  	vm4 =	vge.f32 v10, v4;
	v2 =	vmpcnt.ones.xlane vm7  }
0x85: {  	vm2 =	vge.f32 v9, v4;
	v8 =	vmpcnt.ones.xlane vm4  }
0x86: {  	v6 =	vld.idx.msk [tilespmem:v3+s9+$0x10 ss:$0x1], $0xffff;
	vm0 =	vge.f32 v7, v4;
	v11 =	vmpcnt.ones.xlane vm2;
	(v2sf) =	vpush v2, $0x0  }
0x87: {  	v2 =	vmpcnt.ones.xlane vm0;
	(v2sf) =	vpush v8, $0x0;
	v8 =	vld.idx.msk [tilespmem:v3+s9+$0x20 ss:$0x1], $0xffff  }
0x88: {  	vm1 =	vge.f32 v5, v4;
	(v2sf) =	vpush v11, $0x0  }
0x89: {  	v11 =	vmpcnt.ones.xlane vm1;
	(v2sf) =	vpush v2, $0x0;
	_ =	sdelay $0x1  }
0x8a: {  	vm3 =	vge.f32 v6, v4;
	(v2sf) =	vpush v11, $0x0  }
0x8b: {  	v2 =	vmpcnt.ones.xlane vm3;
	vm5 =	vge.f32 v8, v4  }
0x8c: {  	s6 =	sshll.u32 s20, $0xD;
	s7 =	sand.u32 $0x7, s19;
	s3 =	sshll.u32 s21, $0xD;
	v11 =	vmpcnt.ones.xlane vm5  }
0x8d: {  	s4 =	sand.u32 $0x7, s18;
	s11 =	simm.s32 $0x0;
	s12 =	simm.s32 $0x1000;
	(v2sf) =	vpush v2, $0x0  }
0x8e: {  	s15 =	sand.u32 $0x7F, s16;
	s3 =	sand.u32 $0xFFFF0000, s3;
	s4 =	sshll.u32 s4, $0x9;
	(v2sf) =	vpush v11, $0x0;
	v11 =	vld.idx.msk [tilespmem:v3+s9+$0x30 ss:$0x1], $0xffff  }
0x8f: {  	s10 =	smul.u32 $0x11000, s1;
	s2 =	sshll.u32 s7, $0x9;
	s0 =	sand.u32 $0xFFFF0000, s6  }
0x90: {  	s1 =	sor.u32 $0x10, s25;
	s8 =	sor.u32 s4, s3;
	s0 =	sor.u32 s2, s0  }
0x91: {  	s31 =	sor.u32 $0x20, s25;
	s2 =	sshrl.u32 s8, $0x2;
	s0 =	sshrl.u32 s0, $0x2  }
0x92: {  	s24 =	sadd.s32 s0, s17;
	s0 =	sadd.s32 s2, s17;
	s2 =	sshra.s32 s10, $0x2  }
0x93: {  	s30 =	sor.u32 $0x30, s25;
	s13 =	sand.u32 $0xFFFFFC00, s11;
	s6 =	sadd.s32 $0x11000, s2;
	vm6 =	vge.f32 v11, v4  }
0x94: {  	s8 =	sand.u32 $0x380, s25;
	s2 =	sadd.s32 s13, s6;
	s26 =	spop (v2sf);
	v13 =	vmpcnt.ones.xlane vm6  }
0x95: {  	s28 =	sadd.s32 s15, s2;
	s2 =	sadd.s32 $0x0, s26;
	s5 =	spop (v2sf)  }
0x96: {  	s3 =	sadd.s32 s2, s5;
	s4 =	sshll.u32 s2, $0x3;
	s11 =	spop (v2sf);
	(v2sf) =	vpush v13, $0x0  }
0x97: {  	s2 =	sand.u32 $0x7F, s2;
	s29 =	sadd.s32 s3, s11;
	s7 =	spop (v2sf)  }
0x98: {  	s10 =	sshll.u32 s3, $0x3;
	s4 =	sand.u32 $0xFFFFFC00, s4;
	s3 =	sand.u32 $0x7F, s3  }
0x99: {  	s9 =	sadd.s32 s29, s7;
	s11 =	sand.u32 $0xFFFFFC00, s10;
	s5 =	spop (v2sf)  }
0x9a: {  	v2 =	vmov s8;
	s4 =	sadd.s32 s4, s6;
	s10 =	sshll.u32 s29, $0x3;
	s7 =	sshll.u32 s9, $0x3  }
0x9b: {  	s29 =	sand.u32 $0x7F, s29;
	s11 =	sadd.s32 s11, s6;
	s13 =	sand.u32 $0xFFFFFC00, s7  }
0x9c: {  	s15 =	sand.u32 $0x7F, s9;
	s26 =	sadd.s32 s3, s11;
	s3 =	sadd.s32 s13, s6  }
0x9d: {  	s11 =	sadd.s32 s9, s5;
	s7 =	spop (v2sf);
	s9 =	sadd.s32 s15, s3  }
0x9e: {  	s3 =	sadd.s32 s11, s7;
	s15 =	sand.u32 $0xFFFFFC00, s10;
	s13 =	spop (v2sf)  }
0x9f: {  	[tilespmem:v2+s28+$0x0 ss:$0x1] =	vst.idx.msk vm7, v12;
	s2 =	sadd.s32 s2, s4;
	s4 =	sadd.s32 s15, s6;
	s28 =	sadd.s32 s3, s13  }
.LBB2_4:
0xa0: {  	[tilespmem:v2+s2+$0x0 ss:$0x1] =	vst.idx.msk vm4, v10;
	s2 =	sadd.s32 s29, s4;
	s4 =	sshll.u32 s11, $0x3;
	s5 =	sshll.u32 s3, $0x3  }
0xa1: {  	s3 =	sand.u32 $0x7F, s3;
	[tilespmem:v2+s26+$0x0 ss:$0x1] =	vst.idx.msk vm2, v9;
	s4 =	sand.u32 $0xFFFFFC00, s4;
	s5 =	sand.u32 $0xFFFFFC00, s5  }
0xa2: {  	s7 =	sshll.u32 s28, $0x3;
	[tilespmem:v2+s2+$0x0 ss:$0x1] =	vst.idx.msk vm0, v7;
	s2 =	sand.u32 $0x7F, s11;
	s4 =	sadd.s32 s4, s6  }
0xa3: {  	[tilespmem:v2+s9+$0x0 ss:$0x1] =	vst.idx.msk vm1, v5;
	s2 =	sadd.s32 s2, s4;
	s4 =	sadd.s32 s5, s6;
	s5 =	sand.u32 $0xFFFFFC00, s7  }
0xa4: {  	[tilespmem:v2+s2+$0x0 ss:$0x1] =	vst.idx.msk vm3, v6;
	s2 =	sadd.s32 s3, s4;
	s3 =	sand.u32 $0x7F, s28;
	s4 =	sadd.s32 s5, s6  }
0xa5: {  	p1 =	sne.s32 s12, $0xF000;
	[tilespmem:v2+s2+$0x0 ss:$0x1] =	vst.idx.msk vm5, v8;
	s2 =	sadd.s32 s3, s4;
	s3 =	spop (v2sf)  }
0xa6: {  	s26 =	sadd.s32 s28, s3;
	[tilespmem:v2+s2+$0x0 ss:$0x1] =	vst.idx.msk vm6, v11;
	s2 =	smov.u32 s12;
	s12 =	sadd.s32 $0x1000, s12  }
0xa7: {  	s2 =	sshra.s32 s2, $0x2;
	s3 =	sshll.u32 s26, $0x3  }
0xa8: {  	v12 =	vld.idx.msk [tilespmem:v3+s2+$0xFFFFFFC0 ss:$0x1], $0xffff;
	s3 =	sand.u32 $0xFFFFFC00, s3  }
0xa9: {  	v10 =	vld.idx.msk [tilespmem:v3+s2+$0xFFFFFFD0 ss:$0x1], $0xffff;
	s3 =	sadd.s32 s3, s6  }
0xaa: {  	v9 =	vld.idx.msk [tilespmem:v3+s2+$0xFFFFFFE0 ss:$0x1], $0xffff  }
0xab: {  	v7 =	vld.idx.msk [tilespmem:v3+s2+$0xFFFFFFF0 ss:$0x1], $0xffff  }
0xac: {  	v5 =	vld.idx.msk [tilespmem:v3+s2+$0x0 ss:$0x1], $0xffff  }
0xad: {  	v6 =	vld.idx.msk [tilespmem:v3+s2+$0x10 ss:$0x1], $0xffff  }
0xae: {  	vm6 =	vge.f32 v12, v4  }
0xaf: {  	v11 =	vmpcnt.ones.xlane vm6;
	vm4 =	vge.f32 v10, v4  }
0xb0: {  	v13 =	vmpcnt.ones.xlane vm4;
	vm2 =	vge.f32 v9, v4  }
0xb1: {  	v14 =	vmpcnt.ones.xlane vm2;
	vm0 =	vge.f32 v7, v4;
	v8 =	vld.idx.msk [tilespmem:v3+s2+$0x20 ss:$0x1], $0xffff;
	(v2sf) =	vpush v11, $0x0  }
0xb2: {  	v11 =	vmpcnt.ones.xlane vm0;
	vm1 =	vge.f32 v5, v4;
	(v2sf) =	vpush v13, $0x0  }
0xb3: {  	v13 =	vmpcnt.ones.xlane vm1;
	vm3 =	vge.f32 v6, v4;
	(v2sf) =	vpush v14, $0x0  }
0xb4: {  	v14 =	vmpcnt.ones.xlane vm3;
	(v2sf) =	vpush v11, $0x0  }
0xb5: {  	(v2sf) =	vpush v13, $0x0  }
0xb6: {  	(v2sf) =	vpush v14, $0x0  }
0xb7: {  	vm5 =	vge.f32 v8, v4  }
0xb8: {  	s4 =	sand.u32 $0x7F, s26;
	v13 =	vmpcnt.ones.xlane vm5  }
0xb9: {  	v11 =	vld.idx.msk [tilespmem:v3+s2+$0x30 ss:$0x1], $0xffff;
	s2 =	sadd.s32 s4, s3  }
0xba: {  	[tilespmem:v2+s2+$0x0 ss:$0x1] =	vst.idx.msk vm6, v12;
	(v2sf) =	vpush v13, $0x0;
	_ =	sdelay $0x4  }
0xbb: {  	vm6 =	vge.f32 v11, v4  }
0xbc: {  	v12 =	vmpcnt.ones.xlane vm6;
	s2 =	spop (v2sf)  }
0xbd: {  	s2 =	sadd.s32 s26, s2;
	s3 =	spop (v2sf)  }
0xbe: {  	s3 =	sadd.s32 s2, s3;
	s4 =	sshll.u32 s2, $0x3;
	s5 =	spop (v2sf);
	(v2sf) =	vpush v12, $0x0  }
0xbf: {  	s5 =	sadd.s32 s3, s5;
	s7 =	spop (v2sf)  }
0xc0: {  	s4 =	sand.u32 $0xFFFFFC00, s4;
	s7 =	sadd.s32 s5, s7  }
0xc1: {  	s29 =	sand.u32 $0x7F, s5;
	s9 =	spop (v2sf);
	s4 =	sadd.s32 s4, s6  }
0xc2: {  	s5 =	sshll.u32 s5, $0x3;
	s10 =	spop (v2sf);
	s11 =	sadd.s32 s7, s9  }
0xc3: {  	s9 =	sand.u32 $0x7F, s3;
	s3 =	sshll.u32 s3, $0x3;
	s28 =	sand.u32 $0x7F, s7  }
.Ltmp6:
0xc4: {  	s7 =	sshll.u32 s7, $0x3;
	s3 =	sand.u32 $0xFFFFFC00, s3;
	(pc) =	sbr.rel @p1 .LBB2_4-.Ltmp6, $4  }
0xc5: {  	s2 =	sand.u32 $0x7F, s2;
	s7 =	sand.u32 $0xFFFFFC00, s7;
	s3 =	sadd.s32 s3, s6  }
0xc6: {  	s7 =	sadd.s32 s7, s6;
	s26 =	sadd.s32 s9, s3;
	s13 =	spop (v2sf)  }
0xc7: {  	s5 =	sand.u32 $0xFFFFFC00, s5;
	s3 =	sadd.s32 s11, s10;
	s9 =	sadd.s32 s28, s7  }
0xc8: {  	s2 =	sadd.s32 s2, s4;
	s4 =	sadd.s32 s5, s6;
	s28 =	sadd.s32 s3, s13  }
0xc9: {  	s4 =	sadd.s32 s29, s4;
	s5 =	sshll.u32 s11, $0x3;
	s7 =	sshll.u32 s3, $0x3  }
0xca: {  	s3 =	sand.u32 $0x7F, s3;
	s10 =	sand.u32 $0x7F, s11;
	s13 =	sshll.u32 s28, $0x3  }
0xcb: {  	s5 =	sand.u32 $0xFFFFFC00, s5;
	s7 =	sand.u32 $0xFFFFFC00, s7;
	s29 =	sand.u32 $0xFFFFFC00, s13  }
0xcc: {  	s13 =	sand.u32 $0x7F, s28;
	s5 =	sadd.s32 s5, s6;
	s7 =	sadd.s32 s7, s6  }
0xcd: {  	s5 =	sadd.s32 s10, s5;
	s10 =	sadd.s32 s29, s6;
	s15 =	spop (v2sf)  }
0xce: {  	s3 =	sadd.s32 s3, s7;
	s10 =	sadd.s32 s13, s10;
	s12 =	sadd.s32 s28, s15  }
0xcf: {  	[tilespmem:v2+s2+$0x0 ss:$0x1] =	vst.idx.msk vm4, v10;
	s11 =	sshll.u32 s12, $0x3;
	s15 =	sand.u32 $0x7F, s12;
	s28 =	sadd.s32 $0x10, s12  }
0xd0: {  	[tilespmem:v2+s26+$0x0 ss:$0x1] =	vst.idx.msk vm2, v9;
	s13 =	sadd.s32 $0x30, s12;
	s11 =	sand.u32 $0xFFFFFC00, s11;
	s29 =	sshll.u32 s28, $0x3  }
0xd1: {  	[tilespmem:v2+s4+$0x0 ss:$0x1] =	vst.idx.msk vm0, v7;
	s28 =	sand.u32 $0x7F, s28;
	s11 =	sadd.s32 s11, s6;
	s26 =	sand.u32 $0xFFFFFC00, s29  }
0xd2: {  	[tilespmem:v2+s9+$0x0 ss:$0x1] =	vst.idx.msk vm1, v5;
	s29 =	sadd.s32 $0x20, s12;
	s2 =	sadd.s32 s15, s11;
	s7 =	sadd.s32 s26, s6  }
0xd3: {  	[tilespmem:v2+s5+$0x0 ss:$0x1] =	vst.idx.msk vm3, v6;
	s11 =	sshll.u32 s29, $0x3;
	s29 =	sand.u32 $0x7F, s29;
	s2 =	sadd.s32 s8, s2  }
0xd4: {  	[tilespmem:v2+s3+$0x0 ss:$0x1] =	vst.idx.msk vm5, v8;
	s9 =	sadd.s32 s28, s7;
	s26 =	sand.u32 $0xFFFFFC00, s11;
	s28 =	sshll.u32 s13, $0x3  }
0xd5: {  	[tilespmem:v2+s10+$0x0 ss:$0x1] =	vst.idx.msk vm6, v11;
	s15 =	sadd.s32 s8, s9;
	s5 =	sadd.s32 s26, s6;
	s7 =	sand.u32 $0xFFFFFC00, s28  }
0xd6: {  	[tilespmem:s2+$0x0] =	vst v1;
	s4 =	sadd.s32 s29, s5;
	s5 =	sand.u32 $0x7F, s13;
	s9 =	sadd.s32 s7, s6  }
0xd7: {  	[tilespmem:s15+$0x0] =	vst v1;
	s2 =	sadd.s32 s8, s4;
	s10 =	sadd.s32 s5, s9  }
0xd8: {  	[tilespmem:s2+$0x0] =	vst v1;
	s11 =	sadd.s32 s8, s10  }
0xd9: {  	s13 =	sadd.s32 s8, s6;
	[tilespmem:s11+$0x0] =	vst v1  }
0xda: {  	v3 =	vld [tilespmem:s13+$0x0]  }
0xdb: {  	v4 =	vld [tilespmem:s13+$0x10]  }
0xdc: {  	v5 =	vld [tilespmem:s13+$0x20]  }
0xdd: {  	v6 =	vld [tilespmem:s13+$0x30];
	_ =	sdelay $0x1  }
0xde: {  	(xrf1) =	vsort.dscd.msk.f32 $0xffff, v3, v3  }
0xdf: {  	(xrf1) =	vsort.dscd.msk.f32 $0xffff, v4, v4  }
0xe0: {  	(xrf1) =	vsort.dscd.msk.f32 $0xffff, v5, v5  }
0xe1: {  	(xrf1) =	vsort.dscd.msk.f32 $0xffff, v6, v6;
	_ =	sdelay $0xa  }
0xe2: {  	v3, _, _ =	vpop (xrf1)  }
0xe3: {  	v4, _, _ =	vpop (xrf1)  }
0xe4: {  	v5, _, _ =	vpop (xrf1);
	v4 =	vperm.xlane v4, v0  }
0xe5: {  	v6, _, _ =	vpop (xrf1)  }
0xe6: {  	v7 =	vmax.f32 v3, v4;
	v6 =	vperm.xlane v6, v0  }
0xe7: {  	v3 =	vmin.f32 v3, v4;
	(xrf1) =	vsort.dscd.msk.f32 $0xffff, v7, v7  }
0xe8: {  	(xrf1) =	vsort.dscd.msk.f32 $0xffff, v3, v3;
	v3 =	vmax.f32 v5, v6  }
0xe9: {  	(xrf1) =	vsort.dscd.msk.f32 $0xffff, v3, v3;
	v3 =	vmin.f32 v5, v6  }
0xea: {  	(xrf1) =	vsort.dscd.msk.f32 $0xffff, v3, v3;
	_ =	sdelay $0xa  }
0xeb: {  	v3, _, _ =	vpop (xrf1)  }
0xec: {  	v4, _, _ =	vpop (xrf1)  }
0xed: {  	v5, _, _ =	vpop (xrf1)  }
0xee: {  	v6, _, _ =	vpop (xrf1)  }
0xef: {  	v5 =	vperm.xlane v5, v0;
	v6 =	vperm.xlane v6, v0;
	_ =	sdelay $0x1  }
0xf0: {  	v8 =	vmax.f32 v4, v5;
	v7 =	vmax.f32 v3, v6  }
0xf1: {  	v3 =	vmin.f32 v3, v6;
	v6 =	vmax.f32 v7, v8  }
0xf2: {  	v4 =	vmin.f32 v4, v5;
	v5 =	vmin.f32 v7, v8;
	(xrf1) =	vsort.dscd.msk.f32 $0xffff, v6, v6  }
0xf3: {  	(xrf1) =	vsort.dscd.msk.f32 $0xffff, v5, v5;
	v5 =	vmax.f32 v3, v4  }
0xf4: {  	v3 =	vmin.f32 v3, v4;
	(xrf1) =	vsort.dscd.msk.f32 $0xffff, v5, v5  }
0xf5: {  	(xrf1) =	vsort.dscd.msk.f32 $0xffff, v3, v3;
	_ =	sdelay $0x1  }
0xf6: {  	s15 =	sadd.s32 $0x3F, s12  }
0xf7: {  	s26 =	sand.u32 $0x3F, s15  }
0xf8: {  	s28 =	sshra.s32 s15, $0x1F;
	p1 =	slt.s32 s15, $0x1;
	p2 =	sne.s32 s26, $0x0  }
0xf9: {  	s29 =	sshrl.u32 s28, $0x1A;
	p1 =	por !p1, !p2  }
0xfa: {  	s4 =	simm.s32 $0x1;
	s2 =	sadd.s32 s29, s15;
	p1 =	por !p1, !p1  }
0xfb: {  	s3 =	sshra.s32 s2, $0x6;
	s4 =	simm.s32 @!p1 $0x0  }
0xfc: {  	s2 =	ssub.s32 s3, s4  }
0xfd: {  	p2 =	slt.s32 s2, $0x2  }
.Ltmp7:
0xfe: {  	_ = 	snop;
	(pc) =	sbr.rel @p2 .LBB2_10-.Ltmp7, $4  }
0xff: {  	v6, _, _ =	vpop (xrf1)  }
0x100: {  	v5, _, _ =	vpop (xrf1)  }
0x101: {  	v4, _, _ =	vpop (xrf1)  }
0x102: {  	v3, _, _ =	vpop (xrf1)  }
0x103: {  	(xrf0) =	vmin.scan.msk.f32 $0xffff, v3;
	_ =	sdelay $0x5  }
0x104: {  	v7, _, _ =	vpop (xrf0)  }
0x105: {  	(v2sf) =	vpush v7, $0xF;
	_ =	sdelay $0xa  }
.Ltmp8:
0x106: {  	_ = 	snop;
	(pc) =	sbr.rel .LBB2_7-.Ltmp8, $4  }
0x107: {  	s4 =	simm.s32 $0xFFFFFFFF  }
0x108: {  	s4 =	simm.s32 @!p1 $0x0  }
0x109: {  	s12 =	simm.s32 $0x200;
	s3 =	sadd.s32 s4, s3  }
0x10a: {  	s26 =	simm.s32 $0x40;
	s8 =	sadd.s32 $0xFFFFFFFF, s3;
	s2 =	spop (v2sf)  }
.LBB2_9:
0x10b: {  	s8 =	sadd.s32 $0xFFFFFFFF, s8  }
0x10c: {  	p1 =	sne.s32 s8, $0x0  }
.Ltmp9:
0x10d: {  	_ = 	snop;
	(pc) =	sbr.rel @!p1 .LBB2_10-.Ltmp9, $2  }
0x10e: {  	_ =	sdelay $0x2  }
0x10f: {  	s12 =	sadd.s32 $0x200, s12;
	s26 =	sadd.s32 $0x40, s26  }
.LBB2_7:
0x110: {  	_ = 	snop  }
0x111: {  	s3 =	sand.u32 $0xFFFFFC00, s12  }
0x112: {  	s4 =	sand.u32 $0x40, s26;
	s3 =	sadd.s32 s3, s6  }
0x113: {  	s3 =	sadd.s32 s4, s3  }
0x114: {  	v7 =	vld.idx.msk [tilespmem:v2+s3+$0x0 ss:$0x1], $0xffff  }
0x115: {  	v8 =	vld.idx.msk [tilespmem:v2+s3+$0x10 ss:$0x1], $0xffff  }
0x116: {  	v9 =	vld.idx.msk [tilespmem:v2+s3+$0x20 ss:$0x1], $0xffff  }
0x117: {  	v10 =	vld.idx.msk [tilespmem:v2+s3+$0x30 ss:$0x1], $0xffff;
	_ =	sdelay $0x4  }
0x118: {  	v11 =	vmax.f32 v7, v8;
	v12 =	vmax.f32 v9, v10  }
0x119: {  	v11 =	vmax.f32 v11, v12  }
0x11a: {  	(xrf0) =	vmax.scan.msk.f32 $0xffff, v11;
	_ =	sdelay $0x5  }
0x11b: {  	v11, _, _ =	vpop (xrf0)  }
0x11c: {  	(v2sf) =	vpush v11, $0xF;
	_ =	sdelay $0xe  }
0x11d: {  	s29 =	spop (v2sf)  }
0x11e: {  	p1 =	sgt.f32 s29, s2  }
.Ltmp10:
0x11f: {  	_ = 	snop;
	(pc) =	sbr.rel @!p1 .LBB2_9-.Ltmp10, $1  }
0x120: {  	_ =	sdelay $0x3  }
0x121: {  	(xrf1) =	vsort.dscd.msk.f32 $0xffff, v7, v7  }
0x122: {  	(xrf1) =	vsort.dscd.msk.f32 $0xffff, v8, v8  }
0x123: {  	(xrf1) =	vsort.dscd.msk.f32 $0xffff, v9, v9  }
0x124: {  	(xrf1) =	vsort.dscd.msk.f32 $0xffff, v10, v10;
	_ =	sdelay $0xa  }
0x125: {  	v7, _, _ =	vpop (xrf1)  }
0x126: {  	v8, _, _ =	vpop (xrf1)  }
0x127: {  	v9, _, _ =	vpop (xrf1);
	v8 =	vperm.xlane v8, v0  }
0x128: {  	v10, _, _ =	vpop (xrf1)  }
0x129: {  	v11 =	vmax.f32 v7, v8;
	v10 =	vperm.xlane v10, v0  }
0x12a: {  	v7 =	vmin.f32 v7, v8;
	(xrf1) =	vsort.dscd.msk.f32 $0xffff, v11, v11  }
0x12b: {  	(xrf1) =	vsort.dscd.msk.f32 $0xffff, v7, v7;
	v7 =	vmax.f32 v9, v10  }
0x12c: {  	(xrf1) =	vsort.dscd.msk.f32 $0xffff, v7, v7;
	v7 =	vmin.f32 v9, v10  }
0x12d: {  	(xrf1) =	vsort.dscd.msk.f32 $0xffff, v7, v7;
	_ =	sdelay $0xa  }
0x12e: {  	v7, _, _ =	vpop (xrf1)  }
0x12f: {  	v8, _, _ =	vpop (xrf1)  }
0x130: {  	v57, _, _ =	vpop (xrf1)  }
0x131: {  	v58, _, _ =	vpop (xrf1)  }
0x132: {  	v9 =	vperm.xlane v57, v0;
	v10 =	vperm.xlane v58, v0;
	_ =	sdelay $0x1  }
0x133: {  	v12 =	vmax.f32 v8, v9;
	v59 =	vmax.f32 v7, v10  }
0x134: {  	v8 =	vmin.f32 v8, v9;
	v60 =	vmax.f32 v59, v12  }
0x135: {  	v7 =	vmin.f32 v7, v10;
	v61 =	vmin.f32 v59, v12;
	(xrf1) =	vsort.dscd.msk.f32 $0xffff, v60, v60  }
0x136: {  	v62 =	vmax.f32 v7, v8;
	(xrf1) =	vsort.dscd.msk.f32 $0xffff, v61, v61  }
0x137: {  	v7 =	vmin.f32 v7, v8;
	(xrf1) =	vsort.dscd.msk.f32 $0xffff, v62, v62  }
0x138: {  	(xrf1) =	vsort.dscd.msk.f32 $0xffff, v7, v7;
	_ =	sdelay $0xa  }
0x139: {  	v7, _, _ =	vpop (xrf1)  }
0x13a: {  	v8, _, _ =	vpop (xrf1)  }
0x13b: {  	v9, _, _ =	vpop (xrf1)  }
0x13c: {  	v7 =	vperm.xlane v7, v0;
	v8 =	vperm.xlane v8, v0;
	v63, _, _ =	vpop (xrf1)  }
0x13d: {  	v9 =	vperm.xlane v9, v0;
	v10 =	vperm.xlane v63, v0  }
0x13e: {  	v3 =	vmax.f32 v3, v7  }
0x13f: {  	v4 =	vmax.f32 v4, v8;
	v5 =	vmax.f32 v5, v9;
	v6 =	vmax.f32 v6, v10  }
0x140: {  	v8 =	vmax.f32 v5, v3;
	v7 =	vmax.f32 v6, v4  }
0x141: {  	v4 =	vmin.f32 v6, v4;
	v6 =	vmax.f32 v7, v8  }
0x142: {  	v3 =	vmin.f32 v5, v3;
	v5 =	vmin.f32 v7, v8;
	(xrf1) =	vsort.dscd.msk.f32 $0xffff, v6, v6  }
0x143: {  	(xrf1) =	vsort.dscd.msk.f32 $0xffff, v5, v5;
	v5 =	vmax.f32 v4, v3  }
0x144: {  	v3 =	vmin.f32 v4, v3;
	(xrf1) =	vsort.dscd.msk.f32 $0xffff, v5, v5  }
0x145: {  	(xrf1) =	vsort.dscd.msk.f32 $0xffff, v3, v3;
	_ =	sdelay $0xa  }
0x146: {  	v6, _, _ =	vpop (xrf1)  }
0x147: {  	v5, _, _ =	vpop (xrf1)  }
0x148: {  	v4, _, _ =	vpop (xrf1)  }
0x149: {  	v3, _, _ =	vpop (xrf1)  }
0x14a: {  	(xrf0) =	vmin.scan.msk.f32 $0xffff, v3;
	_ =	sdelay $0x5  }
0x14b: {  	v7, _, _ =	vpop (xrf0)  }
0x14c: {  	(v2sf) =	vpush v7, $0xF;
	_ =	sdelay $0xa  }
.Ltmp11:
0x14d: {  	_ = 	snop;
	(pc) =	sbr.rel .LBB2_9-.Ltmp11, $2  }
0x14e: {  	_ =	sdelay $0x2  }
0x14f: {  	s2 =	spop (v2sf)  }
.LBB2_10:
0x150: {  	s6 =	sadd.s32 $0x1, s23  }
0x151: {  	s26 =	sshll.u32 s6, $0x7  }
0x152: {  	v2 =	vld [tilespmem:s26+$0x10800]  }
0x153: {  	v7 =	vld [tilespmem:s26+$0x10810]  }
0x154: {  	v8 =	vld [tilespmem:s26+$0x10820]  }
0x155: {  	v9 =	vld [tilespmem:s26+$0x10830];
	_ =	sdelay $0x1  }
0x156: {  	(xrf1) =	vsort.dscd.msk.f32 $0xffff, v2, v2  }
0x157: {  	(xrf1) =	vsort.dscd.msk.f32 $0xffff, v7, v7  }
0x158: {  	(xrf1) =	vsort.dscd.msk.f32 $0xffff, v8, v8  }
0x159: {  	(xrf1) =	vsort.dscd.msk.f32 $0xffff, v9, v9;
	_ =	sdelay $0xa  }
0x15a: {  	v2, _, _ =	vpop (xrf1)  }
0x15b: {  	v7, _, _ =	vpop (xrf1)  }
0x15c: {  	v8, _, _ =	vpop (xrf1);
	v7 =	vperm.xlane v7, v0  }
0x15d: {  	v9, _, _ =	vpop (xrf1)  }
0x15e: {  	v10 =	vmax.f32 v2, v7;
	v9 =	vperm.xlane v9, v0  }
0x15f: {  	v2 =	vmin.f32 v2, v7;
	(xrf1) =	vsort.dscd.msk.f32 $0xffff, v10, v10  }
0x160: {  	(xrf1) =	vsort.dscd.msk.f32 $0xffff, v2, v2;
	v2 =	vmax.f32 v8, v9  }
0x161: {  	(xrf1) =	vsort.dscd.msk.f32 $0xffff, v2, v2;
	v2 =	vmin.f32 v8, v9  }
0x162: {  	(xrf1) =	vsort.dscd.msk.f32 $0xffff, v2, v2;
	_ =	sdelay $0xa  }
0x163: {  	v2, _, _ =	vpop (xrf1)  }
0x164: {  	v7, _, _ =	vpop (xrf1)  }
0x165: {  	v8, _, _ =	vpop (xrf1)  }
0x166: {  	v9, _, _ =	vpop (xrf1)  }
0x167: {  	v8 =	vperm.xlane v8, v0;
	v9 =	vperm.xlane v9, v0;
	_ =	sdelay $0x1  }
0x168: {  	v11 =	vmax.f32 v7, v8;
	v10 =	vmax.f32 v2, v9  }
0x169: {  	v12 =	vld [tilespmem:s26+$0x10840];
	v2 =	vmin.f32 v2, v9;
	v9 =	vmax.f32 v10, v11  }
0x16a: {  	v7 =	vmin.f32 v7, v8;
	v8 =	vmin.f32 v10, v11;
	(xrf1) =	vsort.dscd.msk.f32 $0xffff, v9, v9;
	v9 =	vld [tilespmem:s26+$0x10850]  }
0x16b: {  	v10 =	vld [tilespmem:s26+$0x10860];
	(xrf1) =	vsort.dscd.msk.f32 $0xffff, v8, v8;
	v8 =	vmax.f32 v2, v7  }
0x16c: {  	v2 =	vmin.f32 v2, v7;
	v7 =	vld [tilespmem:s26+$0x10870];
	(xrf1) =	vsort.dscd.msk.f32 $0xffff, v8, v8  }
0x16d: {  	(xrf1) =	vsort.dscd.msk.f32 $0xffff, v2, v2  }
0x16e: {  	(xrf1) =	vsort.dscd.msk.f32 $0xffff, v12, v12  }
0x16f: {  	(xrf1) =	vsort.dscd.msk.f32 $0xffff, v9, v9  }
0x170: {  	(xrf1) =	vsort.dscd.msk.f32 $0xffff, v10, v10  }
0x171: {  	(xrf1) =	vsort.dscd.msk.f32 $0xffff, v7, v7;
	_ =	sdelay $0x6  }
0x172: {  	v2, _, _ =	vpop (xrf1)  }
0x173: {  	v7, _, _ =	vpop (xrf1)  }
0x174: {  	v8, _, _ =	vpop (xrf1)  }
0x175: {  	v9, _, _ =	vpop (xrf1)  }
0x176: {  	v10, _, _ =	vpop (xrf1)  }
0x177: {  	v11, _, _ =	vpop (xrf1)  }
0x178: {  	v12, _, _ =	vpop (xrf1);
	v11 =	vperm.xlane v11, v0  }
0x179: {  	v13, _, _ =	vpop (xrf1)  }
0x17a: {  	v14 =	vmax.f32 v10, v11;
	v13 =	vperm.xlane v13, v0  }
0x17b: {  	v10 =	vmin.f32 v10, v11;
	(xrf1) =	vsort.dscd.msk.f32 $0xffff, v14, v14  }
0x17c: {  	(xrf1) =	vsort.dscd.msk.f32 $0xffff, v10, v10;
	v10 =	vmax.f32 v12, v13  }
0x17d: {  	(xrf1) =	vsort.dscd.msk.f32 $0xffff, v10, v10;
	v10 =	vmin.f32 v12, v13  }
0x17e: {  	(xrf1) =	vsort.dscd.msk.f32 $0xffff, v10, v10;
	_ =	sdelay $0xa  }
0x17f: {  	v10, _, _ =	vpop (xrf1)  }
0x180: {  	v11, _, _ =	vpop (xrf1)  }
0x181: {  	v12, _, _ =	vpop (xrf1)  }
0x182: {  	v13, _, _ =	vpop (xrf1)  }
0x183: {  	v12 =	vperm.xlane v12, v0;
	v13 =	vperm.xlane v13, v0;
	_ =	sdelay $0x1  }
0x184: {  	v15 =	vmax.f32 v11, v12;
	v14 =	vmax.f32 v10, v13  }
0x185: {  	v10 =	vmin.f32 v10, v13;
	v13 =	vmax.f32 v14, v15  }
0x186: {  	v11 =	vmin.f32 v11, v12;
	v12 =	vmin.f32 v14, v15;
	(xrf1) =	vsort.dscd.msk.f32 $0xffff, v13, v13  }
0x187: {  	(xrf1) =	vsort.dscd.msk.f32 $0xffff, v12, v12;
	v12 =	vmax.f32 v10, v11  }
0x188: {  	v10 =	vmin.f32 v10, v11;
	(xrf1) =	vsort.dscd.msk.f32 $0xffff, v12, v12  }
0x189: {  	(xrf1) =	vsort.dscd.msk.f32 $0xffff, v10, v10;
	_ =	sdelay $0xa  }
0x18a: {  	v10, _, _ =	vpop (xrf1)  }
0x18b: {  	v11, _, _ =	vpop (xrf1)  }
0x18c: {  	v12, _, _ =	vpop (xrf1)  }
0x18d: {  	v10 =	vperm.xlane v10, v0;
	v11 =	vperm.xlane v11, v0;
	v13, _, _ =	vpop (xrf1)  }
0x18e: {  	v12 =	vperm.xlane v12, v0;
	v13 =	vperm.xlane v13, v0  }
0x18f: {  	v9 =	vmax.f32 v9, v10  }
0x190: {  	v8 =	vmax.f32 v8, v11;
	v7 =	vmax.f32 v7, v12;
	v2 =	vmax.f32 v2, v13  }
0x191: {  	v7 =	vmin.f32 v7, v9;
	v2 =	vmin.f32 v2, v8  }
0x192: {  	v2 =	vmin.f32 v2, v7  }
0x193: {  	(xrf1) =	vsort.dscd.msk.f32 $0xffff, v2, v2;
	_ =	sdelay $0xd  }
0x194: {  	v7 =	vmov s0;
	v2, _, _ =	vpop (xrf1)  }
0x195: {  	(xrf0) =	vmin.scan.msk.f32 $0xffff, v2;
	_ =	sdelay $0x2  }
0x196: {  	s2 =	simm.s32 $0x0  }
0x197: {  	v16 =	vld.idx.msk [tilespmem:v7+s2+$0xFFFFFFC0 ss:$0x1], $0xffff  }
0x198: {  	v14 =	vld.idx.msk [tilespmem:v7+s2+$0xFFFFFFD0 ss:$0x1], $0xffff  }
0x199: {  	v13 =	vld.idx.msk [tilespmem:v7+s2+$0xFFFFFFE0 ss:$0x1], $0xffff;
	v2, _, _ =	vpop (xrf0)  }
0x19a: {  	v11 =	vld.idx.msk [tilespmem:v7+s2+$0xFFFFFFF0 ss:$0x1], $0xffff;
	v8 =	vbroadcast v2, $0xF;
	_ =	sdelay $0x1  }
0x19b: {  	vm7 =	vge.f32 v16, v8  }
0x19c: {  	v9 =	vld.idx.msk [tilespmem:v7+s2+$0x0 ss:$0x1], $0xffff;
	vm5 =	vge.f32 v14, v8;
	v2 =	vmpcnt.ones.xlane vm7  }
0x19d: {  	vm3 =	vge.f32 v13, v8;
	v12 =	vmpcnt.ones.xlane vm5  }
0x19e: {  	v10 =	vld.idx.msk [tilespmem:v7+s2+$0x10 ss:$0x1], $0xffff;
	vm0 =	vge.f32 v11, v8;
	v15 =	vmpcnt.ones.xlane vm3;
	(v2sf) =	vpush v2, $0x0  }
0x19f: {  	v2 =	vmpcnt.ones.xlane vm0;
	(v2sf) =	vpush v12, $0x0;
	v12 =	vld.idx.msk [tilespmem:v7+s2+$0x20 ss:$0x1], $0xffff  }
0x1a0: {  	(v2sf) =	vpush v15, $0x0  }
0x1a1: {  	vm2 =	vge.f32 v9, v8;
	(v2sf) =	vpush v2, $0x0  }
0x1a2: {  	v2 =	vmpcnt.ones.xlane vm2  }
0x1a3: {  	vm1 =	vge.f32 v10, v8  }
0x1a4: {  	(v2sf) =	vpush v2, $0x0;
	v2 =	vmpcnt.ones.xlane vm1;
	vm4 =	vge.f32 v12, v8  }
0x1a5: {  	v15 =	vmpcnt.ones.xlane vm4  }
0x1a6: {  	(v2sf) =	vpush v2, $0x0  }
0x1a7: {  	s9 =	sshrl.u32 s6, $0x3;
	(v2sf) =	vpush v15, $0x0;
	v15 =	vld.idx.msk [tilespmem:v7+s2+$0x30 ss:$0x1], $0xffff  }
0x1a8: {  	s3 =	smul.u32 $0x11000, s9  }
0x1a9: {  	s10 =	simm.s32 $0x0  }
0x1aa: {  	s4 =	simm.s32 $0x0;
	s12 =	simm.s32 $0x1000;
	s3 =	sshra.s32 s3, $0x2  }
0x1ab: {  	s4 =	sand.u32 $0x7F, s4;
	s6 =	sadd.s32 $0x11000, s3;
	s3 =	sand.u32 $0xFFFFFC00, s10  }
0x1ac: {  	[tilespmem:s25+$0x10000] =	vst v6;
	s29 =	sor.u32 $0x20, s26;
	s28 =	sor.u32 $0x30, s26;
	s3 =	sadd.s32 s3, s6;
	vm6 =	vge.f32 v15, v8  }
0x1ad: {  	[tilespmem:s1+$0x10000] =	vst v5;
	s8 =	sand.u32 $0x380, s26;
	s3 =	sadd.s32 s4, s3;
	s5 =	spop (v2sf);
	v5 =	vmpcnt.ones.xlane vm6  }
0x1ae: {  	s0 =	sor.u32 $0x10, s26;
	s4 =	sadd.s32 $0x0, s5;
	s11 =	spop (v2sf)  }
0x1af: {  	s5 =	sadd.s32 s4, s11;
	s7 =	sshll.u32 s4, $0x3;
	s9 =	spop (v2sf);
	(v2sf) =	vpush v5, $0x0  }
0x1b0: {  	s2 =	sadd.s32 s5, s9;
	s13 =	spop (v2sf);
	s10 =	sshll.u32 s5, $0x3  }
0x1b1: {  	s7 =	sand.u32 $0xFFFFFC00, s7;
	s5 =	sand.u32 $0x7F, s5;
	s13 =	sadd.s32 s2, s13  }
0x1b2: {  	s15 =	sand.u32 $0xFFFFFC00, s10;
	s11 =	sand.u32 $0x7F, s2;
	s7 =	sadd.s32 s7, s6  }
0x1b3: {  	v2 =	vmov s8;
	s9 =	sadd.s32 s15, s6;
	s10 =	spop (v2sf);
	s15 =	sshll.u32 s2, $0x3  }
0x1b4: {  	s25 =	sand.u32 $0x7F, s13;
	s9 =	sadd.s32 s5, s9;
	s5 =	sshll.u32 s13, $0x3  }
0x1b5: {  	s1 =	sadd.s32 s13, s10;
	s10 =	sand.u32 $0x7F, s4;
	s5 =	sand.u32 $0xFFFFFC00, s5  }
0x1b6: {  	[tilespmem:s31+$0x10000] =	vst v4;
	s31 =	sand.u32 $0xFFFFFC00, s15;
	s2 =	sadd.s32 s5, s6;
	s5 =	spop (v2sf)  }
0x1b7: {  	[tilespmem:s30+$0x10000] =	vst v3;
	s25 =	sadd.s32 s25, s2;
	s13 =	spop (v2sf);
	s2 =	sadd.s32 s1, s5  }
0x1b8: {  	[tilespmem:v2+s3+$0x0 ss:$0x1] =	vst.idx.msk vm7, v16;
	s3 =	sadd.s32 s10, s7;
	s4 =	sadd.s32 s31, s6;
	s30 =	sadd.s32 s2, s13  }
.LBB2_11:
0x1b9: {  	[tilespmem:v2+s3+$0x0 ss:$0x1] =	vst.idx.msk vm5, v14;
	s3 =	sadd.s32 s11, s4;
	s4 =	sshll.u32 s1, $0x3;
	s5 =	sshll.u32 s2, $0x3  }
0x1ba: {  	s2 =	sand.u32 $0x7F, s2;
	[tilespmem:v2+s9+$0x0 ss:$0x1] =	vst.idx.msk vm3, v13;
	s4 =	sand.u32 $0xFFFFFC00, s4;
	s5 =	sand.u32 $0xFFFFFC00, s5  }
0x1bb: {  	s1 =	sand.u32 $0x7F, s1;
	[tilespmem:v2+s3+$0x0 ss:$0x1] =	vst.idx.msk vm0, v11;
	s3 =	sadd.s32 s4, s6;
	s4 =	sshll.u32 s30, $0x3  }
0x1bc: {  	[tilespmem:v2+s25+$0x0 ss:$0x1] =	vst.idx.msk vm2, v9;
	s1 =	sadd.s32 s1, s3;
	s3 =	sadd.s32 s5, s6;
	s4 =	sand.u32 $0xFFFFFC00, s4  }
0x1bd: {  	[tilespmem:v2+s1+$0x0 ss:$0x1] =	vst.idx.msk vm1, v10;
	s1 =	sadd.s32 s2, s3;
	s2 =	sand.u32 $0x7F, s30;
	s3 =	sadd.s32 s4, s6  }
0x1be: {  	p1 =	sne.s32 s12, $0xF000;
	[tilespmem:v2+s1+$0x0 ss:$0x1] =	vst.idx.msk vm4, v12;
	s2 =	sadd.s32 s2, s3;
	s1 =	spop (v2sf)  }
0x1bf: {  	s1 =	sadd.s32 s30, s1;
	[tilespmem:v2+s2+$0x0 ss:$0x1] =	vst.idx.msk vm6, v15;
	s2 =	smov.u32 s12;
	s12 =	sadd.s32 $0x1000, s12  }
0x1c0: {  	s2 =	sshra.s32 s2, $0x2;
	s3 =	sshll.u32 s1, $0x3  }
0x1c1: {  	v3 =	vld.idx.msk [tilespmem:v7+s2+$0xFFFFFFC0 ss:$0x1], $0xffff;
	s3 =	sand.u32 $0xFFFFFC00, s3  }
0x1c2: {  	v14 =	vld.idx.msk [tilespmem:v7+s2+$0xFFFFFFD0 ss:$0x1], $0xffff;
	s3 =	sadd.s32 s3, s6  }
0x1c3: {  	v13 =	vld.idx.msk [tilespmem:v7+s2+$0xFFFFFFE0 ss:$0x1], $0xffff  }
0x1c4: {  	v11 =	vld.idx.msk [tilespmem:v7+s2+$0xFFFFFFF0 ss:$0x1], $0xffff  }
0x1c5: {  	v9 =	vld.idx.msk [tilespmem:v7+s2+$0x0 ss:$0x1], $0xffff  }
0x1c6: {  	v10 =	vld.idx.msk [tilespmem:v7+s2+$0x10 ss:$0x1], $0xffff  }
0x1c7: {  	vm6 =	vge.f32 v3, v8  }
0x1c8: {  	v4 =	vmpcnt.ones.xlane vm6;
	vm5 =	vge.f32 v14, v8  }
0x1c9: {  	v5 =	vmpcnt.ones.xlane vm5;
	vm3 =	vge.f32 v13, v8  }
0x1ca: {  	v6 =	vmpcnt.ones.xlane vm3;
	vm0 =	vge.f32 v11, v8;
	v12 =	vld.idx.msk [tilespmem:v7+s2+$0x20 ss:$0x1], $0xffff;
	(v2sf) =	vpush v4, $0x0  }
0x1cb: {  	v4 =	vmpcnt.ones.xlane vm0;
	vm2 =	vge.f32 v9, v8;
	(v2sf) =	vpush v5, $0x0  }
0x1cc: {  	v5 =	vmpcnt.ones.xlane vm2;
	vm1 =	vge.f32 v10, v8;
	(v2sf) =	vpush v6, $0x0  }
0x1cd: {  	v6 =	vmpcnt.ones.xlane vm1;
	(v2sf) =	vpush v4, $0x0  }
0x1ce: {  	(v2sf) =	vpush v5, $0x0  }
0x1cf: {  	(v2sf) =	vpush v6, $0x0  }
0x1d0: {  	vm4 =	vge.f32 v12, v8  }
0x1d1: {  	s4 =	sand.u32 $0x7F, s1;
	v4 =	vmpcnt.ones.xlane vm4  }
0x1d2: {  	v15 =	vld.idx.msk [tilespmem:v7+s2+$0x30 ss:$0x1], $0xffff;
	s2 =	sadd.s32 s4, s3  }
0x1d3: {  	[tilespmem:v2+s2+$0x0 ss:$0x1] =	vst.idx.msk vm6, v3;
	(v2sf) =	vpush v4, $0x0;
	_ =	sdelay $0x4  }
0x1d4: {  	vm6 =	vge.f32 v15, v8  }
0x1d5: {  	v3 =	vmpcnt.ones.xlane vm6;
	s2 =	spop (v2sf)  }
0x1d6: {  	s2 =	sadd.s32 s1, s2;
	s1 =	spop (v2sf)  }
0x1d7: {  	s3 =	sadd.s32 s2, s1;
	s1 =	sshll.u32 s2, $0x3;
	s4 =	spop (v2sf);
	(v2sf) =	vpush v3, $0x0  }
0x1d8: {  	s4 =	sadd.s32 s3, s4;
	s5 =	spop (v2sf)  }
0x1d9: {  	s1 =	sand.u32 $0xFFFFFC00, s1;
	s5 =	sadd.s32 s4, s5  }
0x1da: {  	s11 =	sand.u32 $0x7F, s4;
	s7 =	spop (v2sf);
	s10 =	sadd.s32 s1, s6  }
0x1db: {  	s4 =	sshll.u32 s4, $0x3;
	s13 =	spop (v2sf);
	s1 =	sadd.s32 s5, s7  }
0x1dc: {  	s7 =	sand.u32 $0x7F, s3;
	s3 =	sshll.u32 s3, $0x3;
	s15 =	sand.u32 $0x7F, s5  }
.Ltmp12:
0x1dd: {  	s5 =	sshll.u32 s5, $0x3;
	s3 =	sand.u32 $0xFFFFFC00, s3;
	(pc) =	sbr.rel @p1 .LBB2_11-.Ltmp12, $4  }
0x1de: {  	s31 =	sand.u32 $0x7F, s2;
	s2 =	sadd.s32 s3, s6;
	s3 =	sand.u32 $0xFFFFFC00, s5  }
0x1df: {  	s9 =	sadd.s32 s7, s2;
	s3 =	sadd.s32 s3, s6;
	s5 =	spop (v2sf)  }
0x1e0: {  	s4 =	sand.u32 $0xFFFFFC00, s4;
	s2 =	sadd.s32 s1, s13;
	s25 =	sadd.s32 s15, s3  }
0x1e1: {  	s4 =	sadd.s32 s4, s6;
	s3 =	sadd.s32 s31, s10;
	s30 =	sadd.s32 s2, s5  }
0x1e2: {  	_ = 	snop  }
0x1e3: {  	s4 =	sadd.s32 s11, s4;
	s5 =	sshll.u32 s1, $0x3;
	s7 =	sshll.u32 s2, $0x3  }
0x1e4: {  	s31 =	sand.u32 $0x7F, s2;
	s11 =	sand.u32 $0x7F, s1;
	s12 =	sshll.u32 s30, $0x3  }
0x1e5: {  	s5 =	sand.u32 $0xFFFFFC00, s5;
	s7 =	sand.u32 $0xFFFFFC00, s7;
	s13 =	sand.u32 $0xFFFFFC00, s12  }
0x1e6: {  	s5 =	sadd.s32 s5, s6;
	s7 =	sadd.s32 s7, s6;
	s10 =	spop (v2sf)  }
0x1e7: {  	[tilespmem:v2+s3+$0x0 ss:$0x1] =	vst.idx.msk vm5, v14;
	s5 =	sadd.s32 s11, s5;
	s2 =	sadd.s32 s31, s7;
	s1 =	sadd.s32 s30, s10  }
0x1e8: {  	[tilespmem:v2+s9+$0x0 ss:$0x1] =	vst.idx.msk vm3, v13;
	s30 =	sand.u32 $0x7F, s30;
	s10 =	sadd.s32 s13, s6;
	s15 =	sshll.u32 s1, $0x3  }
0x1e9: {  	[tilespmem:v2+s4+$0x0 ss:$0x1] =	vst.idx.msk vm0, v11;
	s31 =	sand.u32 $0x7F, s1;
	s12 =	sadd.s32 $0x10, s1;
	s4 =	sadd.s32 s30, s10  }
0x1ea: {  	s11 =	sand.u32 $0xFFFFFC00, s15;
	s13 =	sshll.u32 s12, $0x3;
	s30 =	sand.u32 $0x7F, s12  }
0x1eb: {  	s11 =	sadd.s32 s11, s6;
	s15 =	sand.u32 $0xFFFFFC00, s13;
	s13 =	sadd.s32 $0x30, s1  }
0x1ec: {  	[tilespmem:v2+s25+$0x0 ss:$0x1] =	vst.idx.msk vm2, v9;
	s3 =	sadd.s32 s31, s11;
	s7 =	sadd.s32 s15, s6;
	s31 =	sadd.s32 $0x20, s1  }
0x1ed: {  	[tilespmem:v2+s5+$0x0 ss:$0x1] =	vst.idx.msk vm1, v10;
	s9 =	sand.u32 $0x7F, s13;
	s3 =	sadd.s32 s8, s3;
	s12 =	sshll.u32 s31, $0x3  }
0x1ee: {  	[tilespmem:v2+s2+$0x0 ss:$0x1] =	vst.idx.msk vm4, v12;
	s11 =	sadd.s32 s30, s7;
	s30 =	sshll.u32 s13, $0x3;
	s25 =	sand.u32 $0xFFFFFC00, s12  }
0x1ef: {  	[tilespmem:v2+s4+$0x0 ss:$0x1] =	vst.idx.msk vm6, v15;
	s31 =	sand.u32 $0x7F, s31;
	s7 =	sand.u32 $0xFFFFFC00, s30;
	s5 =	sadd.s32 s25, s6  }
0x1f0: {  	s15 =	sadd.s32 s8, s11;
	[tilespmem:s3+$0x0] =	vst v1;
	s10 =	sadd.s32 s7, s6;
	s5 =	sadd.s32 s31, s5  }
0x1f1: {  	[tilespmem:s15+$0x0] =	vst v1;
	s12 =	sadd.s32 s9, s10;
	s11 =	sadd.s32 s8, s5  }
0x1f2: {  	s13 =	sadd.s32 s8, s12;
	[tilespmem:s11+$0x0] =	vst v1  }
0x1f3: {  	s15 =	sadd.s32 s8, s6;
	[tilespmem:s13+$0x0] =	vst v1  }
0x1f4: {  	v3 =	vld [tilespmem:s15+$0x0]  }
0x1f5: {  	v4 =	vld [tilespmem:s15+$0x10]  }
0x1f6: {  	v5 =	vld [tilespmem:s15+$0x20]  }
0x1f7: {  	v6 =	vld [tilespmem:s15+$0x30];
	_ =	sdelay $0x1  }
0x1f8: {  	(xrf1) =	vsort.dscd.msk.f32 $0xffff, v3, v3  }
0x1f9: {  	(xrf1) =	vsort.dscd.msk.f32 $0xffff, v4, v4  }
0x1fa: {  	(xrf1) =	vsort.dscd.msk.f32 $0xffff, v5, v5  }
0x1fb: {  	(xrf1) =	vsort.dscd.msk.f32 $0xffff, v6, v6;
	_ =	sdelay $0xa  }
0x1fc: {  	v3, _, _ =	vpop (xrf1)  }
0x1fd: {  	v4, _, _ =	vpop (xrf1)  }
0x1fe: {  	v5, _, _ =	vpop (xrf1);
	v4 =	vperm.xlane v4, v0  }
0x1ff: {  	v6, _, _ =	vpop (xrf1)  }
0x200: {  	v7 =	vmax.f32 v3, v4;
	v6 =	vperm.xlane v6, v0  }
0x201: {  	v3 =	vmin.f32 v3, v4;
	(xrf1) =	vsort.dscd.msk.f32 $0xffff, v7, v7  }
0x202: {  	(xrf1) =	vsort.dscd.msk.f32 $0xffff, v3, v3;
	v3 =	vmax.f32 v5, v6  }
0x203: {  	(xrf1) =	vsort.dscd.msk.f32 $0xffff, v3, v3;
	v3 =	vmin.f32 v5, v6  }
0x204: {  	(xrf1) =	vsort.dscd.msk.f32 $0xffff, v3, v3;
	_ =	sdelay $0xa  }
0x205: {  	v3, _, _ =	vpop (xrf1)  }
0x206: {  	v4, _, _ =	vpop (xrf1)  }
0x207: {  	v5, _, _ =	vpop (xrf1)  }
0x208: {  	v6, _, _ =	vpop (xrf1)  }
0x209: {  	v5 =	vperm.xlane v5, v0;
	v6 =	vperm.xlane v6, v0;
	_ =	sdelay $0x1  }
0x20a: {  	v8 =	vmax.f32 v4, v5;
	v7 =	vmax.f32 v3, v6  }
0x20b: {  	v3 =	vmin.f32 v3, v6;
	v6 =	vmax.f32 v7, v8  }
0x20c: {  	v4 =	vmin.f32 v4, v5;
	v5 =	vmin.f32 v7, v8;
	(xrf1) =	vsort.dscd.msk.f32 $0xffff, v6, v6  }
0x20d: {  	(xrf1) =	vsort.dscd.msk.f32 $0xffff, v5, v5;
	v5 =	vmax.f32 v3, v4  }
0x20e: {  	v3 =	vmin.f32 v3, v4;
	(xrf1) =	vsort.dscd.msk.f32 $0xffff, v5, v5  }
0x20f: {  	(xrf1) =	vsort.dscd.msk.f32 $0xffff, v3, v3;
	_ =	sdelay $0x1  }
0x210: {  	s1 =	sadd.s32 $0x3F, s1  }
0x211: {  	s25 =	sand.u32 $0x3F, s1  }
0x212: {  	p1 =	slt.s32 s1, $0x1;
	s30 =	sshra.s32 s1, $0x1F;
	p2 =	sne.s32 s25, $0x0  }
0x213: {  	s31 =	sshrl.u32 s30, $0x1A;
	p1 =	por !p1, !p2  }
0x214: {  	s2 =	simm.s32 $0x1;
	s1 =	sadd.s32 s31, s1;
	p1 =	por !p1, !p1  }
0x215: {  	s1 =	sshra.s32 s1, $0x6;
	s2 =	simm.s32 @!p1 $0x0  }
0x216: {  	s2 =	ssub.s32 s1, s2  }
0x217: {  	p2 =	slt.s32 s2, $0x2  }
.Ltmp13:
0x218: {  	_ = 	snop;
	(pc) =	sbr.rel @p2 .LBB2_17-.Ltmp13, $4  }
0x219: {  	v6, _, _ =	vpop (xrf1)  }
0x21a: {  	v5, _, _ =	vpop (xrf1)  }
0x21b: {  	v4, _, _ =	vpop (xrf1)  }
0x21c: {  	v3, _, _ =	vpop (xrf1)  }
0x21d: {  	(xrf0) =	vmin.scan.msk.f32 $0xffff, v3;
	_ =	sdelay $0x5  }
0x21e: {  	v7, _, _ =	vpop (xrf0)  }
0x21f: {  	(v2sf) =	vpush v7, $0xF;
	_ =	sdelay $0xa  }
.Ltmp14:
0x220: {  	_ = 	snop;
	(pc) =	sbr.rel .LBB2_14-.Ltmp14, $4  }
0x221: {  	s3 =	simm.s32 $0xFFFFFFFF  }
0x222: {  	s3 =	simm.s32 @!p1 $0x0  }
0x223: {  	s8 =	simm.s32 $0x200;
	s1 =	sadd.s32 s3, s1  }
0x224: {  	s12 =	simm.s32 $0x40;
	s1 =	sadd.s32 $0xFFFFFFFF, s1;
	s2 =	spop (v2sf)  }
.LBB2_16:
0x225: {  	s1 =	sadd.s32 $0xFFFFFFFF, s1  }
0x226: {  	p1 =	sne.s32 s1, $0x0  }
.Ltmp15:
0x227: {  	_ = 	snop;
	(pc) =	sbr.rel @!p1 .LBB2_17-.Ltmp15, $2  }
0x228: {  	_ =	sdelay $0x2  }
0x229: {  	s8 =	sadd.s32 $0x200, s8;
	s12 =	sadd.s32 $0x40, s12  }
.LBB2_14:
0x22a: {  	_ = 	snop  }
0x22b: {  	s3 =	sand.u32 $0xFFFFFC00, s8  }
0x22c: {  	s4 =	sand.u32 $0x40, s12;
	s3 =	sadd.s32 s3, s6  }
0x22d: {  	s3 =	sadd.s32 s4, s3  }
0x22e: {  	v7 =	vld.idx.msk [tilespmem:v2+s3+$0x0 ss:$0x1], $0xffff  }
0x22f: {  	v8 =	vld.idx.msk [tilespmem:v2+s3+$0x10 ss:$0x1], $0xffff  }
0x230: {  	v9 =	vld.idx.msk [tilespmem:v2+s3+$0x20 ss:$0x1], $0xffff  }
0x231: {  	v10 =	vld.idx.msk [tilespmem:v2+s3+$0x30 ss:$0x1], $0xffff;
	_ =	sdelay $0x4  }
0x232: {  	v11 =	vmax.f32 v7, v8;
	v12 =	vmax.f32 v9, v10  }
0x233: {  	v11 =	vmax.f32 v11, v12  }
0x234: {  	(xrf0) =	vmax.scan.msk.f32 $0xffff, v11;
	_ =	sdelay $0x5  }
0x235: {  	v11, _, _ =	vpop (xrf0)  }
0x236: {  	(v2sf) =	vpush v11, $0xF;
	_ =	sdelay $0xe  }
0x237: {  	s31 =	spop (v2sf)  }
0x238: {  	p1 =	sgt.f32 s31, s2  }
.Ltmp16:
0x239: {  	_ = 	snop;
	(pc) =	sbr.rel @!p1 .LBB2_16-.Ltmp16, $1  }
0x23a: {  	_ =	sdelay $0x3  }
0x23b: {  	(xrf1) =	vsort.dscd.msk.f32 $0xffff, v7, v7  }
0x23c: {  	(xrf1) =	vsort.dscd.msk.f32 $0xffff, v8, v8  }
0x23d: {  	(xrf1) =	vsort.dscd.msk.f32 $0xffff, v9, v9  }
0x23e: {  	(xrf1) =	vsort.dscd.msk.f32 $0xffff, v10, v10;
	_ =	sdelay $0xa  }
0x23f: {  	v7, _, _ =	vpop (xrf1)  }
0x240: {  	v8, _, _ =	vpop (xrf1)  }
0x241: {  	v9, _, _ =	vpop (xrf1);
	v8 =	vperm.xlane v8, v0  }
0x242: {  	v10, _, _ =	vpop (xrf1)  }
0x243: {  	v11 =	vmax.f32 v7, v8;
	v10 =	vperm.xlane v10, v0  }
0x244: {  	v7 =	vmin.f32 v7, v8;
	(xrf1) =	vsort.dscd.msk.f32 $0xffff, v11, v11  }
0x245: {  	(xrf1) =	vsort.dscd.msk.f32 $0xffff, v7, v7;
	v7 =	vmax.f32 v9, v10  }
0x246: {  	(xrf1) =	vsort.dscd.msk.f32 $0xffff, v7, v7;
	v7 =	vmin.f32 v9, v10  }
0x247: {  	(xrf1) =	vsort.dscd.msk.f32 $0xffff, v7, v7;
	_ =	sdelay $0xa  }
0x248: {  	v7, _, _ =	vpop (xrf1)  }
0x249: {  	v8, _, _ =	vpop (xrf1)  }
0x24a: {  	v57, _, _ =	vpop (xrf1)  }
0x24b: {  	v58, _, _ =	vpop (xrf1)  }
0x24c: {  	v9 =	vperm.xlane v57, v0;
	v10 =	vperm.xlane v58, v0;
	_ =	sdelay $0x1  }
0x24d: {  	v12 =	vmax.f32 v8, v9;
	v59 =	vmax.f32 v7, v10  }
0x24e: {  	v8 =	vmin.f32 v8, v9;
	v60 =	vmax.f32 v59, v12  }
0x24f: {  	v7 =	vmin.f32 v7, v10;
	v61 =	vmin.f32 v59, v12;
	(xrf1) =	vsort.dscd.msk.f32 $0xffff, v60, v60  }
0x250: {  	v62 =	vmax.f32 v7, v8;
	(xrf1) =	vsort.dscd.msk.f32 $0xffff, v61, v61  }
0x251: {  	v7 =	vmin.f32 v7, v8;
	(xrf1) =	vsort.dscd.msk.f32 $0xffff, v62, v62  }
0x252: {  	(xrf1) =	vsort.dscd.msk.f32 $0xffff, v7, v7;
	_ =	sdelay $0xa  }
0x253: {  	v7, _, _ =	vpop (xrf1)  }
0x254: {  	v8, _, _ =	vpop (xrf1)  }
0x255: {  	v9, _, _ =	vpop (xrf1)  }
0x256: {  	v7 =	vperm.xlane v7, v0;
	v8 =	vperm.xlane v8, v0;
	v63, _, _ =	vpop (xrf1)  }
0x257: {  	v9 =	vperm.xlane v9, v0;
	v10 =	vperm.xlane v63, v0  }
0x258: {  	v3 =	vmax.f32 v3, v7  }
0x259: {  	v4 =	vmax.f32 v4, v8;
	v5 =	vmax.f32 v5, v9;
	v6 =	vmax.f32 v6, v10  }
0x25a: {  	v8 =	vmax.f32 v5, v3;
	v7 =	vmax.f32 v6, v4  }
0x25b: {  	v4 =	vmin.f32 v6, v4;
	v6 =	vmax.f32 v7, v8  }
0x25c: {  	v3 =	vmin.f32 v5, v3;
	v5 =	vmin.f32 v7, v8;
	(xrf1) =	vsort.dscd.msk.f32 $0xffff, v6, v6  }
0x25d: {  	(xrf1) =	vsort.dscd.msk.f32 $0xffff, v5, v5;
	v5 =	vmax.f32 v4, v3  }
0x25e: {  	v3 =	vmin.f32 v4, v3;
	(xrf1) =	vsort.dscd.msk.f32 $0xffff, v5, v5  }
0x25f: {  	(xrf1) =	vsort.dscd.msk.f32 $0xffff, v3, v3;
	_ =	sdelay $0xa  }
0x260: {  	v6, _, _ =	vpop (xrf1)  }
0x261: {  	v5, _, _ =	vpop (xrf1)  }
0x262: {  	v4, _, _ =	vpop (xrf1)  }
0x263: {  	v3, _, _ =	vpop (xrf1)  }
0x264: {  	(xrf0) =	vmin.scan.msk.f32 $0xffff, v3;
	_ =	sdelay $0x5  }
0x265: {  	v7, _, _ =	vpop (xrf0)  }
0x266: {  	(v2sf) =	vpush v7, $0xF;
	_ =	sdelay $0xa  }
.Ltmp17:
0x267: {  	_ = 	snop;
	(pc) =	sbr.rel .LBB2_16-.Ltmp17, $2  }
0x268: {  	_ =	sdelay $0x2  }
0x269: {  	s2 =	spop (v2sf)  }
.LBB2_17:
0x26a: {  	s6 =	sadd.s32 $0x2, s23  }
0x26b: {  	s1 =	sshll.u32 s6, $0x7  }
0x26c: {  	v2 =	vld [tilespmem:s1+$0x10800]  }
0x26d: {  	v7 =	vld [tilespmem:s1+$0x10810]  }
0x26e: {  	v8 =	vld [tilespmem:s1+$0x10820]  }
0x26f: {  	v9 =	vld [tilespmem:s1+$0x10830];
	_ =	sdelay $0x1  }
0x270: {  	(xrf1) =	vsort.dscd.msk.f32 $0xffff, v2, v2  }
0x271: {  	(xrf1) =	vsort.dscd.msk.f32 $0xffff, v7, v7  }
0x272: {  	(xrf1) =	vsort.dscd.msk.f32 $0xffff, v8, v8  }
0x273: {  	(xrf1) =	vsort.dscd.msk.f32 $0xffff, v9, v9;
	_ =	sdelay $0xa  }
0x274: {  	v2, _, _ =	vpop (xrf1)  }
0x275: {  	v7, _, _ =	vpop (xrf1)  }
0x276: {  	v8, _, _ =	vpop (xrf1);
	v7 =	vperm.xlane v7, v0  }
0x277: {  	v9, _, _ =	vpop (xrf1)  }
0x278: {  	v10 =	vmax.f32 v2, v7;
	v9 =	vperm.xlane v9, v0  }
0x279: {  	v2 =	vmin.f32 v2, v7;
	(xrf1) =	vsort.dscd.msk.f32 $0xffff, v10, v10  }
0x27a: {  	(xrf1) =	vsort.dscd.msk.f32 $0xffff, v2, v2;
	v2 =	vmax.f32 v8, v9  }
0x27b: {  	(xrf1) =	vsort.dscd.msk.f32 $0xffff, v2, v2;
	v2 =	vmin.f32 v8, v9  }
0x27c: {  	(xrf1) =	vsort.dscd.msk.f32 $0xffff, v2, v2;
	_ =	sdelay $0xa  }
0x27d: {  	v2, _, _ =	vpop (xrf1)  }
0x27e: {  	v7, _, _ =	vpop (xrf1)  }
0x27f: {  	v8, _, _ =	vpop (xrf1)  }
0x280: {  	v9, _, _ =	vpop (xrf1)  }
0x281: {  	v8 =	vperm.xlane v8, v0;
	v9 =	vperm.xlane v9, v0;
	_ =	sdelay $0x1  }
0x282: {  	v11 =	vmax.f32 v7, v8;
	v10 =	vmax.f32 v2, v9  }
0x283: {  	v12 =	vld [tilespmem:s1+$0x10840];
	v2 =	vmin.f32 v2, v9;
	v9 =	vmax.f32 v10, v11  }
0x284: {  	v7 =	vmin.f32 v7, v8;
	v8 =	vmin.f32 v10, v11;
	(xrf1) =	vsort.dscd.msk.f32 $0xffff, v9, v9;
	v9 =	vld [tilespmem:s1+$0x10850]  }
0x285: {  	v10 =	vld [tilespmem:s1+$0x10860];
	(xrf1) =	vsort.dscd.msk.f32 $0xffff, v8, v8;
	v8 =	vmax.f32 v2, v7  }
0x286: {  	v2 =	vmin.f32 v2, v7;
	v7 =	vld [tilespmem:s1+$0x10870];
	(xrf1) =	vsort.dscd.msk.f32 $0xffff, v8, v8  }
0x287: {  	(xrf1) =	vsort.dscd.msk.f32 $0xffff, v2, v2  }
0x288: {  	(xrf1) =	vsort.dscd.msk.f32 $0xffff, v12, v12  }
0x289: {  	(xrf1) =	vsort.dscd.msk.f32 $0xffff, v9, v9  }
0x28a: {  	(xrf1) =	vsort.dscd.msk.f32 $0xffff, v10, v10  }
0x28b: {  	(xrf1) =	vsort.dscd.msk.f32 $0xffff, v7, v7;
	_ =	sdelay $0x6  }
0x28c: {  	v2, _, _ =	vpop (xrf1)  }
0x28d: {  	v7, _, _ =	vpop (xrf1)  }
0x28e: {  	v8, _, _ =	vpop (xrf1)  }
0x28f: {  	v9, _, _ =	vpop (xrf1)  }
0x290: {  	v10, _, _ =	vpop (xrf1)  }
0x291: {  	v11, _, _ =	vpop (xrf1)  }
0x292: {  	v12, _, _ =	vpop (xrf1);
	v11 =	vperm.xlane v11, v0  }
0x293: {  	v13, _, _ =	vpop (xrf1)  }
0x294: {  	v14 =	vmax.f32 v10, v11;
	v13 =	vperm.xlane v13, v0  }
0x295: {  	v10 =	vmin.f32 v10, v11;
	(xrf1) =	vsort.dscd.msk.f32 $0xffff, v14, v14  }
0x296: {  	(xrf1) =	vsort.dscd.msk.f32 $0xffff, v10, v10;
	v10 =	vmax.f32 v12, v13  }
0x297: {  	(xrf1) =	vsort.dscd.msk.f32 $0xffff, v10, v10;
	v10 =	vmin.f32 v12, v13  }
0x298: {  	(xrf1) =	vsort.dscd.msk.f32 $0xffff, v10, v10;
	_ =	sdelay $0xa  }
0x299: {  	v10, _, _ =	vpop (xrf1)  }
0x29a: {  	v11, _, _ =	vpop (xrf1)  }
0x29b: {  	v12, _, _ =	vpop (xrf1)  }
0x29c: {  	v13, _, _ =	vpop (xrf1)  }
0x29d: {  	v12 =	vperm.xlane v12, v0;
	v13 =	vperm.xlane v13, v0;
	_ =	sdelay $0x1  }
0x29e: {  	v15 =	vmax.f32 v11, v12;
	v14 =	vmax.f32 v10, v13  }
0x29f: {  	v10 =	vmin.f32 v10, v13;
	v13 =	vmax.f32 v14, v15  }
0x2a0: {  	v11 =	vmin.f32 v11, v12;
	v12 =	vmin.f32 v14, v15;
	(xrf1) =	vsort.dscd.msk.f32 $0xffff, v13, v13  }
0x2a1: {  	(xrf1) =	vsort.dscd.msk.f32 $0xffff, v12, v12;
	v12 =	vmax.f32 v10, v11  }
0x2a2: {  	v10 =	vmin.f32 v10, v11;
	(xrf1) =	vsort.dscd.msk.f32 $0xffff, v12, v12  }
0x2a3: {  	(xrf1) =	vsort.dscd.msk.f32 $0xffff, v10, v10;
	_ =	sdelay $0xa  }
0x2a4: {  	v10, _, _ =	vpop (xrf1)  }
0x2a5: {  	v11, _, _ =	vpop (xrf1)  }
0x2a6: {  	v12, _, _ =	vpop (xrf1)  }
0x2a7: {  	v10 =	vperm.xlane v10, v0;
	v11 =	vperm.xlane v11, v0;
	v13, _, _ =	vpop (xrf1)  }
0x2a8: {  	v12 =	vperm.xlane v12, v0;
	v13 =	vperm.xlane v13, v0  }
0x2a9: {  	v9 =	vmax.f32 v9, v10  }
0x2aa: {  	v8 =	vmax.f32 v8, v11;
	v7 =	vmax.f32 v7, v12;
	v2 =	vmax.f32 v2, v13  }
0x2ab: {  	v7 =	vmin.f32 v7, v9;
	v2 =	vmin.f32 v2, v8  }
0x2ac: {  	v2 =	vmin.f32 v2, v7  }
0x2ad: {  	(xrf1) =	vsort.dscd.msk.f32 $0xffff, v2, v2;
	_ =	sdelay $0xd  }
0x2ae: {  	v7 =	vmov s24;
	v2, _, _ =	vpop (xrf1)  }
0x2af: {  	(xrf0) =	vmin.scan.msk.f32 $0xffff, v2;
	_ =	sdelay $0x2  }
0x2b0: {  	s2 =	simm.s32 $0x0  }
0x2b1: {  	v16 =	vld.idx.msk [tilespmem:v7+s2+$0xFFFFFFC0 ss:$0x1], $0xffff  }
0x2b2: {  	v14 =	vld.idx.msk [tilespmem:v7+s2+$0xFFFFFFD0 ss:$0x1], $0xffff  }
0x2b3: {  	v13 =	vld.idx.msk [tilespmem:v7+s2+$0xFFFFFFE0 ss:$0x1], $0xffff;
	v2, _, _ =	vpop (xrf0)  }
0x2b4: {  	v11 =	vld.idx.msk [tilespmem:v7+s2+$0xFFFFFFF0 ss:$0x1], $0xffff;
	v8 =	vbroadcast v2, $0xF;
	_ =	sdelay $0x1  }
0x2b5: {  	vm7 =	vge.f32 v16, v8  }
0x2b6: {  	v9 =	vld.idx.msk [tilespmem:v7+s2+$0x0 ss:$0x1], $0xffff;
	vm5 =	vge.f32 v14, v8;
	v2 =	vmpcnt.ones.xlane vm7  }
0x2b7: {  	vm3 =	vge.f32 v13, v8;
	v12 =	vmpcnt.ones.xlane vm5  }
0x2b8: {  	v10 =	vld.idx.msk [tilespmem:v7+s2+$0x10 ss:$0x1], $0xffff;
	vm0 =	vge.f32 v11, v8;
	v15 =	vmpcnt.ones.xlane vm3;
	(v2sf) =	vpush v2, $0x0  }
0x2b9: {  	v2 =	vmpcnt.ones.xlane vm0;
	(v2sf) =	vpush v12, $0x0;
	v12 =	vld.idx.msk [tilespmem:v7+s2+$0x20 ss:$0x1], $0xffff  }
0x2ba: {  	(v2sf) =	vpush v15, $0x0  }
0x2bb: {  	vm2 =	vge.f32 v9, v8;
	(v2sf) =	vpush v2, $0x0  }
0x2bc: {  	v2 =	vmpcnt.ones.xlane vm2  }
0x2bd: {  	vm1 =	vge.f32 v10, v8  }
0x2be: {  	(v2sf) =	vpush v2, $0x0;
	v2 =	vmpcnt.ones.xlane vm1;
	vm4 =	vge.f32 v12, v8  }
0x2bf: {  	v15 =	vmpcnt.ones.xlane vm4  }
0x2c0: {  	(v2sf) =	vpush v2, $0x0  }
0x2c1: {  	s3 =	sshrl.u32 s6, $0x3;
	(v2sf) =	vpush v15, $0x0;
	v15 =	vld.idx.msk [tilespmem:v7+s2+$0x30 ss:$0x1], $0xffff  }
0x2c2: {  	s3 =	smul.u32 $0x11000, s3  }
0x2c3: {  	s10 =	simm.s32 $0x0  }
0x2c4: {  	s4 =	simm.s32 $0x0;
	s12 =	simm.s32 $0x1000;
	s3 =	sshra.s32 s3, $0x2  }
0x2c5: {  	s4 =	sand.u32 $0x7F, s4;
	s6 =	sadd.s32 $0x11000, s3;
	s3 =	sand.u32 $0xFFFFFC00, s10  }
0x2c6: {  	[tilespmem:s26+$0x10000] =	vst v6;
	s30 =	sor.u32 $0x10, s1;
	s25 =	sor.u32 $0x20, s1;
	s3 =	sadd.s32 s3, s6;
	vm6 =	vge.f32 v15, v8  }
0x2c7: {  	[tilespmem:s0+$0x10000] =	vst v5;
	s8 =	sand.u32 $0x380, s1;
	s3 =	sadd.s32 s4, s3;
	s5 =	spop (v2sf);
	v5 =	vmpcnt.ones.xlane vm6  }
0x2c8: {  	s24 =	sor.u32 $0x30, s1;
	s4 =	sadd.s32 $0x0, s5;
	s11 =	spop (v2sf)  }
0x2c9: {  	s5 =	sadd.s32 s4, s11;
	s7 =	sshll.u32 s4, $0x3;
	s9 =	spop (v2sf);
	(v2sf) =	vpush v5, $0x0  }
0x2ca: {  	s2 =	sadd.s32 s5, s9;
	s13 =	spop (v2sf);
	s10 =	sshll.u32 s5, $0x3  }
0x2cb: {  	s7 =	sand.u32 $0xFFFFFC00, s7;
	s5 =	sand.u32 $0x7F, s5;
	s13 =	sadd.s32 s2, s13  }
0x2cc: {  	s15 =	sand.u32 $0xFFFFFC00, s10;
	s11 =	sand.u32 $0x7F, s2;
	s7 =	sadd.s32 s7, s6  }
0x2cd: {  	v2 =	vmov s8;
	s9 =	sadd.s32 s15, s6;
	s10 =	spop (v2sf);
	s31 =	sshll.u32 s13, $0x3  }
0x2ce: {  	s15 =	sshll.u32 s2, $0x3;
	s9 =	sadd.s32 s5, s9;
	s26 =	sand.u32 $0xFFFFFC00, s31  }
0x2cf: {  	s0 =	sadd.s32 s13, s10;
	s31 =	sand.u32 $0x7F, s13;
	s2 =	sadd.s32 s26, s6  }
0x2d0: {  	[tilespmem:s29+$0x10000] =	vst v4;
	s13 =	sand.u32 $0x7F, s4;
	s10 =	spop (v2sf);
	s26 =	sadd.s32 s31, s2  }
0x2d1: {  	[tilespmem:s28+$0x10000] =	vst v3;
	s2 =	sadd.s32 s0, s10;
	s31 =	sand.u32 $0xFFFFFC00, s15;
	s29 =	spop (v2sf)  }
0x2d2: {  	[tilespmem:v2+s3+$0x0 ss:$0x1] =	vst.idx.msk vm7, v16;
	s3 =	sadd.s32 s13, s7;
	s4 =	sadd.s32 s31, s6;
	s28 =	sadd.s32 s2, s29  }
.LBB2_18:
0x2d3: {  	[tilespmem:v2+s3+$0x0 ss:$0x1] =	vst.idx.msk vm5, v14;
	s3 =	sadd.s32 s11, s4;
	s4 =	sshll.u32 s0, $0x3;
	s5 =	sshll.u32 s2, $0x3  }
0x2d4: {  	s2 =	sand.u32 $0x7F, s2;
	[tilespmem:v2+s9+$0x0 ss:$0x1] =	vst.idx.msk vm3, v13;
	s4 =	sand.u32 $0xFFFFFC00, s4;
	s5 =	sand.u32 $0xFFFFFC00, s5  }
0x2d5: {  	s0 =	sand.u32 $0x7F, s0;
	[tilespmem:v2+s3+$0x0 ss:$0x1] =	vst.idx.msk vm0, v11;
	s3 =	sadd.s32 s4, s6;
	s4 =	sshll.u32 s28, $0x3  }
0x2d6: {  	[tilespmem:v2+s26+$0x0 ss:$0x1] =	vst.idx.msk vm2, v9;
	s0 =	sadd.s32 s0, s3;
	s3 =	sadd.s32 s5, s6;
	s4 =	sand.u32 $0xFFFFFC00, s4  }
0x2d7: {  	[tilespmem:v2+s0+$0x0 ss:$0x1] =	vst.idx.msk vm1, v10;
	s0 =	sadd.s32 s2, s3;
	s2 =	sand.u32 $0x7F, s28;
	s3 =	sadd.s32 s4, s6  }
0x2d8: {  	p1 =	sne.s32 s12, $0xF000;
	[tilespmem:v2+s0+$0x0 ss:$0x1] =	vst.idx.msk vm4, v12;
	s2 =	sadd.s32 s2, s3;
	s0 =	spop (v2sf)  }
0x2d9: {  	s0 =	sadd.s32 s28, s0;
	[tilespmem:v2+s2+$0x0 ss:$0x1] =	vst.idx.msk vm6, v15;
	s2 =	smov.u32 s12;
	s12 =	sadd.s32 $0x1000, s12  }
0x2da: {  	s2 =	sshra.s32 s2, $0x2;
	s3 =	sshll.u32 s0, $0x3  }
0x2db: {  	v3 =	vld.idx.msk [tilespmem:v7+s2+$0xFFFFFFC0 ss:$0x1], $0xffff;
	s3 =	sand.u32 $0xFFFFFC00, s3  }
0x2dc: {  	v14 =	vld.idx.msk [tilespmem:v7+s2+$0xFFFFFFD0 ss:$0x1], $0xffff;
	s3 =	sadd.s32 s3, s6  }
0x2dd: {  	v13 =	vld.idx.msk [tilespmem:v7+s2+$0xFFFFFFE0 ss:$0x1], $0xffff  }
0x2de: {  	v11 =	vld.idx.msk [tilespmem:v7+s2+$0xFFFFFFF0 ss:$0x1], $0xffff  }
0x2df: {  	v9 =	vld.idx.msk [tilespmem:v7+s2+$0x0 ss:$0x1], $0xffff  }
0x2e0: {  	v10 =	vld.idx.msk [tilespmem:v7+s2+$0x10 ss:$0x1], $0xffff  }
0x2e1: {  	vm6 =	vge.f32 v3, v8  }
0x2e2: {  	v4 =	vmpcnt.ones.xlane vm6;
	vm5 =	vge.f32 v14, v8  }
0x2e3: {  	v5 =	vmpcnt.ones.xlane vm5;
	vm3 =	vge.f32 v13, v8  }
0x2e4: {  	v6 =	vmpcnt.ones.xlane vm3;
	vm0 =	vge.f32 v11, v8;
	v12 =	vld.idx.msk [tilespmem:v7+s2+$0x20 ss:$0x1], $0xffff;
	(v2sf) =	vpush v4, $0x0  }
0x2e5: {  	v4 =	vmpcnt.ones.xlane vm0;
	vm2 =	vge.f32 v9, v8;
	(v2sf) =	vpush v5, $0x0  }
0x2e6: {  	v5 =	vmpcnt.ones.xlane vm2;
	vm1 =	vge.f32 v10, v8;
	(v2sf) =	vpush v6, $0x0  }
0x2e7: {  	v6 =	vmpcnt.ones.xlane vm1;
	(v2sf) =	vpush v4, $0x0  }
0x2e8: {  	(v2sf) =	vpush v5, $0x0  }
0x2e9: {  	(v2sf) =	vpush v6, $0x0  }
0x2ea: {  	vm4 =	vge.f32 v12, v8  }
0x2eb: {  	s4 =	sand.u32 $0x7F, s0;
	v4 =	vmpcnt.ones.xlane vm4  }
0x2ec: {  	v15 =	vld.idx.msk [tilespmem:v7+s2+$0x30 ss:$0x1], $0xffff;
	s2 =	sadd.s32 s4, s3  }
0x2ed: {  	[tilespmem:v2+s2+$0x0 ss:$0x1] =	vst.idx.msk vm6, v3;
	(v2sf) =	vpush v4, $0x0;
	_ =	sdelay $0x4  }
0x2ee: {  	vm6 =	vge.f32 v15, v8  }
0x2ef: {  	v3 =	vmpcnt.ones.xlane vm6;
	s2 =	spop (v2sf)  }
0x2f0: {  	s2 =	sadd.s32 s0, s2;
	s0 =	spop (v2sf)  }
0x2f1: {  	s3 =	sadd.s32 s2, s0;
	s0 =	sshll.u32 s2, $0x3;
	s4 =	spop (v2sf);
	(v2sf) =	vpush v3, $0x0  }
0x2f2: {  	s4 =	sadd.s32 s3, s4;
	s5 =	spop (v2sf)  }
0x2f3: {  	s0 =	sand.u32 $0xFFFFFC00, s0;
	s5 =	sadd.s32 s4, s5  }
0x2f4: {  	s11 =	sand.u32 $0x7F, s4;
	s7 =	spop (v2sf);
	s10 =	sadd.s32 s0, s6  }
0x2f5: {  	s4 =	sshll.u32 s4, $0x3;
	s13 =	spop (v2sf);
	s0 =	sadd.s32 s5, s7  }
0x2f6: {  	s7 =	sand.u32 $0x7F, s3;
	s3 =	sshll.u32 s3, $0x3;
	s15 =	sand.u32 $0x7F, s5  }
.Ltmp18:
0x2f7: {  	s5 =	sshll.u32 s5, $0x3;
	s3 =	sand.u32 $0xFFFFFC00, s3;
	(pc) =	sbr.rel @p1 .LBB2_18-.Ltmp18, $4  }
0x2f8: {  	s29 =	sand.u32 $0x7F, s2;
	s2 =	sadd.s32 s3, s6;
	s3 =	sand.u32 $0xFFFFFC00, s5  }
0x2f9: {  	s9 =	sadd.s32 s7, s2;
	s3 =	sadd.s32 s3, s6;
	s5 =	spop (v2sf)  }
0x2fa: {  	s4 =	sand.u32 $0xFFFFFC00, s4;
	s2 =	sadd.s32 s0, s13;
	s26 =	sadd.s32 s15, s3  }
0x2fb: {  	s4 =	sadd.s32 s4, s6;
	s3 =	sadd.s32 s29, s10;
	s28 =	sadd.s32 s2, s5  }
0x2fc: {  	_ = 	snop  }
0x2fd: {  	s4 =	sadd.s32 s11, s4;
	s5 =	sshll.u32 s0, $0x3;
	s7 =	sshll.u32 s2, $0x3  }
0x2fe: {  	s13 =	sand.u32 $0x7F, s2;
	s15 =	sand.u32 $0x7F, s0;
	s29 =	sshll.u32 s28, $0x3  }
0x2ff: {  	s5 =	sand.u32 $0xFFFFFC00, s5;
	s7 =	sand.u32 $0xFFFFFC00, s7;
	s31 =	sand.u32 $0xFFFFFC00, s29  }
0x300: {  	s5 =	sadd.s32 s5, s6;
	s7 =	sadd.s32 s7, s6;
	s10 =	spop (v2sf)  }
0x301: {  	s5 =	sadd.s32 s15, s5;
	s2 =	sadd.s32 s13, s7;
	s0 =	sadd.s32 s28, s10  }
0x302: {  	[tilespmem:v2+s3+$0x0 ss:$0x1] =	vst.idx.msk vm5, v14;
	s13 =	sand.u32 $0x7F, s28;
	s28 =	sadd.s32 s31, s6;
	s12 =	sshll.u32 s0, $0x3  }
0x303: {  	[tilespmem:v2+s9+$0x0 ss:$0x1] =	vst.idx.msk vm3, v13;
	s15 =	sand.u32 $0x7F, s0;
	s11 =	sand.u32 $0xFFFFFC00, s12;
	s12 =	sadd.s32 $0x10, s0  }
0x304: {  	[tilespmem:v2+s4+$0x0 ss:$0x1] =	vst.idx.msk vm0, v11;
	s31 =	sadd.s32 s13, s28;
	s11 =	sadd.s32 s11, s6;
	s29 =	sshll.u32 s12, $0x3  }
0x305: {  	[tilespmem:v2+s26+$0x0 ss:$0x1] =	vst.idx.msk vm2, v9;
	s10 =	sand.u32 $0x7F, s12;
	s3 =	sadd.s32 s15, s11;
	s9 =	sand.u32 $0xFFFFFC00, s29  }
0x306: {  	[tilespmem:v2+s5+$0x0 ss:$0x1] =	vst.idx.msk vm1, v10;
	s11 =	sadd.s32 $0x20, s0;
	s15 =	sadd.s32 $0x30, s0;
	s3 =	sadd.s32 s8, s3  }
0x307: {  	[tilespmem:v2+s2+$0x0 ss:$0x1] =	vst.idx.msk vm4, v12;
	s7 =	sadd.s32 s9, s6;
	s13 =	sshll.u32 s11, $0x3;
	s29 =	sshll.u32 s15, $0x3  }
0x308: {  	[tilespmem:v2+s31+$0x0 ss:$0x1] =	vst.idx.msk vm6, v15;
	s31 =	sand.u32 $0x7F, s11;
	s12 =	sadd.s32 s10, s7;
	s28 =	sand.u32 $0xFFFFFC00, s13  }
0x309: {  	s7 =	sand.u32 $0xFFFFFC00, s29;
	s10 =	sand.u32 $0x7F, s15;
	s5 =	sadd.s32 s28, s6  }
0x30a: {  	[tilespmem:s3+$0x0] =	vst v1;
	s26 =	sadd.s32 s8, s12;
	s11 =	sadd.s32 s7, s6;
	s5 =	sadd.s32 s31, s5  }
0x30b: {  	[tilespmem:s26+$0x0] =	vst v1;
	s13 =	sadd.s32 s10, s11;
	s12 =	sadd.s32 s8, s5  }
0x30c: {  	s15 =	sadd.s32 s8, s13;
	[tilespmem:s12+$0x0] =	vst v1  }
0x30d: {  	s26 =	sadd.s32 s8, s6;
	[tilespmem:s15+$0x0] =	vst v1  }
0x30e: {  	v3 =	vld [tilespmem:s26+$0x0]  }
0x30f: {  	v4 =	vld [tilespmem:s26+$0x10]  }
0x310: {  	v5 =	vld [tilespmem:s26+$0x20]  }
0x311: {  	v6 =	vld [tilespmem:s26+$0x30];
	_ =	sdelay $0x1  }
0x312: {  	(xrf1) =	vsort.dscd.msk.f32 $0xffff, v3, v3  }
0x313: {  	(xrf1) =	vsort.dscd.msk.f32 $0xffff, v4, v4  }
0x314: {  	(xrf1) =	vsort.dscd.msk.f32 $0xffff, v5, v5  }
0x315: {  	(xrf1) =	vsort.dscd.msk.f32 $0xffff, v6, v6;
	_ =	sdelay $0xa  }
0x316: {  	v3, _, _ =	vpop (xrf1)  }
0x317: {  	v4, _, _ =	vpop (xrf1)  }
0x318: {  	v5, _, _ =	vpop (xrf1);
	v4 =	vperm.xlane v4, v0  }
0x319: {  	v6, _, _ =	vpop (xrf1)  }
0x31a: {  	v7 =	vmax.f32 v3, v4;
	v6 =	vperm.xlane v6, v0  }
0x31b: {  	v3 =	vmin.f32 v3, v4;
	(xrf1) =	vsort.dscd.msk.f32 $0xffff, v7, v7  }
0x31c: {  	(xrf1) =	vsort.dscd.msk.f32 $0xffff, v3, v3;
	v3 =	vmax.f32 v5, v6  }
0x31d: {  	(xrf1) =	vsort.dscd.msk.f32 $0xffff, v3, v3;
	v3 =	vmin.f32 v5, v6  }
0x31e: {  	(xrf1) =	vsort.dscd.msk.f32 $0xffff, v3, v3;
	_ =	sdelay $0xa  }
0x31f: {  	v3, _, _ =	vpop (xrf1)  }
0x320: {  	v4, _, _ =	vpop (xrf1)  }
0x321: {  	v5, _, _ =	vpop (xrf1)  }
0x322: {  	v6, _, _ =	vpop (xrf1)  }
0x323: {  	v5 =	vperm.xlane v5, v0;
	v6 =	vperm.xlane v6, v0;
	_ =	sdelay $0x1  }
0x324: {  	v8 =	vmax.f32 v4, v5;
	v7 =	vmax.f32 v3, v6  }
0x325: {  	v3 =	vmin.f32 v3, v6;
	v6 =	vmax.f32 v7, v8  }
0x326: {  	v4 =	vmin.f32 v4, v5;
	v5 =	vmin.f32 v7, v8;
	(xrf1) =	vsort.dscd.msk.f32 $0xffff, v6, v6  }
0x327: {  	(xrf1) =	vsort.dscd.msk.f32 $0xffff, v5, v5;
	v5 =	vmax.f32 v3, v4  }
0x328: {  	v3 =	vmin.f32 v3, v4;
	(xrf1) =	vsort.dscd.msk.f32 $0xffff, v5, v5  }
0x329: {  	(xrf1) =	vsort.dscd.msk.f32 $0xffff, v3, v3;
	_ =	sdelay $0x1  }
0x32a: {  	s0 =	sadd.s32 $0x3F, s0  }
0x32b: {  	s28 =	sand.u32 $0x3F, s0  }
0x32c: {  	p1 =	slt.s32 s0, $0x1;
	s29 =	sshra.s32 s0, $0x1F;
	p2 =	sne.s32 s28, $0x0  }
0x32d: {  	s31 =	sshrl.u32 s29, $0x1A;
	p1 =	por !p1, !p2  }
0x32e: {  	s2 =	simm.s32 $0x1;
	s0 =	sadd.s32 s31, s0;
	p1 =	por !p1, !p1  }
0x32f: {  	s0 =	sshra.s32 s0, $0x6;
	s2 =	simm.s32 @!p1 $0x0  }
0x330: {  	s2 =	ssub.s32 s0, s2  }
0x331: {  	p2 =	slt.s32 s2, $0x2  }
.Ltmp19:
0x332: {  	_ = 	snop;
	(pc) =	sbr.rel @p2 .LBB2_24-.Ltmp19, $4  }
0x333: {  	v4, _, _ =	vpop (xrf1)  }
0x334: {  	v6, _, _ =	vpop (xrf1)  }
0x335: {  	v5, _, _ =	vpop (xrf1)  }
0x336: {  	v3, _, _ =	vpop (xrf1)  }
0x337: {  	(xrf0) =	vmin.scan.msk.f32 $0xffff, v3;
	_ =	sdelay $0x5  }
0x338: {  	v7, _, _ =	vpop (xrf0)  }
0x339: {  	(v2sf) =	vpush v7, $0xF;
	_ =	sdelay $0xa  }
.Ltmp20:
0x33a: {  	_ = 	snop;
	(pc) =	sbr.rel .LBB2_21-.Ltmp20, $4  }
0x33b: {  	s3 =	simm.s32 $0xFFFFFFFF  }
0x33c: {  	s3 =	simm.s32 @!p1 $0x0  }
0x33d: {  	s8 =	simm.s32 $0x200;
	s0 =	sadd.s32 s3, s0  }
0x33e: {  	s12 =	simm.s32 $0x40;
	s0 =	sadd.s32 $0xFFFFFFFF, s0;
	s2 =	spop (v2sf)  }
.LBB2_23:
0x33f: {  	s0 =	sadd.s32 $0xFFFFFFFF, s0  }
0x340: {  	p1 =	sne.s32 s0, $0x0  }
.Ltmp21:
0x341: {  	_ = 	snop;
	(pc) =	sbr.rel @!p1 .LBB2_24-.Ltmp21, $2  }
0x342: {  	_ =	sdelay $0x2  }
0x343: {  	s8 =	sadd.s32 $0x200, s8;
	s12 =	sadd.s32 $0x40, s12  }
.LBB2_21:
0x344: {  	_ = 	snop  }
0x345: {  	s3 =	sand.u32 $0xFFFFFC00, s8  }
0x346: {  	s4 =	sand.u32 $0x40, s12;
	s3 =	sadd.s32 s3, s6  }
0x347: {  	s3 =	sadd.s32 s4, s3  }
0x348: {  	v7 =	vld.idx.msk [tilespmem:v2+s3+$0x0 ss:$0x1], $0xffff  }
0x349: {  	v8 =	vld.idx.msk [tilespmem:v2+s3+$0x10 ss:$0x1], $0xffff  }
0x34a: {  	v9 =	vld.idx.msk [tilespmem:v2+s3+$0x20 ss:$0x1], $0xffff  }
0x34b: {  	v10 =	vld.idx.msk [tilespmem:v2+s3+$0x30 ss:$0x1], $0xffff;
	_ =	sdelay $0x4  }
0x34c: {  	v11 =	vmax.f32 v7, v8;
	v12 =	vmax.f32 v9, v10  }
0x34d: {  	v11 =	vmax.f32 v11, v12  }
0x34e: {  	(xrf0) =	vmax.scan.msk.f32 $0xffff, v11;
	_ =	sdelay $0x5  }
0x34f: {  	v11, _, _ =	vpop (xrf0)  }
0x350: {  	(v2sf) =	vpush v11, $0xF;
	_ =	sdelay $0xe  }
0x351: {  	s31 =	spop (v2sf)  }
0x352: {  	p1 =	sgt.f32 s31, s2  }
.Ltmp22:
0x353: {  	_ = 	snop;
	(pc) =	sbr.rel @!p1 .LBB2_23-.Ltmp22, $1  }
0x354: {  	_ =	sdelay $0x3  }
0x355: {  	(xrf1) =	vsort.dscd.msk.f32 $0xffff, v7, v7  }
0x356: {  	(xrf1) =	vsort.dscd.msk.f32 $0xffff, v8, v8  }
0x357: {  	(xrf1) =	vsort.dscd.msk.f32 $0xffff, v9, v9  }
0x358: {  	(xrf1) =	vsort.dscd.msk.f32 $0xffff, v10, v10;
	_ =	sdelay $0xa  }
0x359: {  	v7, _, _ =	vpop (xrf1)  }
0x35a: {  	v8, _, _ =	vpop (xrf1)  }
0x35b: {  	v9, _, _ =	vpop (xrf1);
	v8 =	vperm.xlane v8, v0  }
0x35c: {  	v10, _, _ =	vpop (xrf1)  }
0x35d: {  	v11 =	vmax.f32 v7, v8;
	v10 =	vperm.xlane v10, v0  }
0x35e: {  	v7 =	vmin.f32 v7, v8;
	(xrf1) =	vsort.dscd.msk.f32 $0xffff, v11, v11  }
0x35f: {  	(xrf1) =	vsort.dscd.msk.f32 $0xffff, v7, v7;
	v7 =	vmax.f32 v9, v10  }
0x360: {  	(xrf1) =	vsort.dscd.msk.f32 $0xffff, v7, v7;
	v7 =	vmin.f32 v9, v10  }
0x361: {  	(xrf1) =	vsort.dscd.msk.f32 $0xffff, v7, v7;
	_ =	sdelay $0xa  }
0x362: {  	v7, _, _ =	vpop (xrf1)  }
0x363: {  	v8, _, _ =	vpop (xrf1)  }
0x364: {  	v57, _, _ =	vpop (xrf1)  }
0x365: {  	v58, _, _ =	vpop (xrf1)  }
0x366: {  	v9 =	vperm.xlane v57, v0;
	v10 =	vperm.xlane v58, v0;
	_ =	sdelay $0x1  }
0x367: {  	v12 =	vmax.f32 v8, v9;
	v59 =	vmax.f32 v7, v10  }
0x368: {  	v8 =	vmin.f32 v8, v9;
	v60 =	vmax.f32 v59, v12  }
0x369: {  	v7 =	vmin.f32 v7, v10;
	v61 =	vmin.f32 v59, v12;
	(xrf1) =	vsort.dscd.msk.f32 $0xffff, v60, v60  }
0x36a: {  	v62 =	vmax.f32 v7, v8;
	(xrf1) =	vsort.dscd.msk.f32 $0xffff, v61, v61  }
0x36b: {  	v7 =	vmin.f32 v7, v8;
	(xrf1) =	vsort.dscd.msk.f32 $0xffff, v62, v62  }
0x36c: {  	(xrf1) =	vsort.dscd.msk.f32 $0xffff, v7, v7;
	_ =	sdelay $0xa  }
0x36d: {  	v7, _, _ =	vpop (xrf1)  }
0x36e: {  	v8, _, _ =	vpop (xrf1)  }
0x36f: {  	v9, _, _ =	vpop (xrf1)  }
0x370: {  	v7 =	vperm.xlane v7, v0;
	v8 =	vperm.xlane v8, v0;
	v63, _, _ =	vpop (xrf1)  }
0x371: {  	v9 =	vperm.xlane v9, v0;
	v10 =	vperm.xlane v63, v0  }
0x372: {  	v3 =	vmax.f32 v3, v7  }
0x373: {  	v5 =	vmax.f32 v5, v8;
	v6 =	vmax.f32 v6, v9;
	v4 =	vmax.f32 v4, v10  }
0x374: {  	v8 =	vmax.f32 v6, v3;
	v7 =	vmax.f32 v4, v5  }
0x375: {  	v4 =	vmin.f32 v4, v5;
	v5 =	vmax.f32 v7, v8  }
0x376: {  	v3 =	vmin.f32 v6, v3;
	(xrf1) =	vsort.dscd.msk.f32 $0xffff, v5, v5;
	v5 =	vmin.f32 v7, v8  }
0x377: {  	(xrf1) =	vsort.dscd.msk.f32 $0xffff, v5, v5;
	v5 =	vmax.f32 v4, v3  }
0x378: {  	v3 =	vmin.f32 v4, v3;
	(xrf1) =	vsort.dscd.msk.f32 $0xffff, v5, v5  }
0x379: {  	(xrf1) =	vsort.dscd.msk.f32 $0xffff, v3, v3;
	_ =	sdelay $0xa  }
0x37a: {  	v4, _, _ =	vpop (xrf1)  }
0x37b: {  	v6, _, _ =	vpop (xrf1)  }
0x37c: {  	v5, _, _ =	vpop (xrf1)  }
0x37d: {  	v3, _, _ =	vpop (xrf1)  }
0x37e: {  	(xrf0) =	vmin.scan.msk.f32 $0xffff, v3;
	_ =	sdelay $0x5  }
0x37f: {  	v7, _, _ =	vpop (xrf0)  }
0x380: {  	(v2sf) =	vpush v7, $0xF;
	_ =	sdelay $0xa  }
.Ltmp23:
0x381: {  	_ = 	snop;
	(pc) =	sbr.rel .LBB2_23-.Ltmp23, $2  }
0x382: {  	_ =	sdelay $0x2  }
0x383: {  	s2 =	spop (v2sf)  }
.LBB2_25:
0x384: {  	v2 =	vld [tilespmem:$0x10F80]  }
0x385: {  	v3 =	vld [tilespmem:$0x10F90]  }
0x386: {  	v4 =	vld [tilespmem:$0x10FA0]  }
0x387: {  	v5 =	vld [tilespmem:$0x10FB0];
	_ =	sdelay $0x1  }
0x388: {  	(xrf1) =	vsort.dscd.msk.f32 $0xffff, v2, v2  }
0x389: {  	(xrf1) =	vsort.dscd.msk.f32 $0xffff, v3, v3  }
0x38a: {  	(xrf1) =	vsort.dscd.msk.f32 $0xffff, v4, v4  }
0x38b: {  	(xrf1) =	vsort.dscd.msk.f32 $0xffff, v5, v5;
	_ =	sdelay $0xa  }
0x38c: {  	v2, _, _ =	vpop (xrf1)  }
0x38d: {  	v3, _, _ =	vpop (xrf1)  }
0x38e: {  	v4, _, _ =	vpop (xrf1);
	v3 =	vperm.xlane v3, v0  }
0x38f: {  	v5, _, _ =	vpop (xrf1)  }
0x390: {  	v6 =	vmax.f32 v2, v3;
	v5 =	vperm.xlane v5, v0  }
0x391: {  	v2 =	vmin.f32 v2, v3;
	(xrf1) =	vsort.dscd.msk.f32 $0xffff, v6, v6  }
0x392: {  	(xrf1) =	vsort.dscd.msk.f32 $0xffff, v2, v2;
	v2 =	vmax.f32 v4, v5  }
0x393: {  	(xrf1) =	vsort.dscd.msk.f32 $0xffff, v2, v2;
	v2 =	vmin.f32 v4, v5  }
0x394: {  	(xrf1) =	vsort.dscd.msk.f32 $0xffff, v2, v2;
	_ =	sdelay $0xa  }
0x395: {  	v2, _, _ =	vpop (xrf1)  }
0x396: {  	v3, _, _ =	vpop (xrf1)  }
0x397: {  	v4, _, _ =	vpop (xrf1)  }
0x398: {  	v5, _, _ =	vpop (xrf1)  }
0x399: {  	v4 =	vperm.xlane v4, v0;
	v5 =	vperm.xlane v5, v0;
	_ =	sdelay $0x1  }
0x39a: {  	v7 =	vmax.f32 v3, v4;
	v6 =	vmax.f32 v2, v5  }
0x39b: {  	v8 =	vld [tilespmem:$0x10FC0];
	v2 =	vmin.f32 v2, v5;
	v5 =	vmax.f32 v6, v7  }
0x39c: {  	v3 =	vmin.f32 v3, v4;
	v4 =	vmin.f32 v6, v7;
	(xrf1) =	vsort.dscd.msk.f32 $0xffff, v5, v5;
	v5 =	vld [tilespmem:$0x10FD0]  }
0x39d: {  	v6 =	vld [tilespmem:$0x10FE0];
	(xrf1) =	vsort.dscd.msk.f32 $0xffff, v4, v4;
	v4 =	vmax.f32 v2, v3  }
0x39e: {  	v2 =	vmin.f32 v2, v3;
	v3 =	vld [tilespmem:$0x10FF0];
	(xrf1) =	vsort.dscd.msk.f32 $0xffff, v4, v4  }
0x39f: {  	(xrf1) =	vsort.dscd.msk.f32 $0xffff, v2, v2  }
0x3a0: {  	(xrf1) =	vsort.dscd.msk.f32 $0xffff, v8, v8  }
0x3a1: {  	(xrf1) =	vsort.dscd.msk.f32 $0xffff, v5, v5  }
0x3a2: {  	(xrf1) =	vsort.dscd.msk.f32 $0xffff, v6, v6  }
0x3a3: {  	(xrf1) =	vsort.dscd.msk.f32 $0xffff, v3, v3;
	_ =	sdelay $0x6  }
0x3a4: {  	v2, _, _ =	vpop (xrf1)  }
0x3a5: {  	v3, _, _ =	vpop (xrf1)  }
0x3a6: {  	v4, _, _ =	vpop (xrf1)  }
0x3a7: {  	v5, _, _ =	vpop (xrf1)  }
0x3a8: {  	v6, _, _ =	vpop (xrf1)  }
0x3a9: {  	v7, _, _ =	vpop (xrf1)  }
0x3aa: {  	v8, _, _ =	vpop (xrf1);
	v7 =	vperm.xlane v7, v0  }
0x3ab: {  	v9, _, _ =	vpop (xrf1)  }
0x3ac: {  	v10 =	vmax.f32 v6, v7;
	v9 =	vperm.xlane v9, v0  }
0x3ad: {  	v6 =	vmin.f32 v6, v7;
	(xrf1) =	vsort.dscd.msk.f32 $0xffff, v10, v10  }
0x3ae: {  	(xrf1) =	vsort.dscd.msk.f32 $0xffff, v6, v6;
	v6 =	vmax.f32 v8, v9  }
0x3af: {  	(xrf1) =	vsort.dscd.msk.f32 $0xffff, v6, v6;
	v6 =	vmin.f32 v8, v9  }
0x3b0: {  	(xrf1) =	vsort.dscd.msk.f32 $0xffff, v6, v6;
	_ =	sdelay $0xa  }
0x3b1: {  	v6, _, _ =	vpop (xrf1)  }
0x3b2: {  	v7, _, _ =	vpop (xrf1)  }
0x3b3: {  	v8, _, _ =	vpop (xrf1)  }
0x3b4: {  	v9, _, _ =	vpop (xrf1)  }
0x3b5: {  	v8 =	vperm.xlane v8, v0;
	v9 =	vperm.xlane v9, v0;
	_ =	sdelay $0x1  }
0x3b6: {  	v11 =	vmax.f32 v7, v8;
	v10 =	vmax.f32 v6, v9  }
0x3b7: {  	v6 =	vmin.f32 v6, v9;
	v9 =	vmax.f32 v10, v11  }
0x3b8: {  	v7 =	vmin.f32 v7, v8;
	v8 =	vmin.f32 v10, v11;
	(xrf1) =	vsort.dscd.msk.f32 $0xffff, v9, v9  }
0x3b9: {  	(xrf1) =	vsort.dscd.msk.f32 $0xffff, v8, v8;
	v8 =	vmax.f32 v6, v7  }
0x3ba: {  	v6 =	vmin.f32 v6, v7;
	(xrf1) =	vsort.dscd.msk.f32 $0xffff, v8, v8  }
0x3bb: {  	(xrf1) =	vsort.dscd.msk.f32 $0xffff, v6, v6;
	_ =	sdelay $0xa  }
0x3bc: {  	v6, _, _ =	vpop (xrf1)  }
0x3bd: {  	v7, _, _ =	vpop (xrf1)  }
0x3be: {  	v8, _, _ =	vpop (xrf1)  }
0x3bf: {  	v6 =	vperm.xlane v6, v0;
	v7 =	vperm.xlane v7, v0;
	v9, _, _ =	vpop (xrf1)  }
0x3c0: {  	v8 =	vperm.xlane v8, v0;
	v9 =	vperm.xlane v9, v0  }
0x3c1: {  	v5 =	vmax.f32 v5, v6  }
0x3c2: {  	v4 =	vmax.f32 v4, v7;
	v3 =	vmax.f32 v3, v8;
	v2 =	vmax.f32 v2, v9  }
0x3c3: {  	v3 =	vmin.f32 v3, v5;
	v2 =	vmin.f32 v2, v4  }
0x3c4: {  	v2 =	vmin.f32 v2, v3  }
0x3c5: {  	(xrf1) =	vsort.dscd.msk.f32 $0xffff, v2, v2;
	_ =	sdelay $0xc  }
0x3c6: {  	s0 =	rddreg [dreg:$0xa]  }
0x3c7: {  	v8 =	vmov s0;
	v2, _, _ =	vpop (xrf1)  }
0x3c8: {  	(xrf0) =	vmin.scan.msk.f32 $0xffff, v2;
	_ =	sdelay $0x2  }
0x3c9: {  	s31 =	simm.s32 $0x0  }
0x3ca: {  	v11 =	vld.idx.msk [tilespmem:v8+s31+$0x4380 ss:$0x1], $0xffff  }
0x3cb: {  	v5 =	vld.idx.msk [tilespmem:v8+s31+$0x4390 ss:$0x1], $0xffff  }
0x3cc: {  	v6 =	vld.idx.msk [tilespmem:v8+s31+$0x43A0 ss:$0x1], $0xffff;
	v2, _, _ =	vpop (xrf0)  }
0x3cd: {  	v4 =	vld.idx.msk [tilespmem:v8+s31+$0x43B0 ss:$0x1], $0xffff;
	v9 =	vbroadcast v2, $0xF  }
0x3ce: {  	v3 =	vld.idx.msk [tilespmem:v8+s31+$0x43C0 ss:$0x1], $0xffff  }
0x3cf: {  	v2 =	vld.idx.msk [tilespmem:v8+s31+$0x43D0 ss:$0x1], $0xffff;
	vm5 =	vge.f32 v11, v9  }
0x3d0: {  	vm3 =	vge.f32 v5, v9;
	v7 =	vmpcnt.ones.xlane vm5  }
0x3d1: {  	vm4 =	vge.f32 v6, v9;
	v10 =	vmpcnt.ones.xlane vm3  }
0x3d2: {  	vm2 =	vge.f32 v4, v9;
	v12 =	vmpcnt.ones.xlane vm4;
	(v2sf) =	vpush v7, $0x0  }
0x3d3: {  	vm0 =	vge.f32 v3, v9;
	v13 =	vmpcnt.ones.xlane vm2;
	(v2sf) =	vpush v10, $0x0  }
0x3d4: {  	v14 =	vmpcnt.ones.xlane vm0;
	v7 =	vld.idx.msk [tilespmem:v8+s31+$0x43E0 ss:$0x1], $0xffff;
	vm1 =	vge.f32 v2, v9;
	(v2sf) =	vpush v12, $0x0  }
0x3d5: {  	v63 =	vmpcnt.ones.xlane vm1;
	(v2sf) =	vpush v13, $0x0  }
0x3d6: {  	s6 =	simm.s32 $0x0;
	s1 =	simm.s32 $0x0;
	(v2sf) =	vpush v14, $0x0  }
0x3d7: {  	s1 =	sand.u32 $0xFFFFFC00, s1;
	s2 =	sand.u32 $0x7F, s6;
	(v2sf) =	vpush v63, $0x0  }
0x3d8: {  	s1 =	sor.u32 s2, s1  }
0x3d9: {  	s0 =	simm.s32 $0x1000;
	v10 =	vld.idx.msk [tilespmem:v8+s31+$0x43F0 ss:$0x1], $0xffff;
	[tilespmem:s1+$0x15780] =	vst.msk vm5, v11;
	vm5 =	vge.f32 v7, v9  }
.LBB2_26:
0x3da: {  	p1 =	sne.s32 s0, $0xF000;
	s1 =	smov.u32 s0;
	s0 =	sadd.s32 $0x1000, s0  }
0x3db: {  	v11 =	vmpcnt.ones.xlane vm5;
	_ =	sdelay $0x1  }
0x3dc: {  	(v2sf) =	vpush v11, $0x0  }
0x3dd: {  	vm6 =	vge.f32 v10, v9  }
0x3de: {  	v11 =	vmpcnt.ones.xlane vm6  }
0x3df: {  	s1 =	sshra.s32 s1, $0x2  }
0x3e0: {  	s2 =	spop (v2sf);
	(v2sf) =	vpush v11, $0x0  }
0x3e1: {  	s2 =	sadd.s32 s6, s2;
	s3 =	spop (v2sf)  }
0x3e2: {  	s3 =	sadd.s32 s2, s3;
	s4 =	sshll.u32 s2, $0x3;
	s5 =	spop (v2sf)  }
0x3e3: {  	s5 =	sadd.s32 s3, s5;
	s4 =	sand.u32 $0xFFFFFC00, s4;
	s6 =	spop (v2sf)  }
0x3e4: {  	s7 =	sand.u32 $0x7F, s3;
	s6 =	sadd.s32 s5, s6;
	s8 =	spop (v2sf)  }
0x3e5: {  	s9 =	sshll.u32 s5, $0x3;
	s8 =	sadd.s32 s6, s8;
	s10 =	spop (v2sf)  }
0x3e6: {  	s9 =	sand.u32 $0xFFFFFC00, s9;
	s11 =	sshll.u32 s6, $0x3;
	s10 =	sadd.s32 s8, s10  }
0x3e7: {  	s11 =	sand.u32 $0xFFFFFC00, s11;
	s12 =	sshll.u32 s8, $0x3;
	s13 =	sshll.u32 s10, $0x3  }
0x3e8: {  	s2 =	sand.u32 $0x7F, s2;
	s3 =	sshll.u32 s3, $0x3;
	s12 =	sand.u32 $0xFFFFFC00, s12  }
0x3e9: {  	s2 =	sor.u32 s2, s4;
	s3 =	sand.u32 $0xFFFFFC00, s3;
	s4 =	sand.u32 $0xFFFFFC00, s13  }
0x3ea: {  	[tilespmem:s2+$0x15780] =	vst.msk vm3, v5;
	s2 =	sor.u32 s7, s3;
	s3 =	sand.u32 $0x7F, s5  }
0x3eb: {  	[tilespmem:s2+$0x15780] =	vst.msk vm4, v6;
	s2 =	sor.u32 s3, s9;
	s3 =	sand.u32 $0x7F, s6;
	s5 =	spop (v2sf)  }
0x3ec: {  	s5 =	sadd.s32 s10, s5;
	[tilespmem:s2+$0x15780] =	vst.msk vm2, v4;
	s2 =	sor.u32 s3, s11;
	s3 =	sand.u32 $0x7F, s8  }
0x3ed: {  	[tilespmem:s2+$0x15780] =	vst.msk vm0, v3;
	s2 =	sor.u32 s3, s12;
	s3 =	sand.u32 $0x7F, s10;
	s6 =	sshll.u32 s5, $0x3  }
0x3ee: {  	[tilespmem:s2+$0x15780] =	vst.msk vm1, v2;
	s2 =	sor.u32 s3, s4;
	s3 =	sand.u32 $0x7F, s5;
	s4 =	sand.u32 $0xFFFFFC00, s6  }
0x3ef: {  	[tilespmem:s2+$0x15780] =	vst.msk vm5, v7;
	s2 =	sor.u32 s3, s4;
	s3 =	spop (v2sf)  }
0x3f0: {  	s6 =	sadd.s32 s5, s3;
	[tilespmem:s2+$0x15780] =	vst.msk vm6, v10  }
0x3f1: {  	v5 =	vld.idx.msk [tilespmem:v8+s1+$0x4390 ss:$0x1], $0xffff;
	s2 =	sshll.u32 s6, $0x3  }
0x3f2: {  	v11 =	vld.idx.msk [tilespmem:v8+s1+$0x4380 ss:$0x1], $0xffff;
	s2 =	sand.u32 $0xFFFFFC00, s2  }
0x3f3: {  	v6 =	vld.idx.msk [tilespmem:v8+s1+$0x43A0 ss:$0x1], $0xffff  }
0x3f4: {  	v4 =	vld.idx.msk [tilespmem:v8+s1+$0x43B0 ss:$0x1], $0xffff  }
0x3f5: {  	v3 =	vld.idx.msk [tilespmem:v8+s1+$0x43C0 ss:$0x1], $0xffff  }
0x3f6: {  	v2 =	vld.idx.msk [tilespmem:v8+s1+$0x43D0 ss:$0x1], $0xffff  }
0x3f7: {  	vm3 =	vge.f32 v5, v9  }
0x3f8: {  	vm5 =	vge.f32 v11, v9;
	v10 =	vmpcnt.ones.xlane vm3  }
0x3f9: {  	v7 =	vmpcnt.ones.xlane vm5;
	vm4 =	vge.f32 v6, v9  }
0x3fa: {  	v12 =	vmpcnt.ones.xlane vm4;
	vm2 =	vge.f32 v4, v9  }
0x3fb: {  	v13 =	vmpcnt.ones.xlane vm2;
	vm0 =	vge.f32 v3, v9;
	(v2sf) =	vpush v7, $0x0  }
0x3fc: {  	s3 =	sand.u32 $0x7F, s6;
	v14 =	vmpcnt.ones.xlane vm0;
	vm1 =	vge.f32 v2, v9;
	v7 =	vld.idx.msk [tilespmem:v8+s1+$0x43E0 ss:$0x1], $0xffff;
	(v2sf) =	vpush v10, $0x0  }
0x3fd: {  	v15 =	vmpcnt.ones.xlane vm1;
	v10 =	vld.idx.msk [tilespmem:v8+s1+$0x43F0 ss:$0x1], $0xffff;
	s1 =	sor.u32 s3, s2;
	(v2sf) =	vpush v12, $0x0  }
.Ltmp24:
0x3fe: {  	[tilespmem:s1+$0x15780] =	vst.msk vm5, v11;
	(v2sf) =	vpush v13, $0x0;
	(pc) =	sbr.rel @p1 .LBB2_26-.Ltmp24, $3  }
0x3ff: {  	(v2sf) =	vpush v14, $0x0  }
0x400: {  	(v2sf) =	vpush v15, $0x0;
	_ =	sdelay $0x1  }
0x401: {  	vm5 =	vge.f32 v7, v9  }
0x402: {  	_ =	sdelay $0x1  }
0x403: {  	v8 =	vmpcnt.ones.xlane vm5;
	vm6 =	vge.f32 v10, v9  }
0x404: {  	v63 =	vmpcnt.ones.xlane vm6  }
0x405: {  	(v2sf) =	vpush v8, $0x0  }
0x406: {  	(v2sf) =	vpush v63, $0x0;
	_ =	sdelay $0x1  }
0x407: {  	s0 =	spop (v2sf)  }
0x408: {  	s0 =	sadd.s32 s6, s0;
	s1 =	spop (v2sf)  }
0x409: {  	s1 =	sadd.s32 s0, s1;
	s2 =	spop (v2sf)  }
0x40a: {  	s3 =	sshll.u32 s0, $0x3;
	s0 =	sand.u32 $0x7F, s0;
	s2 =	sadd.s32 s1, s2  }
0x40b: {  	s4 =	spop (v2sf);
	s3 =	sand.u32 $0xFFFFFC00, s3;
	s26 =	sand.u32 $0x7F, s1  }
0x40c: {  	s1 =	sshll.u32 s1, $0x3;
	s4 =	sadd.s32 s2, s4;
	s5 =	spop (v2sf)  }
0x40d: {  	s8 =	sshll.u32 s2, $0x3;
	s0 =	sor.u32 s0, s3;
	s1 =	sand.u32 $0xFFFFFC00, s1  }
0x40e: {  	s2 =	sand.u32 $0x7F, s2;
	s5 =	sadd.s32 s4, s5;
	s7 =	spop (v2sf)  }
0x40f: {  	s9 =	sshll.u32 s4, $0x3;
	s8 =	sand.u32 $0xFFFFFC00, s8;
	s1 =	sor.u32 s26, s1  }
0x410: {  	s4 =	sand.u32 $0x7F, s4;
	s7 =	sadd.s32 s5, s7;
	s9 =	sand.u32 $0xFFFFFC00, s9  }
0x411: {  	s10 =	sshll.u32 s5, $0x3;
	s2 =	sor.u32 s2, s8;
	s5 =	sand.u32 $0x7F, s5  }
0x412: {  	s11 =	sshll.u32 s7, $0x3;
	s10 =	sand.u32 $0xFFFFFC00, s10;
	s4 =	sor.u32 s4, s9  }
0x413: {  	s30 =	sand.u32 $0x7F, s7;
	s28 =	sand.u32 $0xFFFFFC00, s11;
	s29 =	spop (v2sf)  }
0x414: {  	[tilespmem:s0+$0x15780] =	vst.msk vm3, v5;
	s5 =	sor.u32 s5, s10;
	s6 =	sadd.s32 s7, s29;
	s31 =	spop (v2sf)  }
0x415: {  	[tilespmem:s1+$0x15780] =	vst.msk vm4, v6;
	s3 =	sor.u32 s30, s28;
	s8 =	sshll.u32 s6, $0x3;
	s9 =	sadd.s32 s6, s31  }
0x416: {  	[tilespmem:s2+$0x15780] =	vst.msk vm2, v4;
	s10 =	sand.u32 $0x7F, s6;
	s1 =	sand.u32 $0xFFFFFC00, s8;
	s11 =	sshll.u32 s9, $0x3  }
0x417: {  	[tilespmem:s4+$0x15780] =	vst.msk vm0, v3;
	s12 =	sand.u32 $0x7F, s9;
	s7 =	sadd.s32 $0x10, s9;
	s18 =	sadd.s32 $0x20, s9  }
0x418: {  	[tilespmem:s5+$0x15780] =	vst.msk vm1, v2;
	s21 =	sadd.s32 $0x30, s9;
	s6 =	sand.u32 $0xFFFFFC00, s11;
	s1 =	sor.u32 s10, s1  }
0x419: {  	[tilespmem:s3+$0x15780] =	vst.msk vm5, v7;
	s15 =	sshll.u32 s7, $0x3;
	s17 =	sand.u32 $0x7F, s7;
	s20 =	sshll.u32 s18, $0x3  }
0x41a: {  	s22 =	sand.u32 $0x7F, s18;
	s13 =	sor.u32 s12, s6;
	s4 =	sand.u32 $0xFFFFFC00, s15;
	[tilespmem:s1+$0x15780] =	vst.msk vm6, v10  }
0x41b: {  	s23 =	sshll.u32 s21, $0x3;
	s3 =	sand.u32 $0xFFFFFC00, s20;
	s19 =	sor.u32 s17, s4;
	[tilespmem:s13+$0x15780] =	vst v1  }
0x41c: {  	s25 =	sand.u32 $0x7F, s21;
	s26 =	sand.u32 $0xFFFFFC00, s23;
	s24 =	sor.u32 s22, s3;
	[tilespmem:s19+$0x15780] =	vst v1  }
0x41d: {  	s28 =	sor.u32 s25, s26;
	[tilespmem:s24+$0x15780] =	vst v1  }
0x41e: {  	[tilespmem:s28+$0x15780] =	vst v1  }
0x41f: {  	v2 =	vld [tilespmem:$0x15780]  }
0x420: {  	v3 =	vld [tilespmem:$0x15790]  }
0x421: {  	v4 =	vld [tilespmem:$0x157A0]  }
0x422: {  	v5 =	vld [tilespmem:$0x157B0];
	_ =	sdelay $0x1  }
0x423: {  	(xrf1) =	vsort.dscd.msk.f32 $0xffff, v2, v2  }
0x424: {  	(xrf1) =	vsort.dscd.msk.f32 $0xffff, v3, v3  }
0x425: {  	(xrf1) =	vsort.dscd.msk.f32 $0xffff, v4, v4  }
0x426: {  	(xrf1) =	vsort.dscd.msk.f32 $0xffff, v5, v5;
	_ =	sdelay $0xa  }
0x427: {  	v2, _, _ =	vpop (xrf1)  }
0x428: {  	v3, _, _ =	vpop (xrf1)  }
0x429: {  	v4, _, _ =	vpop (xrf1);
	v3 =	vperm.xlane v3, v0  }
0x42a: {  	v5, _, _ =	vpop (xrf1)  }
0x42b: {  	v6 =	vmax.f32 v2, v3;
	v5 =	vperm.xlane v5, v0  }
0x42c: {  	v2 =	vmin.f32 v2, v3;
	(xrf1) =	vsort.dscd.msk.f32 $0xffff, v6, v6  }
0x42d: {  	(xrf1) =	vsort.dscd.msk.f32 $0xffff, v2, v2;
	v2 =	vmax.f32 v4, v5  }
0x42e: {  	(xrf1) =	vsort.dscd.msk.f32 $0xffff, v2, v2;
	v2 =	vmin.f32 v4, v5  }
0x42f: {  	(xrf1) =	vsort.dscd.msk.f32 $0xffff, v2, v2;
	_ =	sdelay $0xa  }
0x430: {  	v2, _, _ =	vpop (xrf1)  }
0x431: {  	v3, _, _ =	vpop (xrf1)  }
0x432: {  	v4, _, _ =	vpop (xrf1)  }
0x433: {  	v5, _, _ =	vpop (xrf1)  }
0x434: {  	v4 =	vperm.xlane v4, v0;
	v5 =	vperm.xlane v5, v0;
	_ =	sdelay $0x1  }
0x435: {  	v7 =	vmax.f32 v3, v4;
	v6 =	vmax.f32 v2, v5  }
0x436: {  	v2 =	vmin.f32 v2, v5;
	v5 =	vmax.f32 v6, v7  }
0x437: {  	v3 =	vmin.f32 v3, v4;
	v4 =	vmin.f32 v6, v7;
	(xrf1) =	vsort.dscd.msk.f32 $0xffff, v5, v5  }
0x438: {  	(xrf1) =	vsort.dscd.msk.f32 $0xffff, v4, v4;
	v4 =	vmax.f32 v2, v3  }
0x439: {  	v2 =	vmin.f32 v2, v3;
	(xrf1) =	vsort.dscd.msk.f32 $0xffff, v4, v4  }
0x43a: {  	(xrf1) =	vsort.dscd.msk.f32 $0xffff, v2, v2;
	_ =	sdelay $0x1  }
0x43b: {  	s0 =	sadd.s32 $0x3F, s9  }
0x43c: {  	s29 =	sand.u32 $0x3F, s0  }
0x43d: {  	s30 =	sshra.s32 s0, $0x1F;
	p1 =	slt.s32 s0, $0x1;
	p2 =	sne.s32 s29, $0x0  }
0x43e: {  	s31 =	sshrl.u32 s30, $0x1A;
	p1 =	por !p1, !p2  }
0x43f: {  	s1 =	simm.s32 $0x1;
	s0 =	sadd.s32 s31, s0;
	p1 =	por !p1, !p1  }
0x440: {  	s0 =	sshra.s32 s0, $0x6;
	s1 =	simm.s32 @!p1 $0x0  }
0x441: {  	s1 =	ssub.s32 s0, s1  }
0x442: {  	p2 =	slt.s32 s1, $0x2  }
.Ltmp25:
0x443: {  	_ = 	snop;
	(pc) =	sbr.rel @p2 .LBB2_28-.Ltmp25, $4  }
0x444: {  	v2, _, _ =	vpop (xrf1)  }
0x445: {  	v3, _, _ =	vpop (xrf1)  }
0x446: {  	v4, _, _ =	vpop (xrf1)  }
0x447: {  	v5, _, _ =	vpop (xrf1)  }
0x448: {  	(xrf0) =	vmin.scan.msk.f32 $0xffff, v5;
	_ =	sdelay $0x5  }
0x449: {  	v6, _, _ =	vpop (xrf0)  }
0x44a: {  	(v2sf) =	vpush v6, $0xF;
	_ =	sdelay $0xa  }
.Ltmp26:
0x44b: {  	_ = 	snop;
	(pc) =	sbr.rel .LBB2_30-.Ltmp26, $4  }
0x44c: {  	s1 =	simm.s32 $0xFFFFFFFF  }
0x44d: {  	s1 =	simm.s32 @!p1 $0x0  }
0x44e: {  	s6 =	simm.s32 $0x40;
	s7 =	simm.s32 $0x3;
	s0 =	sadd.s32 s1, s0  }
0x44f: {  	s1 =	simm.s32 $0x200;
	s0 =	sadd.s32 $0xFFFFFFFF, s0;
	s2 =	spop (v2sf)  }
.LBB2_32:
0x450: {  	s0 =	sadd.s32 $0xFFFFFFFF, s0  }
0x451: {  	p1 =	sne.s32 s0, $0x0  }
.Ltmp27:
0x452: {  	_ = 	snop;
	(pc) =	sbr.rel @!p1 .LBB2_33-.Ltmp27, $2  }
0x453: {  	_ =	sdelay $0x2  }
0x454: {  	s1 =	sadd.s32 $0x200, s1;
	s6 =	sadd.s32 $0x40, s6  }
.LBB2_30:
0x455: {  	s3 =	sand.u32 $0x40, s6;
	s4 =	sand.u32 $0xFFFFFC00, s1  }
0x456: {  	s3 =	sor.u32 s3, s4  }
0x457: {  	v6 =	vld [tilespmem:s3+$0x15780]  }
0x458: {  	v7 =	vld [tilespmem:s3+$0x15790]  }
0x459: {  	v8 =	vld [tilespmem:s3+$0x157A0]  }
0x45a: {  	v9 =	vld [tilespmem:s3+$0x157B0];
	_ =	sdelay $0x4  }
0x45b: {  	v10 =	vmax.f32 v6, v7;
	v11 =	vmax.f32 v8, v9  }
0x45c: {  	v10 =	vmax.f32 v10, v11  }
0x45d: {  	(xrf0) =	vmax.scan.msk.f32 $0xffff, v10;
	_ =	sdelay $0x5  }
0x45e: {  	v10, _, _ =	vpop (xrf0)  }
0x45f: {  	(v2sf) =	vpush v10, $0xF;
	_ =	sdelay $0xe  }
0x460: {  	s31 =	spop (v2sf)  }
0x461: {  	p1 =	sgt.f32 s31, s2  }
.Ltmp28:
0x462: {  	_ = 	snop;
	(pc) =	sbr.rel @!p1 .LBB2_32-.Ltmp28, $1  }
0x463: {  	_ =	sdelay $0x3  }
0x464: {  	(xrf1) =	vsort.dscd.msk.f32 $0xffff, v6, v6  }
0x465: {  	(xrf1) =	vsort.dscd.msk.f32 $0xffff, v7, v7  }
0x466: {  	(xrf1) =	vsort.dscd.msk.f32 $0xffff, v8, v8  }
0x467: {  	(xrf1) =	vsort.dscd.msk.f32 $0xffff, v9, v9;
	_ =	sdelay $0xa  }
0x468: {  	v6, _, _ =	vpop (xrf1)  }
0x469: {  	v7, _, _ =	vpop (xrf1)  }
0x46a: {  	v8, _, _ =	vpop (xrf1);
	v7 =	vperm.xlane v7, v0  }
0x46b: {  	v9, _, _ =	vpop (xrf1)  }
0x46c: {  	v10 =	vmax.f32 v6, v7;
	v9 =	vperm.xlane v9, v0  }
0x46d: {  	v6 =	vmin.f32 v6, v7;
	(xrf1) =	vsort.dscd.msk.f32 $0xffff, v10, v10  }
0x46e: {  	(xrf1) =	vsort.dscd.msk.f32 $0xffff, v6, v6;
	v6 =	vmax.f32 v8, v9  }
0x46f: {  	(xrf1) =	vsort.dscd.msk.f32 $0xffff, v6, v6;
	v6 =	vmin.f32 v8, v9  }
0x470: {  	(xrf1) =	vsort.dscd.msk.f32 $0xffff, v6, v6;
	_ =	sdelay $0xa  }
0x471: {  	v6, _, _ =	vpop (xrf1)  }
0x472: {  	v7, _, _ =	vpop (xrf1)  }
0x473: {  	v57, _, _ =	vpop (xrf1)  }
0x474: {  	v58, _, _ =	vpop (xrf1)  }
0x475: {  	v8 =	vperm.xlane v57, v0;
	v9 =	vperm.xlane v58, v0;
	_ =	sdelay $0x1  }
0x476: {  	v11 =	vmax.f32 v7, v8;
	v59 =	vmax.f32 v6, v9  }
0x477: {  	v7 =	vmin.f32 v7, v8;
	v60 =	vmax.f32 v59, v11  }
0x478: {  	v6 =	vmin.f32 v6, v9;
	v61 =	vmin.f32 v59, v11;
	(xrf1) =	vsort.dscd.msk.f32 $0xffff, v60, v60  }
0x479: {  	v62 =	vmax.f32 v6, v7;
	(xrf1) =	vsort.dscd.msk.f32 $0xffff, v61, v61  }
0x47a: {  	v6 =	vmin.f32 v6, v7;
	(xrf1) =	vsort.dscd.msk.f32 $0xffff, v62, v62  }
0x47b: {  	(xrf1) =	vsort.dscd.msk.f32 $0xffff, v6, v6;
	_ =	sdelay $0xa  }
0x47c: {  	v6, _, _ =	vpop (xrf1)  }
0x47d: {  	v7, _, _ =	vpop (xrf1)  }
0x47e: {  	v8, _, _ =	vpop (xrf1)  }
0x47f: {  	v6 =	vperm.xlane v6, v0;
	v7 =	vperm.xlane v7, v0;
	v63, _, _ =	vpop (xrf1)  }
0x480: {  	v8 =	vperm.xlane v8, v0;
	v9 =	vperm.xlane v63, v0  }
0x481: {  	v5 =	vmax.f32 v5, v6  }
0x482: {  	v4 =	vmax.f32 v4, v7;
	v3 =	vmax.f32 v3, v8;
	v2 =	vmax.f32 v2, v9  }
0x483: {  	v7 =	vmax.f32 v3, v5;
	v6 =	vmax.f32 v2, v4  }
0x484: {  	v2 =	vmin.f32 v2, v4;
	v4 =	vmax.f32 v6, v7  }
0x485: {  	v3 =	vmin.f32 v3, v5;
	(xrf1) =	vsort.dscd.msk.f32 $0xffff, v4, v4;
	v4 =	vmin.f32 v6, v7  }
0x486: {  	(xrf1) =	vsort.dscd.msk.f32 $0xffff, v4, v4;
	v4 =	vmax.f32 v2, v3  }
0x487: {  	v2 =	vmin.f32 v2, v3;
	(xrf1) =	vsort.dscd.msk.f32 $0xffff, v4, v4  }
0x488: {  	(xrf1) =	vsort.dscd.msk.f32 $0xffff, v2, v2;
	_ =	sdelay $0xa  }
0x489: {  	v2, _, _ =	vpop (xrf1)  }
0x48a: {  	v3, _, _ =	vpop (xrf1)  }
0x48b: {  	v4, _, _ =	vpop (xrf1)  }
0x48c: {  	v5, _, _ =	vpop (xrf1)  }
0x48d: {  	(xrf0) =	vmin.scan.msk.f32 $0xffff, v5;
	_ =	sdelay $0x5  }
0x48e: {  	v6, _, _ =	vpop (xrf0)  }
0x48f: {  	(v2sf) =	vpush v6, $0xF;
	_ =	sdelay $0xa  }
.Ltmp29:
0x490: {  	_ = 	snop;
	(pc) =	sbr.rel .LBB2_32-.Ltmp29, $2  }
0x491: {  	_ =	sdelay $0x2  }
0x492: {  	s2 =	spop (v2sf)  }
.LBB2_35:
0x493: {  	_ =	sfence.sel $0x180000  }
0x494: {  	[bflag:$0x0] =	sbarrier.arrive $0xFFFF  }
0x495: {  	_ =	strace $0x90000047  }
0x496: {  	s0 =	stileid.u32;
	[bflag:$0x2] =	sbarrier.arrive $0xFFFF  }
0x497: {  	p0 =	sne.s32 s0, $0x0;
	s0 =	rddreg [dreg:$0x1]  }
0x498: {  	s0 =	sadd.s32 @!p0 $0x100000, s0  }
0x499: {  	[sflag:s0] =	ssyncadd.tile.s32 @!p0 $0x1;
	_ =	shalt  }
.Lfunc_end2:
_tile_overlayer_lowered:
.L_overlay_start_2:
0x49a: {  	(tag) =	ssettag $0x2  }
0x49b: {  	s0 =	rddreg [dreg:$0x0];
	s2 =	stileid.u32  }
0x49c: {  	s1 =	rddreg [dreg:$0x1];
	p0 =	sne.s32 s2, $0x0  }
0x49d: {  	s3 =	rddreg [dreg:$0x2];
	[bflag:$0x3] =	sbarrier.arrive $0xFFFF;
	s2 =	simm.s32 @!p0 $0x1C03  }
0x49e: {  	[timem:s3], [sflag:s2] =	dma.local @!p0 [hbm:s0], s1  }
0x49f: {  	s0 =	simm.s32 @!p0 $0x3  }
0x4a0: {  	_ =	swait.ge @!p0 [sflag:s0], s1  }
0x4a1: {  	s1 =	ssub.s32 @!p0 $0x0, s1;
	[sflag:s0] =	ssyncset.done @!p0 $0x0  }
0x4a2: {  	[sflag:s0] =	ssyncadd.s32 @!p0 s1  }
0x4a3: {  	[bflag:$0x3] =	sbarrier.arrive $0xFFFF  }
0x4a4: {  	_ =	shalt  }

</sc_bundles>
